<compile_context>
chip_gen: v7x
topology: tpu7x:2x2x1
jax: 0.10.2.dev20260603
libtpu: 0.0.44.dev20260713+nightly
codegen_flags: <defaults>
</compile_context>

<pallas_src>
import functools

import jax
import jax.numpy as jnp
import numpy as np
from jax import lax
from jax.experimental import pallas as pl
from jax.experimental.pallas import tpu as pltpu
from jax.experimental.pallas import tpu_sc as plsc

B = 16384
C = 1000
K = 1638

_R = 256
_NBLK = B // _R


def _rows_body(x_ref, y_ref, diff_ref, corr_ref, base_ref):
    x = x_ref[...]
    y = y_ref[...]
    m = jnp.max(x, axis=1, keepdims=True)
    ex = jnp.exp(x - m)
    s = jnp.sum(ex, axis=1, keepdims=True)
    col = lax.broadcasted_iota(jnp.int32, (_R, C), 1)
    is_y = col == y
    ey = jnp.sum(jnp.where(is_y, ex, 0.0), axis=1, keepdims=True)
    e0 = ex[:, 0:1]
    e1 = ex[:, 1:2]
    mask_other = (col >= 1) & jnp.logical_not(is_y)
    ea = jnp.max(jnp.where(mask_other, ex, 0.0), axis=1, keepdims=True)
    is0 = y == 0
    m_spos = jnp.maximum(2.0 * ea, jnp.where(is0, -1e30, 2.0 * ey - s))
    p0 = e0 / s
    mo = m_spos / s
    diff_ref[...] = mo - 2.0 * p0 + jnp.where(is0, 1.0, 0.0)
    pb = jnp.where(is0, e1, ey) / s
    corr_ref[...] = pb - p0
    base_ref[...] = pb - mo


def _stage1(y_pred, y_true):
    y2 = y_true.reshape(B, 1)
    out = jax.ShapeDtypeStruct((B, 1), jnp.float32)
    vec_spec = pl.BlockSpec((_R, 1), lambda i: (i, 0))
    diff, corr, base = pl.pallas_call(
        _rows_body,
        grid=(_NBLK,),
        in_specs=[pl.BlockSpec((_R, C), lambda i: (i, 0)), vec_spec],
        out_specs=[vec_spec, vec_spec, vec_spec],
        out_shape=[out, out, out],
    )(y_pred, y2)
    return diff.reshape(B), corr.reshape(B), base.reshape(B)


_NT = 16
_CHUNK = B // _NT
_VR = _CHUNK // 16
_SIGN = np.int32(-2147483648)
_LOW31 = np.int32(0x7FFFFFFF)


def _sc_body(diff_hbm, corr_hbm, base_hbm, y_hbm, out_hbm,
             dv, cv, bv, yv, uv, hist, allh, allscal, misc,
             sh_hist, sh_scal):
    cid = lax.axis_index("c")
    sid = lax.axis_index("s")

    @pl.when(cid == 0)
    def _work():
        off = sid * _CHUNK
        pltpu.sync_copy(diff_hbm.at[pl.ds(off, _CHUNK)], dv)
        pltpu.sync_copy(corr_hbm.at[pl.ds(off, _CHUNK)], cv)
        pltpu.sync_copy(base_hbm.at[pl.ds(off, _CHUNK)], bv)
        pltpu.sync_copy(y_hbm.at[pl.ds(off, _CHUNK)], yv)

        lane = lax.iota(jnp.int32, 16)

        def keys_body(i, carry):
            bsum, c0 = carry
            d = dv[pl.ds(i * 16, 16)]
            b = lax.bitcast_convert_type(d, jnp.int32)
            s = jnp.where(b < 0, b ^ _LOW31, b)
            uv[pl.ds(i * 16, 16)] = s ^ _SIGN
            bsum = bsum + jnp.sum(bv[pl.ds(i * 16, 16)])
            f = (yv[pl.ds(i * 16, 16)] == 0).astype(jnp.int32)
            return bsum + 0.0, c0 + jnp.sum(f)

        bsum, c0 = lax.fori_loop(0, _VR, keys_body,
                                 (jnp.float32(0.0), jnp.int32(0)))

        misc[pl.ds(0, 16)] = jnp.full((16,), c0.astype(jnp.float32))
        pltpu.sync_copy(misc.at[pl.ds(0, 16)], sh_scal.at[pl.ds(sid * 16, 16)])
        plsc.subcore_barrier()
        pltpu.sync_copy(sh_scal, allscal)
        plsc.subcore_barrier()

        def c0scan(t, carry):
            myb, tot = carry
            v = allscal[pl.ds(t * 16, 16)]
            cnt = jnp.sum(jnp.where(lane == 0, v, 0.0)).astype(jnp.int32)
            myb = jnp.where(t < sid, myb + cnt, myb)
            return myb, tot + cnt

        rank0_base, n0 = lax.fori_loop(0, _NT, c0scan,
                                       (jnp.int32(0), jnp.int32(0)))

        ones = jnp.ones((16,), jnp.int32)

        def one_pass(shift, prefix, kprime):
            for j in range(16):
                hist[pl.ds(j * 16, 16)] = jnp.zeros((16,), jnp.int32)

            def hbody(i, _):
                u = uv[pl.ds(i * 16, 16)]
                byte = lax.shift_right_logical(u, shift) & 255
                if shift == 24:
                    match = jnp.full((16,), True)
                else:
                    high = lax.shift_right_logical(u, shift + 8)
                    match = high == prefix
                plsc.addupdate_scatter(hist, [byte], ones, mask=match)
                return 0

            lax.fori_loop(0, _VR, hbody, 0)

            pltpu.sync_copy(hist, sh_hist.at[pl.ds(sid * 256, 256)])
            plsc.subcore_barrier()
            pltpu.sync_copy(sh_hist, allh)
            plsc.subcore_barrier()

            def comb(j, _):
                def inner(t, acc):
                    return acc + allh[pl.ds(t * 256 + j * 16, 16)]
                acc = lax.fori_loop(0, _NT, inner, jnp.zeros((16,), jnp.int32))
                hist[pl.ds(j * 16, 16)] = acc
                return 0

            lax.fori_loop(0, 16, comb, 0)

            def pick(j, carry):
                tot, bin_ = carry
                h = hist[pl.ds(j * 16, 16)]
                cum = tot + plsc.cumsum(h)
                cand = jnp.where(cum >= kprime, j * 16 + lane, 1000)
                bin_ = jnp.minimum(bin_, jnp.min(cand))
                return tot + jnp.sum(h), bin_

            _, bin_ = lax.fori_loop(0, 16, pick, (jnp.int32(0), jnp.int32(1000)))

            def cexc(j, acc):
                h = hist[pl.ds(j * 16, 16)]
                gbin = j * 16 + lane
                return acc + jnp.sum(jnp.where(gbin < bin_, h, 0))

            ce = lax.fori_loop(0, 16, cexc, jnp.int32(0))
            return (prefix << 8) | bin_, kprime - ce

        prefix = jnp.int32(0)
        kprime = jnp.int32(K)
        for shift in (24, 16, 8, 0):
            prefix, kprime = one_pass(shift, prefix, kprime)

        t_u = prefix
        t_s = t_u ^ _SIGN

        def fbody(i, carry):
            cnt, slt, csum, c0run = carry
            u = uv[pl.ds(i * 16, 16)]
            s = u ^ _SIGN
            lt = s < t_s
            cnt = cnt + jnp.sum(lt.astype(jnp.int32))
            slt = slt + jnp.sum(jnp.where(lt, dv[pl.ds(i * 16, 16)], 0.0))
            f = (yv[pl.ds(i * 16, 16)] == 0).astype(jnp.int32)
            cs = plsc.cumsum(f)
            rank0 = rank0_base + c0run + (cs - f)
            gidx = off + i * 16 + lane
            pos = jnp.where(f == 1, rank0, n0 + (gidx - rank0))
            csum = csum + jnp.sum(jnp.where(pos < K, cv[pl.ds(i * 16, 16)], 0.0))
            return cnt, slt, csum, c0run + jnp.sum(f)

        cnt, slt, csum, _ = lax.fori_loop(
            0, _VR, fbody,
            (jnp.int32(0), jnp.float32(0.0), jnp.float32(0.0), jnp.int32(0)))

        part = jnp.where(lane == 0, bsum,
               jnp.where(lane == 1, csum,
               jnp.where(lane == 2, slt, cnt.astype(jnp.float32))))
        part = jnp.where(lane < 4, part, 0.0)
        misc[pl.ds(0, 16)] = part
        pltpu.sync_copy(misc.at[pl.ds(0, 16)], sh_scal.at[pl.ds(sid * 16, 16)])
        plsc.subcore_barrier()

        @pl.when(sid == 0)
        def _finish():
            pltpu.sync_copy(sh_scal, allscal)

            def acc_body(t, acc):
                return acc + allscal[pl.ds(t * 16, 16)]

            acc = lax.fori_loop(0, _NT, acc_body, jnp.zeros((16,), jnp.float32))
            tvec = jnp.full((16,), t_s)
            bvec = jnp.where(tvec < 0, tvec ^ _LOW31, tvec)
            tfvec = lax.bitcast_convert_type(bvec, jnp.float32)
            bsum_g = acc[0]
            csum_g = acc[1]
            slt_g = acc[2]
            cnt_g = acc[3]
            tval = tfvec[0]
            loss = (bsum_g + slt_g
                    + (jnp.float32(K) - cnt_g) * tval - csum_g) * np.float32(1.0 / B)
            misc[pl.ds(0, 16)] = jnp.full((16,), loss)
            pltpu.sync_copy(misc.at[pl.ds(0, 16)], out_hbm)

    del _work


@functools.cache
def _sc_call():
    mesh = plsc.VectorSubcoreMesh(
        core_axis_name="c", subcore_axis_name="s",
        num_cores=plsc.get_sparse_core_info().num_cores)
    return functools.partial(
        pl.kernel,
        mesh=mesh,
        compiler_params=pltpu.CompilerParams(needs_layout_passes=False),
        out_type=jax.ShapeDtypeStruct((16,), jnp.float32),
        scratch_types=[
            pltpu.VMEM((_CHUNK,), jnp.float32),
            pltpu.VMEM((_CHUNK,), jnp.float32),
            pltpu.VMEM((_CHUNK,), jnp.float32),
            pltpu.VMEM((_CHUNK,), jnp.int32),
            pltpu.VMEM((_CHUNK,), jnp.int32),
            pltpu.VMEM((256,), jnp.int32),
            pltpu.VMEM((_NT * 256,), jnp.int32),
            pltpu.VMEM((_NT * 16,), jnp.float32),
            pltpu.VMEM((32,), jnp.float32),
            pltpu.VMEM_SHARED((_NT * 256,), jnp.int32),
            pltpu.VMEM_SHARED((_NT * 16,), jnp.float32),
        ],
    )(_sc_body)


def kernel(y_pred, y_true):
    diff, corr, base = _stage1(y_pred, y_true)
    out = _sc_call()(diff, corr, base, y_true)
    return out[0]

# --- scband reference (transcript-rebuilt; emitter-appended) ---
"""Pipeline reference for scband-spo-plus-loss-43301860278391 (READ-ONLY COPY).

The authoritative reference and input builder live on the scoring server;
editing this copy changes nothing except your own understanding.
"""

import jax, jax.numpy as jnp
import numpy as np

CIDX = 0
RATIO = 0.1
NUM_CLASSES = 1000
BATCH = 16384


def _solve_exact_k(costs, cidx, k):
    B, C = costs.shape
    cost_k = costs[:, cidx]
    costs_other = costs.at[:, cidx].set(jnp.inf)
    best_other_cost = jnp.min(costs_other, axis=1)
    best_other_class = jnp.argmin(costs_other, axis=1)
    k = max(0, min(int(k), B))
    if k <= 0:
        chosen = jnp.zeros((B,), dtype=bool)
    elif k >= B:
        chosen = jnp.ones((B,), dtype=bool)
    else:
        diff = cost_k - best_other_cost
        _, idx = jax.lax.top_k(-diff, k)  # k smallest diffs
        chosen = jnp.zeros((B,), dtype=bool).at[idx].set(True)
    onehot_k = jax.nn.one_hot(jnp.full((B,), cidx, dtype=jnp.int32), C, dtype=costs.dtype)
    onehot_other = jax.nn.one_hot(best_other_class, C, dtype=costs.dtype)
    decisions = jnp.where(chosen[:, None], onehot_k, onehot_other)
    return jax.lax.stop_gradient(decisions)


def setup_inputs(seed: int = 0):
    key = jax.random.key(seed)
    k1, k2 = jax.random.split(key)
    y_pred = jax.random.normal(k1, (BATCH, NUM_CLASSES), dtype=jnp.float32)
    y_true = jax.random.randint(k2, (BATCH,), 0, NUM_CLASSES, dtype=jnp.int32)
    return {"y_pred": y_pred, "y_true": y_true}


def reference(y_pred, y_true):
    y_pred = jax.nn.softmax(y_pred, axis=1)
    y_true_oh = jax.nn.one_hot(y_true, y_pred.shape[1], dtype=jnp.float32)
    true_cost = 1.0 - y_true_oh
    pred_cost = 1.0 - y_pred
    B = y_pred.shape[0]
    k = int(round(RATIO * B))
    z_true = _solve_exact_k(true_cost, CIDX, k)
    z_spo = _solve_exact_k(2.0 * pred_cost - true_cost, CIDX, k)
    loss = ((2.0 * pred_cost - true_cost) * z_spo - pred_cost * z_true).sum(axis=1).mean()
    return loss

if __name__ == "__main__":
    import jax
    _d = setup_inputs()
    print(jax.jit(kernel)(*tuple(_d.values())))

</pallas_src>

<mosaic_0001>
#map = affine_map<(d0, d1) -> (0)>
module attributes {stable_mosaic.version = 14 : i64} {
  func.func @_sc_body(%arg0: i32, %arg1: i32, %arg2: memref<16384xf32, #tpu.memory_space<hbm>>, %arg3: memref<16384xf32, #tpu.memory_space<hbm>>, %arg4: memref<16384xf32, #tpu.memory_space<hbm>>, %arg5: memref<16384xi32, #tpu.memory_space<hbm>>, %arg6: memref<16xf32, #tpu.memory_space<hbm>>, %arg7: memref<1024xf32, #tpu.memory_space<vmem>>, %arg8: memref<1024xf32, #tpu.memory_space<vmem>>, %arg9: memref<1024xf32, #tpu.memory_space<vmem>>, %arg10: memref<1024xi32, #tpu.memory_space<vmem>>, %arg11: memref<1024xi32, #tpu.memory_space<vmem>>, %arg12: memref<256xi32, #tpu.memory_space<vmem>>, %arg13: memref<4096xi32, #tpu.memory_space<vmem>>, %arg14: memref<256xf32, #tpu.memory_space<vmem>>, %arg15: memref<32xf32, #tpu.memory_space<vmem>>, %arg16: memref<4096xi32, #tpu.memory_space<vmem_shared>>, %arg17: memref<256xf32, #tpu.memory_space<vmem_shared>>) attributes {dimension_semantics = [#tpu.dimension_semantics<core_parallel>, #tpu.dimension_semantics<subcore_parallel>], iteration_bounds = array<i64: 2, 16>, scalar_prefetch = 0 : i64, scratch_operands = 11 : i64, tpu.core_type = #tpu.core_type<sc_vector_subcore>, window_params = [{transform_indices = #map}, {transform_indices = #map}, {transform_indices = #map}, {transform_indices = #map}, {transform_indices = #map}]} {
    %eq3A = arith.constant 0 : i32
    %eq3A_0 = arith.cmpi eq, %arg0, %eq3A : i32
    %convert_element_type3A = arith.extui %eq3A_0 : i1 to i32
    %cond3A = arith.constant 0 : i32
    %cond3A_1 = arith.cmpi ne, %convert_element_type3A, %cond3A : i32
    scf.if %cond3A_1 {
      %mul3A = arith.constant 1024 : i32
      %mul3A_2 = arith.muli %arg1, %mul3A : i32
      "tpu.region"() ({
        %run_scoped3A = tpu.sem_alloc : memref<!tpu.dma_semaphore, #tpu.memory_space<semaphore_mem>>
        %dma_start3A = tpu.memref_slice %arg2[%mul3A_2] : memref<16384xf32, #tpu.memory_space<hbm>> -> memref<1024xf32, #tpu.memory_space<hbm>>
        %dma_start3A_470 = tpu.memref_slice %arg2[%mul3A_2] : memref<16384xf32, #tpu.memory_space<hbm>> -> memref<1024xf32, #tpu.memory_space<hbm>>
        tpu.enqueue_dma source(%dma_start3A_470 : memref<1024xf32, #tpu.memory_space<hbm>>) target(%arg7 : memref<1024xf32, #tpu.memory_space<vmem>>) target_semaphore(%run_scoped3A : memref<!tpu.dma_semaphore, #tpu.memory_space<semaphore_mem>>)
        %dma_wait3A = tpu.memref_slice %arg2[%mul3A_2] : memref<16384xf32, #tpu.memory_space<hbm>> -> memref<1024xf32, #tpu.memory_space<hbm>>
        %dma_wait3A_471 = tpu.memref_slice %arg2[%mul3A_2] : memref<16384xf32, #tpu.memory_space<hbm>> -> memref<1024xf32, #tpu.memory_space<hbm>>
        tpu.wait_dma2 semaphore(%run_scoped3A : memref<!tpu.dma_semaphore, #tpu.memory_space<semaphore_mem>>) src(%dma_wait3A_471 : memref<1024xf32, #tpu.memory_space<hbm>>) dst(%arg7 : memref<1024xf32, #tpu.memory_space<vmem>>)
        tpu.yield
      }) : () -> ()
      "tpu.region"() ({
        %run_scoped3A = tpu.sem_alloc : memref<!tpu.dma_semaphore, #tpu.memory_space<semaphore_mem>>
        %dma_start3A = tpu.memref_slice %arg3[%mul3A_2] : memref<16384xf32, #tpu.memory_space<hbm>> -> memref<1024xf32, #tpu.memory_space<hbm>>
        %dma_start3A_470 = tpu.memref_slice %arg3[%mul3A_2] : memref<16384xf32, #tpu.memory_space<hbm>> -> memref<1024xf32, #tpu.memory_space<hbm>>
        tpu.enqueue_dma source(%dma_start3A_470 : memref<1024xf32, #tpu.memory_space<hbm>>) target(%arg8 : memref<1024xf32, #tpu.memory_space<vmem>>) target_semaphore(%run_scoped3A : memref<!tpu.dma_semaphore, #tpu.memory_space<semaphore_mem>>)
        %dma_wait3A = tpu.memref_slice %arg3[%mul3A_2] : memref<16384xf32, #tpu.memory_space<hbm>> -> memref<1024xf32, #tpu.memory_space<hbm>>
        %dma_wait3A_471 = tpu.memref_slice %arg3[%mul3A_2] : memref<16384xf32, #tpu.memory_space<hbm>> -> memref<1024xf32, #tpu.memory_space<hbm>>
        tpu.wait_dma2 semaphore(%run_scoped3A : memref<!tpu.dma_semaphore, #tpu.memory_space<semaphore_mem>>) src(%dma_wait3A_471 : memref<1024xf32, #tpu.memory_space<hbm>>) dst(%arg8 : memref<1024xf32, #tpu.memory_space<vmem>>)
        tpu.yield
      }) : () -> ()
      "tpu.region"() ({
        %run_scoped3A = tpu.sem_alloc : memref<!tpu.dma_semaphore, #tpu.memory_space<semaphore_mem>>
        %dma_start3A = tpu.memref_slice %arg4[%mul3A_2] : memref<16384xf32, #tpu.memory_space<hbm>> -> memref<1024xf32, #tpu.memory_space<hbm>>
        %dma_start3A_470 = tpu.memref_slice %arg4[%mul3A_2] : memref<16384xf32, #tpu.memory_space<hbm>> -> memref<1024xf32, #tpu.memory_space<hbm>>
        tpu.enqueue_dma source(%dma_start3A_470 : memref<1024xf32, #tpu.memory_space<hbm>>) target(%arg9 : memref<1024xf32, #tpu.memory_space<vmem>>) target_semaphore(%run_scoped3A : memref<!tpu.dma_semaphore, #tpu.memory_space<semaphore_mem>>)
        %dma_wait3A = tpu.memref_slice %arg4[%mul3A_2] : memref<16384xf32, #tpu.memory_space<hbm>> -> memref<1024xf32, #tpu.memory_space<hbm>>
        %dma_wait3A_471 = tpu.memref_slice %arg4[%mul3A_2] : memref<16384xf32, #tpu.memory_space<hbm>> -> memref<1024xf32, #tpu.memory_space<hbm>>
        tpu.wait_dma2 semaphore(%run_scoped3A : memref<!tpu.dma_semaphore, #tpu.memory_space<semaphore_mem>>) src(%dma_wait3A_471 : memref<1024xf32, #tpu.memory_space<hbm>>) dst(%arg9 : memref<1024xf32, #tpu.memory_space<vmem>>)
        tpu.yield
      }) : () -> ()
      "tpu.region"() ({
        %run_scoped3A = tpu.sem_alloc : memref<!tpu.dma_semaphore, #tpu.memory_space<semaphore_mem>>
        %dma_start3A = tpu.memref_slice %arg5[%mul3A_2] : memref<16384xi32, #tpu.memory_space<hbm>> -> memref<1024xi32, #tpu.memory_space<hbm>>
        %dma_start3A_470 = tpu.memref_slice %arg5[%mul3A_2] : memref<16384xi32, #tpu.memory_space<hbm>> -> memref<1024xi32, #tpu.memory_space<hbm>>
        tpu.enqueue_dma source(%dma_start3A_470 : memref<1024xi32, #tpu.memory_space<hbm>>) target(%arg10 : memref<1024xi32, #tpu.memory_space<vmem>>) target_semaphore(%run_scoped3A : memref<!tpu.dma_semaphore, #tpu.memory_space<semaphore_mem>>)
        %dma_wait3A = tpu.memref_slice %arg5[%mul3A_2] : memref<16384xi32, #tpu.memory_space<hbm>> -> memref<1024xi32, #tpu.memory_space<hbm>>
        %dma_wait3A_471 = tpu.memref_slice %arg5[%mul3A_2] : memref<16384xi32, #tpu.memory_space<hbm>> -> memref<1024xi32, #tpu.memory_space<hbm>>
        tpu.wait_dma2 semaphore(%run_scoped3A : memref<!tpu.dma_semaphore, #tpu.memory_space<semaphore_mem>>) src(%dma_wait3A_471 : memref<1024xi32, #tpu.memory_space<hbm>>) dst(%arg10 : memref<1024xi32, #tpu.memory_space<vmem>>)
        tpu.yield
      }) : () -> ()
      %iota3A = tpu.iota {dimensions = array<i32: 0>} : vector<16xi32>
      %scan3A = arith.constant 0.000000e+00 : f32
      %scan3A_3 = arith.constant 0 : i32
      %scan3A_4 = arith.constant 0 : i32
      %scan3A_5 = arith.constant 64 : i32
      %scan3A_6 = arith.addi %scan3A_4, %scan3A_5 : i32
      %scan3A_7 = arith.constant 1 : i32
      %scan3A_8:2 = scf.for %scan3A_470 = %scan3A_4 to %scan3A_6 step %scan3A_7 iter_args(%scan3A_471 = %scan3A, %scan3A_472 = %scan3A_3) -> (f32, i32)  : i32 {
        %mul3A_473 = arith.constant 16 : i32
        %mul3A_474 = arith.muli %scan3A_470, %mul3A_473 : i32
        %get3A = arith.index_cast %mul3A_474 : i32 to index
        %get3A_475 = tpu.vector_load %arg7[%get3A] {strides = array<i32>} : memref<1024xf32, #tpu.memory_space<vmem>>, vector<16xf32>,
        %bitcast_convert_type3A = tpu.bitcast %get3A_475 : vector<16xf32> -> vector<16xi32>
        %lt3A_476 = arith.constant 0 : i32
        %lt3A_477 = vector.broadcast %lt3A_476 : i32 to vector<16xi32>
        %lt3A_478 = arith.cmpi slt, %bitcast_convert_type3A, %lt3A_477 : vector<16xi32>
        %xor3A_479 = arith.constant 2147483647 : i32
        %xor3A_480 = vector.broadcast %xor3A_479 : i32 to vector<16xi32>
        %xor3A_481 = arith.xori %bitcast_convert_type3A, %xor3A_480 : vector<16xi32>
        %select_n3A_482 = arith.select %lt3A_478, %xor3A_481, %bitcast_convert_type3A : vector<16xi1>, vector<16xi32>
        %xor3A_483 = arith.constant -2147483648 : i32
        %xor3A_484 = vector.broadcast %xor3A_483 : i32 to vector<16xi32>
        %xor3A_485 = arith.xori %select_n3A_482, %xor3A_484 : vector<16xi32>
        %mul3A_486 = arith.constant 16 : i32
        %mul3A_487 = arith.muli %scan3A_470, %mul3A_486 : i32
        %swap3A_488 = arith.index_cast %mul3A_487 : i32 to index
        %swap3A_489 = tpu.vector_load %arg11[%swap3A_488] {strides = array<i32>} : memref<1024xi32, #tpu.memory_space<vmem>>, vector<16xi32>,
        tpu.vector_store %arg11[%swap3A_488], %xor3A_485 {strides = array<i32>} : memref<1024xi32, #tpu.memory_space<vmem>>, vector<16xi32>,
        %mul3A_490 = arith.constant 16 : i32
        %mul3A_491 = arith.muli %scan3A_470, %mul3A_490 : i32
        %get3A_492 = arith.index_cast %mul3A_491 : i32 to index
        %get3A_493 = tpu.vector_load %arg9[%get3A_492] {strides = array<i32>} : memref<1024xf32, #tpu.memory_space<vmem>>, vector<16xf32>,
        %reduce_sum3A = arith.constant true
        %reduce_sum3A_494 = vector.broadcast %reduce_sum3A : i1 to vector<16xi1>
        %reduce_sum3A_495 = tpu.scan <sum>, %get3A_493 masked %reduce_sum3A_494 : vector<16xf32>, vector<16xi1> -> vector<16xf32>
        %reduce_sum3A_496 = vector.extract %reduce_sum3A_495[15] : f32 from vector<16xf32>
        %add3A = arith.addf %scan3A_471, %reduce_sum3A_496 : f32
        %mul3A_497 = arith.constant 16 : i32
        %mul3A_498 = arith.muli %scan3A_470, %mul3A_497 : i32
        %get3A_499 = arith.index_cast %mul3A_498 : i32 to index
        %get3A_500 = tpu.vector_load %arg10[%get3A_499] {strides = array<i32>} : memref<1024xi32, #tpu.memory_space<vmem>>, vector<16xi32>,
        %eq3A_501 = arith.constant 0 : i32
        %eq3A_502 = vector.broadcast %eq3A_501 : i32 to vector<16xi32>
        %eq3A_503 = arith.cmpi eq, %get3A_500, %eq3A_502 : vector<16xi32>
        %convert_element_type3A_504 = arith.extui %eq3A_503 : vector<16xi1> to vector<16xi32>
        %add3A_505 = arith.constant 0.000000e+00 : f32
        %add3A_506 = arith.addf %add3A, %add3A_505 : f32
        %reduce_sum3A_507 = arith.constant true
        %reduce_sum3A_508 = vector.broadcast %reduce_sum3A_507 : i1 to vector<16xi1>
        %reduce_sum3A_509 = tpu.scan <sum>, %convert_element_type3A_504 masked %reduce_sum3A_508 : vector<16xi32>, vector<16xi1> -> vector<16xi32>
        %reduce_sum3A_510 = vector.extract %reduce_sum3A_509[15] : i32 from vector<16xi32>
        %add3A_511 = arith.addi %scan3A_472, %reduce_sum3A_510 : i32
        scf.yield %add3A_506, %add3A_511 : f32, i32
      }
      %scan3A_9 = arith.constant 64 : i32
      %convert_element_type3A_10 = arith.sitofp %scan3A_8#1 : i32 to f32
      %broadcast_in_dim3A = vector.broadcast %convert_element_type3A_10 : f32 to vector<16xf32>
      %swap3A = arith.constant 0 : index
      %swap3A_11 = tpu.vector_load %arg15[%swap3A] {strides = array<i32>} : memref<32xf32, #tpu.memory_space<vmem>>, vector<16xf32>,
      tpu.vector_store %arg15[%swap3A], %broadcast_in_dim3A {strides = array<i32>} : memref<32xf32, #tpu.memory_space<vmem>>, vector<16xf32>,
      %mul3A_12 = arith.constant 16 : i32
      %mul3A_13 = arith.muli %arg1, %mul3A_12 : i32
      "tpu.region"() ({
        %run_scoped3A = tpu.sem_alloc : memref<!tpu.dma_semaphore, #tpu.memory_space<semaphore_mem>>
        %dma_start3A = arith.constant 0 : i32
        %dma_start3A_470 = tpu.memref_slice %arg15[%dma_start3A] : memref<32xf32, #tpu.memory_space<vmem>> -> memref<16xf32, #tpu.memory_space<vmem>>
        %dma_start3A_471 = tpu.memref_slice %arg17[%mul3A_13] : memref<256xf32, #tpu.memory_space<vmem_shared>> -> memref<16xf32, #tpu.memory_space<vmem_shared>>
        %dma_start3A_472 = tpu.memref_slice %arg17[%mul3A_13] : memref<256xf32, #tpu.memory_space<vmem_shared>> -> memref<16xf32, #tpu.memory_space<vmem_shared>>
        %dma_start3A_473 = arith.constant 0 : i32
        %dma_start3A_474 = tpu.memref_slice %arg15[%dma_start3A_473] : memref<32xf32, #tpu.memory_space<vmem>> -> memref<16xf32, #tpu.memory_space<vmem>>
        tpu.enqueue_dma source(%dma_start3A_474 : memref<16xf32, #tpu.memory_space<vmem>>) target(%dma_start3A_472 : memref<16xf32, #tpu.memory_space<vmem_shared>>) target_semaphore(%run_scoped3A : memref<!tpu.dma_semaphore, #tpu.memory_space<semaphore_mem>>)
        %dma_wait3A = arith.constant 0 : i32
        %dma_wait3A_475 = tpu.memref_slice %arg15[%dma_wait3A] : memref<32xf32, #tpu.memory_space<vmem>> -> memref<16xf32, #tpu.memory_space<vmem>>
        %dma_wait3A_476 = tpu.memref_slice %arg17[%mul3A_13] : memref<256xf32, #tpu.memory_space<vmem_shared>> -> memref<16xf32, #tpu.memory_space<vmem_shared>>
        %dma_wait3A_477 = tpu.memref_slice %arg17[%mul3A_13] : memref<256xf32, #tpu.memory_space<vmem_shared>> -> memref<16xf32, #tpu.memory_space<vmem_shared>>
        %dma_wait3A_478 = arith.constant 0 : i32
        %dma_wait3A_479 = tpu.memref_slice %arg15[%dma_wait3A_478] : memref<32xf32, #tpu.memory_space<vmem>> -> memref<16xf32, #tpu.memory_space<vmem>>
        tpu.wait_dma2 semaphore(%run_scoped3A : memref<!tpu.dma_semaphore, #tpu.memory_space<semaphore_mem>>) src(%dma_wait3A_479 : memref<16xf32, #tpu.memory_space<vmem>>) dst(%dma_wait3A_477 : memref<16xf32, #tpu.memory_space<vmem_shared>>)
        tpu.yield
      }) : () -> ()
      %barrier3A = arith.constant 0 : index
      tpu.barrier barrier_id(%barrier3A)
      "tpu.region"() ({
        %run_scoped3A = tpu.sem_alloc : memref<!tpu.dma_semaphore, #tpu.memory_space<semaphore_mem>>
        tpu.enqueue_dma source(%arg17 : memref<256xf32, #tpu.memory_space<vmem_shared>>) target(%arg14 : memref<256xf32, #tpu.memory_space<vmem>>) target_semaphore(%run_scoped3A : memref<!tpu.dma_semaphore, #tpu.memory_space<semaphore_mem>>)
        tpu.wait_dma2 semaphore(%run_scoped3A : memref<!tpu.dma_semaphore, #tpu.memory_space<semaphore_mem>>) src(%arg17 : memref<256xf32, #tpu.memory_space<vmem_shared>>) dst(%arg14 : memref<256xf32, #tpu.memory_space<vmem>>)
        tpu.yield
      }) : () -> ()
      %barrier3A_14 = arith.constant 0 : index
      tpu.barrier barrier_id(%barrier3A_14)
      %scan3A_15 = arith.constant 0 : i32
      %scan3A_16 = arith.constant 0 : i32
      %scan3A_17 = arith.constant 0 : i32
      %scan3A_18 = arith.constant 16 : i32
      %scan3A_19 = arith.addi %scan3A_17, %scan3A_18 : i32
      %scan3A_20 = arith.constant 1 : i32
      %scan3A_21:2 = scf.for %scan3A_470 = %scan3A_17 to %scan3A_19 step %scan3A_20 iter_args(%scan3A_471 = %scan3A_15, %scan3A_472 = %scan3A_16) -> (i32, i32)  : i32 {
        %mul3A_473 = arith.constant 16 : i32
        %mul3A_474 = arith.muli %scan3A_470, %mul3A_473 : i32
        %get3A = arith.index_cast %mul3A_474 : i32 to index
        %get3A_475 = tpu.vector_load %arg14[%get3A] {strides = array<i32>} : memref<256xf32, #tpu.memory_space<vmem>>, vector<16xf32>,
        %eq3A_476 = arith.constant 0 : i32
        %eq3A_477 = vector.broadcast %eq3A_476 : i32 to vector<16xi32>
        %eq3A_478 = arith.cmpi eq, %iota3A, %eq3A_477 : vector<16xi32>
        %jit3A_479 = arith.constant 0.000000e+00 : f32
        %broadcast_in_dim3A_480 = vector.broadcast %jit3A_479 : f32 to vector<16xf32>
        %select_n3A_481 = arith.select %eq3A_478, %get3A_475, %broadcast_in_dim3A_480 : vector<16xi1>, vector<16xf32>
        %reduce_sum3A = arith.constant true
        %reduce_sum3A_482 = vector.broadcast %reduce_sum3A : i1 to vector<16xi1>
        %reduce_sum3A_483 = tpu.scan <sum>, %select_n3A_481 masked %reduce_sum3A_482 : vector<16xf32>, vector<16xi1> -> vector<16xf32>
        %reduce_sum3A_484 = vector.extract %reduce_sum3A_483[15] : f32 from vector<16xf32>
        %convert_element_type3A_485 = arith.fptosi %reduce_sum3A_484 : f32 to i32
        %lt3A_486 = arith.cmpi slt, %scan3A_470, %arg1 : i32
        %add3A = arith.addi %scan3A_471, %convert_element_type3A_485 : i32
        %select_n3A_487 = arith.select %lt3A_486, %add3A, %scan3A_471 : i32
        %add3A_488 = arith.addi %scan3A_472, %convert_element_type3A_485 : i32
        scf.yield %select_n3A_487, %add3A_488 : i32, i32
      }
      %scan3A_22 = arith.constant 16 : i32
      %broadcast_in_dim3A_23 = arith.constant 1 : i32
      %broadcast_in_dim3A_24 = vector.broadcast %broadcast_in_dim3A_23 : i32 to vector<16xi32>
      %broadcast_in_dim3A_25 = arith.constant 0 : i32
      %broadcast_in_dim3A_26 = vector.broadcast %broadcast_in_dim3A_25 : i32 to vector<16xi32>
      %swap3A_27 = arith.constant 0 : index
      %swap3A_28 = tpu.vector_load %arg12[%swap3A_27] {strides = array<i32>} : memref<256xi32, #tpu.memory_space<vmem>>, vector<16xi32>,
      tpu.vector_store %arg12[%swap3A_27], %broadcast_in_dim3A_26 {strides = array<i32>} : memref<256xi32, #tpu.memory_space<vmem>>, vector<16xi32>,
      %broadcast_in_dim3A_29 = arith.constant 0 : i32
      %broadcast_in_dim3A_30 = vector.broadcast %broadcast_in_dim3A_29 : i32 to vector<16xi32>
      %swap3A_31 = arith.constant 16 : index
      %swap3A_32 = tpu.vector_load %arg12[%swap3A_31] {strides = array<i32>} : memref<256xi32, #tpu.memory_space<vmem>>, vector<16xi32>,
      tpu.vector_store %arg12[%swap3A_31], %broadcast_in_dim3A_30 {strides = array<i32>} : memref<256xi32, #tpu.memory_space<vmem>>, vector<16xi32>,
      %broadcast_in_dim3A_33 = arith.constant 0 : i32
      %broadcast_in_dim3A_34 = vector.broadcast %broadcast_in_dim3A_33 : i32 to vector<16xi32>
      %swap3A_35 = arith.constant 32 : index
      %swap3A_36 = tpu.vector_load %arg12[%swap3A_35] {strides = array<i32>} : memref<256xi32, #tpu.memory_space<vmem>>, vector<16xi32>,
      tpu.vector_store %arg12[%swap3A_35], %broadcast_in_dim3A_34 {strides = array<i32>} : memref<256xi32, #tpu.memory_space<vmem>>, vector<16xi32>,
      %broadcast_in_dim3A_37 = arith.constant 0 : i32
      %broadcast_in_dim3A_38 = vector.broadcast %broadcast_in_dim3A_37 : i32 to vector<16xi32>
      %swap3A_39 = arith.constant 48 : index
      %swap3A_40 = tpu.vector_load %arg12[%swap3A_39] {strides = array<i32>} : memref<256xi32, #tpu.memory_space<vmem>>, vector<16xi32>,
      tpu.vector_store %arg12[%swap3A_39], %broadcast_in_dim3A_38 {strides = array<i32>} : memref<256xi32, #tpu.memory_space<vmem>>, vector<16xi32>,
      %broadcast_in_dim3A_41 = arith.constant 0 : i32
      %broadcast_in_dim3A_42 = vector.broadcast %broadcast_in_dim3A_41 : i32 to vector<16xi32>
      %swap3A_43 = arith.constant 64 : index
      %swap3A_44 = tpu.vector_load %arg12[%swap3A_43] {strides = array<i32>} : memref<256xi32, #tpu.memory_space<vmem>>, vector<16xi32>,
      tpu.vector_store %arg12[%swap3A_43], %broadcast_in_dim3A_42 {strides = array<i32>} : memref<256xi32, #tpu.memory_space<vmem>>, vector<16xi32>,
      %broadcast_in_dim3A_45 = arith.constant 0 : i32
      %broadcast_in_dim3A_46 = vector.broadcast %broadcast_in_dim3A_45 : i32 to vector<16xi32>
      %swap3A_47 = arith.constant 80 : index
      %swap3A_48 = tpu.vector_load %arg12[%swap3A_47] {strides = array<i32>} : memref<256xi32, #tpu.memory_space<vmem>>, vector<16xi32>,
      tpu.vector_store %arg12[%swap3A_47], %broadcast_in_dim3A_46 {strides = array<i32>} : memref<256xi32, #tpu.memory_space<vmem>>, vector<16xi32>,
      %broadcast_in_dim3A_49 = arith.constant 0 : i32
      %broadcast_in_dim3A_50 = vector.broadcast %broadcast_in_dim3A_49 : i32 to vector<16xi32>
      %swap3A_51 = arith.constant 96 : index
      %swap3A_52 = tpu.vector_load %arg12[%swap3A_51] {strides = array<i32>} : memref<256xi32, #tpu.memory_space<vmem>>, vector<16xi32>,
      tpu.vector_store %arg12[%swap3A_51], %broadcast_in_dim3A_50 {strides = array<i32>} : memref<256xi32, #tpu.memory_space<vmem>>, vector<16xi32>,
      %broadcast_in_dim3A_53 = arith.constant 0 : i32
      %broadcast_in_dim3A_54 = vector.broadcast %broadcast_in_dim3A_53 : i32 to vector<16xi32>
      %swap3A_55 = arith.constant 112 : index
      %swap3A_56 = tpu.vector_load %arg12[%swap3A_55] {strides = array<i32>} : memref<256xi32, #tpu.memory_space<vmem>>, vector<16xi32>,
      tpu.vector_store %arg12[%swap3A_55], %broadcast_in_dim3A_54 {strides = array<i32>} : memref<256xi32, #tpu.memory_space<vmem>>, vector<16xi32>,
      %broadcast_in_dim3A_57 = arith.constant 0 : i32
      %broadcast_in_dim3A_58 = vector.broadcast %broadcast_in_dim3A_57 : i32 to vector<16xi32>
      %swap3A_59 = arith.constant 128 : index
      %swap3A_60 = tpu.vector_load %arg12[%swap3A_59] {strides = array<i32>} : memref<256xi32, #tpu.memory_space<vmem>>, vector<16xi32>,
      tpu.vector_store %arg12[%swap3A_59], %broadcast_in_dim3A_58 {strides = array<i32>} : memref<256xi32, #tpu.memory_space<vmem>>, vector<16xi32>,
      %broadcast_in_dim3A_61 = arith.constant 0 : i32
      %broadcast_in_dim3A_62 = vector.broadcast %broadcast_in_dim3A_61 : i32 to vector<16xi32>
      %swap3A_63 = arith.constant 144 : index
      %swap3A_64 = tpu.vector_load %arg12[%swap3A_63] {strides = array<i32>} : memref<256xi32, #tpu.memory_space<vmem>>, vector<16xi32>,
      tpu.vector_store %arg12[%swap3A_63], %broadcast_in_dim3A_62 {strides = array<i32>} : memref<256xi32, #tpu.memory_space<vmem>>, vector<16xi32>,
      %broadcast_in_dim3A_65 = arith.constant 0 : i32
      %broadcast_in_dim3A_66 = vector.broadcast %broadcast_in_dim3A_65 : i32 to vector<16xi32>
      %swap3A_67 = arith.constant 160 : index
      %swap3A_68 = tpu.vector_load %arg12[%swap3A_67] {strides = array<i32>} : memref<256xi32, #tpu.memory_space<vmem>>, vector<16xi32>,
      tpu.vector_store %arg12[%swap3A_67], %broadcast_in_dim3A_66 {strides = array<i32>} : memref<256xi32, #tpu.memory_space<vmem>>, vector<16xi32>,
      %broadcast_in_dim3A_69 = arith.constant 0 : i32
      %broadcast_in_dim3A_70 = vector.broadcast %broadcast_in_dim3A_69 : i32 to vector<16xi32>
      %swap3A_71 = arith.constant 176 : index
      %swap3A_72 = tpu.vector_load %arg12[%swap3A_71] {strides = array<i32>} : memref<256xi32, #tpu.memory_space<vmem>>, vector<16xi32>,
      tpu.vector_store %arg12[%swap3A_71], %broadcast_in_dim3A_70 {strides = array<i32>} : memref<256xi32, #tpu.memory_space<vmem>>, vector<16xi32>,
      %broadcast_in_dim3A_73 = arith.constant 0 : i32
      %broadcast_in_dim3A_74 = vector.broadcast %broadcast_in_dim3A_73 : i32 to vector<16xi32>
      %swap3A_75 = arith.constant 192 : index
      %swap3A_76 = tpu.vector_load %arg12[%swap3A_75] {strides = array<i32>} : memref<256xi32, #tpu.memory_space<vmem>>, vector<16xi32>,
      tpu.vector_store %arg12[%swap3A_75], %broadcast_in_dim3A_74 {strides = array<i32>} : memref<256xi32, #tpu.memory_space<vmem>>, vector<16xi32>,
      %broadcast_in_dim3A_77 = arith.constant 0 : i32
      %broadcast_in_dim3A_78 = vector.broadcast %broadcast_in_dim3A_77 : i32 to vector<16xi32>
      %swap3A_79 = arith.constant 208 : index
      %swap3A_80 = tpu.vector_load %arg12[%swap3A_79] {strides = array<i32>} : memref<256xi32, #tpu.memory_space<vmem>>, vector<16xi32>,
      tpu.vector_store %arg12[%swap3A_79], %broadcast_in_dim3A_78 {strides = array<i32>} : memref<256xi32, #tpu.memory_space<vmem>>, vector<16xi32>,
      %broadcast_in_dim3A_81 = arith.constant 0 : i32
      %broadcast_in_dim3A_82 = vector.broadcast %broadcast_in_dim3A_81 : i32 to vector<16xi32>
      %swap3A_83 = arith.constant 224 : index
      %swap3A_84 = tpu.vector_load %arg12[%swap3A_83] {strides = array<i32>} : memref<256xi32, #tpu.memory_space<vmem>>, vector<16xi32>,
      tpu.vector_store %arg12[%swap3A_83], %broadcast_in_dim3A_82 {strides = array<i32>} : memref<256xi32, #tpu.memory_space<vmem>>, vector<16xi32>,
      %broadcast_in_dim3A_85 = arith.constant 0 : i32
      %broadcast_in_dim3A_86 = vector.broadcast %broadcast_in_dim3A_85 : i32 to vector<16xi32>
      %swap3A_87 = arith.constant 240 : index
      %swap3A_88 = tpu.vector_load %arg12[%swap3A_87] {strides = array<i32>} : memref<256xi32, #tpu.memory_space<vmem>>, vector<16xi32>,
      tpu.vector_store %arg12[%swap3A_87], %broadcast_in_dim3A_86 {strides = array<i32>} : memref<256xi32, #tpu.memory_space<vmem>>, vector<16xi32>,
      %scan3A_89 = arith.constant 0 : i32
      %scan3A_90 = arith.constant 0 : i32
      %scan3A_91 = arith.constant 64 : i32
      %scan3A_92 = arith.addi %scan3A_90, %scan3A_91 : i32
      %scan3A_93 = arith.constant 1 : i32
      %scan3A_94 = scf.for %scan3A_470 = %scan3A_90 to %scan3A_92 step %scan3A_93 iter_args(%scan3A_471 = %scan3A_89) -> (i32)  : i32 {
        %mul3A_472 = arith.constant 16 : i32
        %mul3A_473 = arith.muli %scan3A_470, %mul3A_472 : i32
        %get3A = arith.index_cast %mul3A_473 : i32 to index
        %get3A_474 = tpu.vector_load %arg11[%get3A] {strides = array<i32>} : memref<1024xi32, #tpu.memory_space<vmem>>, vector<16xi32>,
        %shift_right_logical3A = arith.constant 24 : i32
        %shift_right_logical3A_475 = vector.broadcast %shift_right_logical3A : i32 to vector<16xi32>
        %shift_right_logical3A_476 = arith.shrui %get3A_474, %shift_right_logical3A_475 : vector<16xi32>
        %and3A = arith.constant 255 : i32
        %and3A_477 = vector.broadcast %and3A : i32 to vector<16xi32>
        %and3A_478 = arith.andi %shift_right_logical3A_476, %and3A_477 : vector<16xi32>
        %broadcast_in_dim3A_479 = arith.constant true
        %broadcast_in_dim3A_480 = vector.broadcast %broadcast_in_dim3A_479 : i1 to vector<16xi1>
        tpu.vector_store_idx %arg12[%and3A_478], %broadcast_in_dim3A_24 masked %broadcast_in_dim3A_480 {add = true} : memref<256xi32, #tpu.memory_space<vmem>>[vector<16xi32>], vector<16xi32>, vector<16xi1>
        %scan3A_481 = arith.constant 0 : i32
        scf.yield %scan3A_481 : i32
      }
      %scan3A_95 = arith.constant 64 : i32
      %mul3A_96 = arith.constant 256 : i32
      %mul3A_97 = arith.muli %arg1, %mul3A_96 : i32
      "tpu.region"() ({
        %run_scoped3A = tpu.sem_alloc : memref<!tpu.dma_semaphore, #tpu.memory_space<semaphore_mem>>
        %dma_start3A = tpu.memref_slice %arg16[%mul3A_97] : memref<4096xi32, #tpu.memory_space<vmem_shared>> -> memref<256xi32, #tpu.memory_space<vmem_shared>>
        %dma_start3A_470 = tpu.memref_slice %arg16[%mul3A_97] : memref<4096xi32, #tpu.memory_space<vmem_shared>> -> memref<256xi32, #tpu.memory_space<vmem_shared>>
        tpu.enqueue_dma source(%arg12 : memref<256xi32, #tpu.memory_space<vmem>>) target(%dma_start3A_470 : memref<256xi32, #tpu.memory_space<vmem_shared>>) target_semaphore(%run_scoped3A : memref<!tpu.dma_semaphore, #tpu.memory_space<semaphore_mem>>)
        %dma_wait3A = tpu.memref_slice %arg16[%mul3A_97] : memref<4096xi32, #tpu.memory_space<vmem_shared>> -> memref<256xi32, #tpu.memory_space<vmem_shared>>
        %dma_wait3A_471 = tpu.memref_slice %arg16[%mul3A_97] : memref<4096xi32, #tpu.memory_space<vmem_shared>> -> memref<256xi32, #tpu.memory_space<vmem_shared>>
        tpu.wait_dma2 semaphore(%run_scoped3A : memref<!tpu.dma_semaphore, #tpu.memory_space<semaphore_mem>>) src(%arg12 : memref<256xi32, #tpu.memory_space<vmem>>) dst(%dma_wait3A_471 : memref<256xi32, #tpu.memory_space<vmem_shared>>)
        tpu.yield
      }) : () -> ()
      %barrier3A_98 = arith.constant 0 : index
      tpu.barrier barrier_id(%barrier3A_98)
      "tpu.region"() ({
        %run_scoped3A = tpu.sem_alloc : memref<!tpu.dma_semaphore, #tpu.memory_space<semaphore_mem>>
        tpu.enqueue_dma source(%arg16 : memref<4096xi32, #tpu.memory_space<vmem_shared>>) target(%arg13 : memref<4096xi32, #tpu.memory_space<vmem>>) target_semaphore(%run_scoped3A : memref<!tpu.dma_semaphore, #tpu.memory_space<semaphore_mem>>)
        tpu.wait_dma2 semaphore(%run_scoped3A : memref<!tpu.dma_semaphore, #tpu.memory_space<semaphore_mem>>) src(%arg16 : memref<4096xi32, #tpu.memory_space<vmem_shared>>) dst(%arg13 : memref<4096xi32, #tpu.memory_space<vmem>>)
        tpu.yield
      }) : () -> ()
      %barrier3A_99 = arith.constant 0 : index
      tpu.barrier barrier_id(%barrier3A_99)
      %scan3A_100 = arith.constant 0 : i32
      %scan3A_101 = arith.constant 0 : i32
      %scan3A_102 = arith.constant 16 : i32
      %scan3A_103 = arith.addi %scan3A_101, %scan3A_102 : i32
      %scan3A_104 = arith.constant 1 : i32
      %scan3A_105 = scf.for %scan3A_470 = %scan3A_101 to %scan3A_103 step %scan3A_104 iter_args(%scan3A_471 = %scan3A_100) -> (i32)  : i32 {
        %broadcast_in_dim3A_472 = arith.constant 0 : i32
        %broadcast_in_dim3A_473 = vector.broadcast %broadcast_in_dim3A_472 : i32 to vector<16xi32>
        %scan3A_474 = arith.constant 0 : i32
        %scan3A_475 = arith.constant 16 : i32
        %scan3A_476 = arith.addi %scan3A_474, %scan3A_475 : i32
        %scan3A_477 = arith.constant 1 : i32
        %scan3A_478 = scf.for %scan3A_485 = %scan3A_474 to %scan3A_476 step %scan3A_477 iter_args(%scan3A_486 = %broadcast_in_dim3A_473) -> (vector<16xi32>)  : i32 {
          %mul3A_487 = arith.constant 256 : i32
          %mul3A_488 = arith.muli %scan3A_485, %mul3A_487 : i32
          %mul3A_489 = arith.constant 16 : i32
          %mul3A_490 = arith.muli %scan3A_470, %mul3A_489 : i32
          %add3A = arith.addi %mul3A_488, %mul3A_490 : i32
          %get3A = arith.index_cast %add3A : i32 to index
          %get3A_491 = tpu.vector_load %arg13[%get3A] {strides = array<i32>} : memref<4096xi32, #tpu.memory_space<vmem>>, vector<16xi32>,
          %add3A_492 = arith.addi %scan3A_486, %get3A_491 : vector<16xi32>
          scf.yield %add3A_492 : vector<16xi32>
        }
        %scan3A_479 = arith.constant 16 : i32
        %mul3A_480 = arith.constant 16 : i32
        %mul3A_481 = arith.muli %scan3A_470, %mul3A_480 : i32
        %swap3A_482 = arith.index_cast %mul3A_481 : i32 to index
        %swap3A_483 = tpu.vector_load %arg12[%swap3A_482] {strides = array<i32>} : memref<256xi32, #tpu.memory_space<vmem>>, vector<16xi32>,
        tpu.vector_store %arg12[%swap3A_482], %scan3A_478 {strides = array<i32>} : memref<256xi32, #tpu.memory_space<vmem>>, vector<16xi32>,
        %scan3A_484 = arith.constant 0 : i32
        scf.yield %scan3A_484 : i32
      }
      %scan3A_106 = arith.constant 16 : i32
      %scan3A_107 = arith.constant 1638 : i32
      %scan3A_108 = arith.constant 0 : i32
      %scan3A_109 = arith.constant 1000 : i32
      %scan3A_110 = arith.constant 0 : i32
      %scan3A_111 = arith.constant 16 : i32
      %scan3A_112 = arith.addi %scan3A_110, %scan3A_111 : i32
      %scan3A_113 = arith.constant 1 : i32
      %scan3A_114:2 = scf.for %scan3A_470 = %scan3A_110 to %scan3A_112 step %scan3A_113 iter_args(%scan3A_471 = %scan3A_108, %scan3A_472 = %scan3A_109) -> (i32, i32)  : i32 {
        %mul3A_473 = arith.constant 16 : i32
        %mul3A_474 = arith.muli %scan3A_470, %mul3A_473 : i32
        %get3A = arith.index_cast %mul3A_474 : i32 to index
        %get3A_475 = tpu.vector_load %arg12[%get3A] {strides = array<i32>} : memref<256xi32, #tpu.memory_space<vmem>>, vector<16xi32>,
        %broadcast_in_dim3A_476 = arith.constant true
        %broadcast_in_dim3A_477 = vector.broadcast %broadcast_in_dim3A_476 : i1 to vector<16xi1>
        %masked_cumsum3A = tpu.scan <sum>, %get3A_475 masked %broadcast_in_dim3A_477 : vector<16xi32>, vector<16xi1> -> vector<16xi32>
        %add3A = vector.broadcast %scan3A_471 : i32 to vector<16xi32>
        %add3A_478 = arith.addi %add3A, %masked_cumsum3A : vector<16xi32>
        %ge3A = vector.broadcast %scan3A_107 : i32 to vector<16xi32>
        %ge3A_479 = arith.cmpi sge, %add3A_478, %ge3A : vector<16xi32>
        %mul3A_480 = arith.constant 16 : i32
        %mul3A_481 = arith.muli %scan3A_470, %mul3A_480 : i32
        %add3A_482 = vector.broadcast %mul3A_481 : i32 to vector<16xi32>
        %add3A_483 = arith.addi %add3A_482, %iota3A : vector<16xi32>
        %jit3A_484 = arith.constant 1000 : i32
        %broadcast_in_dim3A_485 = vector.broadcast %jit3A_484 : i32 to vector<16xi32>
        %select_n3A_486 = arith.select %ge3A_479, %add3A_483, %broadcast_in_dim3A_485 : vector<16xi1>, vector<16xi32>
        %reduce_min3A = arith.constant true
        %reduce_min3A_487 = vector.broadcast %reduce_min3A : i1 to vector<16xi1>
        %reduce_min3A_488 = arith.constant -2147483648 : i32
        %reduce_min3A_489 = vector.broadcast %reduce_min3A_488 : i32 to vector<16xi32>
        %reduce_min3A_490 = arith.xori %select_n3A_486, %reduce_min3A_489 : vector<16xi32>
        %reduce_min3A_491 = tpu.scan <min>, %reduce_min3A_490 masked %reduce_min3A_487 : vector<16xi32>, vector<16xi1> -> vector<16xi32>
        %reduce_min3A_492 = arith.xori %reduce_min3A_491, %reduce_min3A_489 : vector<16xi32>
        %reduce_min3A_493 = vector.extract %reduce_min3A_492[15] : i32 from vector<16xi32>
        %min3A = arith.minsi %scan3A_472, %reduce_min3A_493 : i32
        %reduce_sum3A = arith.constant true
        %reduce_sum3A_494 = vector.broadcast %reduce_sum3A : i1 to vector<16xi1>
        %reduce_sum3A_495 = tpu.scan <sum>, %get3A_475 masked %reduce_sum3A_494 : vector<16xi32>, vector<16xi1> -> vector<16xi32>
        %reduce_sum3A_496 = vector.extract %reduce_sum3A_495[15] : i32 from vector<16xi32>
        %add3A_497 = arith.addi %scan3A_471, %reduce_sum3A_496 : i32
        scf.yield %add3A_497, %min3A : i32, i32
      }
      %scan3A_115 = arith.constant 16 : i32
      %scan3A_116 = arith.constant 0 : i32
      %scan3A_117 = arith.constant 0 : i32
      %scan3A_118 = arith.constant 16 : i32
      %scan3A_119 = arith.addi %scan3A_117, %scan3A_118 : i32
      %scan3A_120 = arith.constant 1 : i32
      %scan3A_121 = scf.for %scan3A_470 = %scan3A_117 to %scan3A_119 step %scan3A_120 iter_args(%scan3A_471 = %scan3A_116) -> (i32)  : i32 {
        %mul3A_472 = arith.constant 16 : i32
        %mul3A_473 = arith.muli %scan3A_470, %mul3A_472 : i32
        %get3A = arith.index_cast %mul3A_473 : i32 to index
        %get3A_474 = tpu.vector_load %arg12[%get3A] {strides = array<i32>} : memref<256xi32, #tpu.memory_space<vmem>>, vector<16xi32>,
        %mul3A_475 = arith.constant 16 : i32
        %mul3A_476 = arith.muli %scan3A_470, %mul3A_475 : i32
        %add3A = vector.broadcast %mul3A_476 : i32 to vector<16xi32>
        %add3A_477 = arith.addi %add3A, %iota3A : vector<16xi32>
        %lt3A_478 = vector.broadcast %scan3A_114#1 : i32 to vector<16xi32>
        %lt3A_479 = arith.cmpi slt, %add3A_477, %lt3A_478 : vector<16xi32>
        %jit3A_480 = arith.constant 0 : i32
        %broadcast_in_dim3A_481 = vector.broadcast %jit3A_480 : i32 to vector<16xi32>
        %select_n3A_482 = arith.select %lt3A_479, %get3A_474, %broadcast_in_dim3A_481 : vector<16xi1>, vector<16xi32>
        %reduce_sum3A = arith.constant true
        %reduce_sum3A_483 = vector.broadcast %reduce_sum3A : i1 to vector<16xi1>
        %reduce_sum3A_484 = tpu.scan <sum>, %select_n3A_482 masked %reduce_sum3A_483 : vector<16xi32>, vector<16xi1> -> vector<16xi32>
        %reduce_sum3A_485 = vector.extract %reduce_sum3A_484[15] : i32 from vector<16xi32>
        %add3A_486 = arith.addi %scan3A_471, %reduce_sum3A_485 : i32
        scf.yield %add3A_486 : i32
      }
      %scan3A_122 = arith.constant 16 : i32
      %shift_left3A = arith.constant 0 : i32
      %shift_left3A_123 = arith.constant 8 : i32
      %shift_left3A_124 = arith.shli %shift_left3A, %shift_left3A_123 : i32
      %or3A = arith.ori %shift_left3A_124, %scan3A_114#1 : i32
      %sub3A = arith.constant 1638 : i32
      %sub3A_125 = arith.subi %sub3A, %scan3A_121 : i32
      %broadcast_in_dim3A_126 = arith.constant 0 : i32
      %broadcast_in_dim3A_127 = vector.broadcast %broadcast_in_dim3A_126 : i32 to vector<16xi32>
      %swap3A_128 = arith.constant 0 : index
      %swap3A_129 = tpu.vector_load %arg12[%swap3A_128] {strides = array<i32>} : memref<256xi32, #tpu.memory_space<vmem>>, vector<16xi32>,
      tpu.vector_store %arg12[%swap3A_128], %broadcast_in_dim3A_127 {strides = array<i32>} : memref<256xi32, #tpu.memory_space<vmem>>, vector<16xi32>,
      %broadcast_in_dim3A_130 = arith.constant 0 : i32
      %broadcast_in_dim3A_131 = vector.broadcast %broadcast_in_dim3A_130 : i32 to vector<16xi32>
      %swap3A_132 = arith.constant 16 : index
      %swap3A_133 = tpu.vector_load %arg12[%swap3A_132] {strides = array<i32>} : memref<256xi32, #tpu.memory_space<vmem>>, vector<16xi32>,
      tpu.vector_store %arg12[%swap3A_132], %broadcast_in_dim3A_131 {strides = array<i32>} : memref<256xi32, #tpu.memory_space<vmem>>, vector<16xi32>,
      %broadcast_in_dim3A_134 = arith.constant 0 : i32
      %broadcast_in_dim3A_135 = vector.broadcast %broadcast_in_dim3A_134 : i32 to vector<16xi32>
      %swap3A_136 = arith.constant 32 : index
      %swap3A_137 = tpu.vector_load %arg12[%swap3A_136] {strides = array<i32>} : memref<256xi32, #tpu.memory_space<vmem>>, vector<16xi32>,
      tpu.vector_store %arg12[%swap3A_136], %broadcast_in_dim3A_135 {strides = array<i32>} : memref<256xi32, #tpu.memory_space<vmem>>, vector<16xi32>,
      %broadcast_in_dim3A_138 = arith.constant 0 : i32
      %broadcast_in_dim3A_139 = vector.broadcast %broadcast_in_dim3A_138 : i32 to vector<16xi32>
      %swap3A_140 = arith.constant 48 : index
      %swap3A_141 = tpu.vector_load %arg12[%swap3A_140] {strides = array<i32>} : memref<256xi32, #tpu.memory_space<vmem>>, vector<16xi32>,
      tpu.vector_store %arg12[%swap3A_140], %broadcast_in_dim3A_139 {strides = array<i32>} : memref<256xi32, #tpu.memory_space<vmem>>, vector<16xi32>,
      %broadcast_in_dim3A_142 = arith.constant 0 : i32
      %broadcast_in_dim3A_143 = vector.broadcast %broadcast_in_dim3A_142 : i32 to vector<16xi32>
      %swap3A_144 = arith.constant 64 : index
      %swap3A_145 = tpu.vector_load %arg12[%swap3A_144] {strides = array<i32>} : memref<256xi32, #tpu.memory_space<vmem>>, vector<16xi32>,
      tpu.vector_store %arg12[%swap3A_144], %broadcast_in_dim3A_143 {strides = array<i32>} : memref<256xi32, #tpu.memory_space<vmem>>, vector<16xi32>,
      %broadcast_in_dim3A_146 = arith.constant 0 : i32
      %broadcast_in_dim3A_147 = vector.broadcast %broadcast_in_dim3A_146 : i32 to vector<16xi32>
      %swap3A_148 = arith.constant 80 : index
      %swap3A_149 = tpu.vector_load %arg12[%swap3A_148] {strides = array<i32>} : memref<256xi32, #tpu.memory_space<vmem>>, vector<16xi32>,
      tpu.vector_store %arg12[%swap3A_148], %broadcast_in_dim3A_147 {strides = array<i32>} : memref<256xi32, #tpu.memory_space<vmem>>, vector<16xi32>,
      %broadcast_in_dim3A_150 = arith.constant 0 : i32
      %broadcast_in_dim3A_151 = vector.broadcast %broadcast_in_dim3A_150 : i32 to vector<16xi32>
      %swap3A_152 = arith.constant 96 : index
      %swap3A_153 = tpu.vector_load %arg12[%swap3A_152] {strides = array<i32>} : memref<256xi32, #tpu.memory_space<vmem>>, vector<16xi32>,
      tpu.vector_store %arg12[%swap3A_152], %broadcast_in_dim3A_151 {strides = array<i32>} : memref<256xi32, #tpu.memory_space<vmem>>, vector<16xi32>,
      %broadcast_in_dim3A_154 = arith.constant 0 : i32
      %broadcast_in_dim3A_155 = vector.broadcast %broadcast_in_dim3A_154 : i32 to vector<16xi32>
      %swap3A_156 = arith.constant 112 : index
      %swap3A_157 = tpu.vector_load %arg12[%swap3A_156] {strides = array<i32>} : memref<256xi32, #tpu.memory_space<vmem>>, vector<16xi32>,
      tpu.vector_store %arg12[%swap3A_156], %broadcast_in_dim3A_155 {strides = array<i32>} : memref<256xi32, #tpu.memory_space<vmem>>, vector<16xi32>,
      %broadcast_in_dim3A_158 = arith.constant 0 : i32
      %broadcast_in_dim3A_159 = vector.broadcast %broadcast_in_dim3A_158 : i32 to vector<16xi32>
      %swap3A_160 = arith.constant 128 : index
      %swap3A_161 = tpu.vector_load %arg12[%swap3A_160] {strides = array<i32>} : memref<256xi32, #tpu.memory_space<vmem>>, vector<16xi32>,
      tpu.vector_store %arg12[%swap3A_160], %broadcast_in_dim3A_159 {strides = array<i32>} : memref<256xi32, #tpu.memory_space<vmem>>, vector<16xi32>,
      %broadcast_in_dim3A_162 = arith.constant 0 : i32
      %broadcast_in_dim3A_163 = vector.broadcast %broadcast_in_dim3A_162 : i32 to vector<16xi32>
      %swap3A_164 = arith.constant 144 : index
      %swap3A_165 = tpu.vector_load %arg12[%swap3A_164] {strides = array<i32>} : memref<256xi32, #tpu.memory_space<vmem>>, vector<16xi32>,
      tpu.vector_store %arg12[%swap3A_164], %broadcast_in_dim3A_163 {strides = array<i32>} : memref<256xi32, #tpu.memory_space<vmem>>, vector<16xi32>,
      %broadcast_in_dim3A_166 = arith.constant 0 : i32
      %broadcast_in_dim3A_167 = vector.broadcast %broadcast_in_dim3A_166 : i32 to vector<16xi32>
      %swap3A_168 = arith.constant 160 : index
      %swap3A_169 = tpu.vector_load %arg12[%swap3A_168] {strides = array<i32>} : memref<256xi32, #tpu.memory_space<vmem>>, vector<16xi32>,
      tpu.vector_store %arg12[%swap3A_168], %broadcast_in_dim3A_167 {strides = array<i32>} : memref<256xi32, #tpu.memory_space<vmem>>, vector<16xi32>,
      %broadcast_in_dim3A_170 = arith.constant 0 : i32
      %broadcast_in_dim3A_171 = vector.broadcast %broadcast_in_dim3A_170 : i32 to vector<16xi32>
      %swap3A_172 = arith.constant 176 : index
      %swap3A_173 = tpu.vector_load %arg12[%swap3A_172] {strides = array<i32>} : memref<256xi32, #tpu.memory_space<vmem>>, vector<16xi32>,
      tpu.vector_store %arg12[%swap3A_172], %broadcast_in_dim3A_171 {strides = array<i32>} : memref<256xi32, #tpu.memory_space<vmem>>, vector<16xi32>,
      %broadcast_in_dim3A_174 = arith.constant 0 : i32
      %broadcast_in_dim3A_175 = vector.broadcast %broadcast_in_dim3A_174 : i32 to vector<16xi32>
      %swap3A_176 = arith.constant 192 : index
      %swap3A_177 = tpu.vector_load %arg12[%swap3A_176] {strides = array<i32>} : memref<256xi32, #tpu.memory_space<vmem>>, vector<16xi32>,
      tpu.vector_store %arg12[%swap3A_176], %broadcast_in_dim3A_175 {strides = array<i32>} : memref<256xi32, #tpu.memory_space<vmem>>, vector<16xi32>,
      %broadcast_in_dim3A_178 = arith.constant 0 : i32
      %broadcast_in_dim3A_179 = vector.broadcast %broadcast_in_dim3A_178 : i32 to vector<16xi32>
      %swap3A_180 = arith.constant 208 : index
      %swap3A_181 = tpu.vector_load %arg12[%swap3A_180] {strides = array<i32>} : memref<256xi32, #tpu.memory_space<vmem>>, vector<16xi32>,
      tpu.vector_store %arg12[%swap3A_180], %broadcast_in_dim3A_179 {strides = array<i32>} : memref<256xi32, #tpu.memory_space<vmem>>, vector<16xi32>,
      %broadcast_in_dim3A_182 = arith.constant 0 : i32
      %broadcast_in_dim3A_183 = vector.broadcast %broadcast_in_dim3A_182 : i32 to vector<16xi32>
      %swap3A_184 = arith.constant 224 : index
      %swap3A_185 = tpu.vector_load %arg12[%swap3A_184] {strides = array<i32>} : memref<256xi32, #tpu.memory_space<vmem>>, vector<16xi32>,
      tpu.vector_store %arg12[%swap3A_184], %broadcast_in_dim3A_183 {strides = array<i32>} : memref<256xi32, #tpu.memory_space<vmem>>, vector<16xi32>,
      %broadcast_in_dim3A_186 = arith.constant 0 : i32
      %broadcast_in_dim3A_187 = vector.broadcast %broadcast_in_dim3A_186 : i32 to vector<16xi32>
      %swap3A_188 = arith.constant 240 : index
      %swap3A_189 = tpu.vector_load %arg12[%swap3A_188] {strides = array<i32>} : memref<256xi32, #tpu.memory_space<vmem>>, vector<16xi32>,
      tpu.vector_store %arg12[%swap3A_188], %broadcast_in_dim3A_187 {strides = array<i32>} : memref<256xi32, #tpu.memory_space<vmem>>, vector<16xi32>,
      %scan3A_190 = arith.constant 0 : i32
      %scan3A_191 = arith.constant 0 : i32
      %scan3A_192 = arith.constant 64 : i32
      %scan3A_193 = arith.addi %scan3A_191, %scan3A_192 : i32
      %scan3A_194 = arith.constant 1 : i32
      %scan3A_195 = scf.for %scan3A_470 = %scan3A_191 to %scan3A_193 step %scan3A_194 iter_args(%scan3A_471 = %scan3A_190) -> (i32)  : i32 {
        %mul3A_472 = arith.constant 16 : i32
        %mul3A_473 = arith.muli %scan3A_470, %mul3A_472 : i32
        %get3A = arith.index_cast %mul3A_473 : i32 to index
        %get3A_474 = tpu.vector_load %arg11[%get3A] {strides = array<i32>} : memref<1024xi32, #tpu.memory_space<vmem>>, vector<16xi32>,
        %shift_right_logical3A = arith.constant 16 : i32
        %shift_right_logical3A_475 = vector.broadcast %shift_right_logical3A : i32 to vector<16xi32>
        %shift_right_logical3A_476 = arith.shrui %get3A_474, %shift_right_logical3A_475 : vector<16xi32>
        %and3A = arith.constant 255 : i32
        %and3A_477 = vector.broadcast %and3A : i32 to vector<16xi32>
        %and3A_478 = arith.andi %shift_right_logical3A_476, %and3A_477 : vector<16xi32>
        %shift_right_logical3A_479 = arith.constant 24 : i32
        %shift_right_logical3A_480 = vector.broadcast %shift_right_logical3A_479 : i32 to vector<16xi32>
        %shift_right_logical3A_481 = arith.shrui %get3A_474, %shift_right_logical3A_480 : vector<16xi32>
        %eq3A_482 = vector.broadcast %or3A : i32 to vector<16xi32>
        %eq3A_483 = arith.cmpi eq, %shift_right_logical3A_481, %eq3A_482 : vector<16xi32>
        tpu.vector_store_idx %arg12[%and3A_478], %broadcast_in_dim3A_24 masked %eq3A_483 {add = true} : memref<256xi32, #tpu.memory_space<vmem>>[vector<16xi32>], vector<16xi32>, vector<16xi1>
        %scan3A_484 = arith.constant 0 : i32
        scf.yield %scan3A_484 : i32
      }
      %scan3A_196 = arith.constant 64 : i32
      %mul3A_197 = arith.constant 256 : i32
      %mul3A_198 = arith.muli %arg1, %mul3A_197 : i32
      "tpu.region"() ({
        %run_scoped3A = tpu.sem_alloc : memref<!tpu.dma_semaphore, #tpu.memory_space<semaphore_mem>>
        %dma_start3A = tpu.memref_slice %arg16[%mul3A_198] : memref<4096xi32, #tpu.memory_space<vmem_shared>> -> memref<256xi32, #tpu.memory_space<vmem_shared>>
        %dma_start3A_470 = tpu.memref_slice %arg16[%mul3A_198] : memref<4096xi32, #tpu.memory_space<vmem_shared>> -> memref<256xi32, #tpu.memory_space<vmem_shared>>
        tpu.enqueue_dma source(%arg12 : memref<256xi32, #tpu.memory_space<vmem>>) target(%dma_start3A_470 : memref<256xi32, #tpu.memory_space<vmem_shared>>) target_semaphore(%run_scoped3A : memref<!tpu.dma_semaphore, #tpu.memory_space<semaphore_mem>>)
        %dma_wait3A = tpu.memref_slice %arg16[%mul3A_198] : memref<4096xi32, #tpu.memory_space<vmem_shared>> -> memref<256xi32, #tpu.memory_space<vmem_shared>>
        %dma_wait3A_471 = tpu.memref_slice %arg16[%mul3A_198] : memref<4096xi32, #tpu.memory_space<vmem_shared>> -> memref<256xi32, #tpu.memory_space<vmem_shared>>
        tpu.wait_dma2 semaphore(%run_scoped3A : memref<!tpu.dma_semaphore, #tpu.memory_space<semaphore_mem>>) src(%arg12 : memref<256xi32, #tpu.memory_space<vmem>>) dst(%dma_wait3A_471 : memref<256xi32, #tpu.memory_space<vmem_shared>>)
        tpu.yield
      }) : () -> ()
      %barrier3A_199 = arith.constant 0 : index
      tpu.barrier barrier_id(%barrier3A_199)
      "tpu.region"() ({
        %run_scoped3A = tpu.sem_alloc : memref<!tpu.dma_semaphore, #tpu.memory_space<semaphore_mem>>
        tpu.enqueue_dma source(%arg16 : memref<4096xi32, #tpu.memory_space<vmem_shared>>) target(%arg13 : memref<4096xi32, #tpu.memory_space<vmem>>) target_semaphore(%run_scoped3A : memref<!tpu.dma_semaphore, #tpu.memory_space<semaphore_mem>>)
        tpu.wait_dma2 semaphore(%run_scoped3A : memref<!tpu.dma_semaphore, #tpu.memory_space<semaphore_mem>>) src(%arg16 : memref<4096xi32, #tpu.memory_space<vmem_shared>>) dst(%arg13 : memref<4096xi32, #tpu.memory_space<vmem>>)
        tpu.yield
      }) : () -> ()
      %barrier3A_200 = arith.constant 0 : index
      tpu.barrier barrier_id(%barrier3A_200)
      %scan3A_201 = arith.constant 0 : i32
      %scan3A_202 = arith.constant 0 : i32
      %scan3A_203 = arith.constant 16 : i32
      %scan3A_204 = arith.addi %scan3A_202, %scan3A_203 : i32
      %scan3A_205 = arith.constant 1 : i32
      %scan3A_206 = scf.for %scan3A_470 = %scan3A_202 to %scan3A_204 step %scan3A_205 iter_args(%scan3A_471 = %scan3A_201) -> (i32)  : i32 {
        %broadcast_in_dim3A_472 = arith.constant 0 : i32
        %broadcast_in_dim3A_473 = vector.broadcast %broadcast_in_dim3A_472 : i32 to vector<16xi32>
        %scan3A_474 = arith.constant 0 : i32
        %scan3A_475 = arith.constant 16 : i32
        %scan3A_476 = arith.addi %scan3A_474, %scan3A_475 : i32
        %scan3A_477 = arith.constant 1 : i32
        %scan3A_478 = scf.for %scan3A_485 = %scan3A_474 to %scan3A_476 step %scan3A_477 iter_args(%scan3A_486 = %broadcast_in_dim3A_473) -> (vector<16xi32>)  : i32 {
          %mul3A_487 = arith.constant 256 : i32
          %mul3A_488 = arith.muli %scan3A_485, %mul3A_487 : i32
          %mul3A_489 = arith.constant 16 : i32
          %mul3A_490 = arith.muli %scan3A_470, %mul3A_489 : i32
          %add3A = arith.addi %mul3A_488, %mul3A_490 : i32
          %get3A = arith.index_cast %add3A : i32 to index
          %get3A_491 = tpu.vector_load %arg13[%get3A] {strides = array<i32>} : memref<4096xi32, #tpu.memory_space<vmem>>, vector<16xi32>,
          %add3A_492 = arith.addi %scan3A_486, %get3A_491 : vector<16xi32>
          scf.yield %add3A_492 : vector<16xi32>
        }
        %scan3A_479 = arith.constant 16 : i32
        %mul3A_480 = arith.constant 16 : i32
        %mul3A_481 = arith.muli %scan3A_470, %mul3A_480 : i32
        %swap3A_482 = arith.index_cast %mul3A_481 : i32 to index
        %swap3A_483 = tpu.vector_load %arg12[%swap3A_482] {strides = array<i32>} : memref<256xi32, #tpu.memory_space<vmem>>, vector<16xi32>,
        tpu.vector_store %arg12[%swap3A_482], %scan3A_478 {strides = array<i32>} : memref<256xi32, #tpu.memory_space<vmem>>, vector<16xi32>,
        %scan3A_484 = arith.constant 0 : i32
        scf.yield %scan3A_484 : i32
      }
      %scan3A_207 = arith.constant 16 : i32
      %scan3A_208 = arith.constant 0 : i32
      %scan3A_209 = arith.constant 1000 : i32
      %scan3A_210 = arith.constant 0 : i32
      %scan3A_211 = arith.constant 16 : i32
      %scan3A_212 = arith.addi %scan3A_210, %scan3A_211 : i32
      %scan3A_213 = arith.constant 1 : i32
      %scan3A_214:2 = scf.for %scan3A_470 = %scan3A_210 to %scan3A_212 step %scan3A_213 iter_args(%scan3A_471 = %scan3A_208, %scan3A_472 = %scan3A_209) -> (i32, i32)  : i32 {
        %mul3A_473 = arith.constant 16 : i32
        %mul3A_474 = arith.muli %scan3A_470, %mul3A_473 : i32
        %get3A = arith.index_cast %mul3A_474 : i32 to index
        %get3A_475 = tpu.vector_load %arg12[%get3A] {strides = array<i32>} : memref<256xi32, #tpu.memory_space<vmem>>, vector<16xi32>,
        %broadcast_in_dim3A_476 = arith.constant true
        %broadcast_in_dim3A_477 = vector.broadcast %broadcast_in_dim3A_476 : i1 to vector<16xi1>
        %masked_cumsum3A = tpu.scan <sum>, %get3A_475 masked %broadcast_in_dim3A_477 : vector<16xi32>, vector<16xi1> -> vector<16xi32>
        %add3A = vector.broadcast %scan3A_471 : i32 to vector<16xi32>
        %add3A_478 = arith.addi %add3A, %masked_cumsum3A : vector<16xi32>
        %ge3A = vector.broadcast %sub3A_125 : i32 to vector<16xi32>
        %ge3A_479 = arith.cmpi sge, %add3A_478, %ge3A : vector<16xi32>
        %mul3A_480 = arith.constant 16 : i32
        %mul3A_481 = arith.muli %scan3A_470, %mul3A_480 : i32
        %add3A_482 = vector.broadcast %mul3A_481 : i32 to vector<16xi32>
        %add3A_483 = arith.addi %add3A_482, %iota3A : vector<16xi32>
        %jit3A_484 = arith.constant 1000 : i32
        %broadcast_in_dim3A_485 = vector.broadcast %jit3A_484 : i32 to vector<16xi32>
        %select_n3A_486 = arith.select %ge3A_479, %add3A_483, %broadcast_in_dim3A_485 : vector<16xi1>, vector<16xi32>
        %reduce_min3A = arith.constant true
        %reduce_min3A_487 = vector.broadcast %reduce_min3A : i1 to vector<16xi1>
        %reduce_min3A_488 = arith.constant -2147483648 : i32
        %reduce_min3A_489 = vector.broadcast %reduce_min3A_488 : i32 to vector<16xi32>
        %reduce_min3A_490 = arith.xori %select_n3A_486, %reduce_min3A_489 : vector<16xi32>
        %reduce_min3A_491 = tpu.scan <min>, %reduce_min3A_490 masked %reduce_min3A_487 : vector<16xi32>, vector<16xi1> -> vector<16xi32>
        %reduce_min3A_492 = arith.xori %reduce_min3A_491, %reduce_min3A_489 : vector<16xi32>
        %reduce_min3A_493 = vector.extract %reduce_min3A_492[15] : i32 from vector<16xi32>
        %min3A = arith.minsi %scan3A_472, %reduce_min3A_493 : i32
        %reduce_sum3A = arith.constant true
        %reduce_sum3A_494 = vector.broadcast %reduce_sum3A : i1 to vector<16xi1>
        %reduce_sum3A_495 = tpu.scan <sum>, %get3A_475 masked %reduce_sum3A_494 : vector<16xi32>, vector<16xi1> -> vector<16xi32>
        %reduce_sum3A_496 = vector.extract %reduce_sum3A_495[15] : i32 from vector<16xi32>
        %add3A_497 = arith.addi %scan3A_471, %reduce_sum3A_496 : i32
        scf.yield %add3A_497, %min3A : i32, i32
      }
      %scan3A_215 = arith.constant 16 : i32
      %scan3A_216 = arith.constant 0 : i32
      %scan3A_217 = arith.constant 0 : i32
      %scan3A_218 = arith.constant 16 : i32
      %scan3A_219 = arith.addi %scan3A_217, %scan3A_218 : i32
      %scan3A_220 = arith.constant 1 : i32
      %scan3A_221 = scf.for %scan3A_470 = %scan3A_217 to %scan3A_219 step %scan3A_220 iter_args(%scan3A_471 = %scan3A_216) -> (i32)  : i32 {
        %mul3A_472 = arith.constant 16 : i32
        %mul3A_473 = arith.muli %scan3A_470, %mul3A_472 : i32
        %get3A = arith.index_cast %mul3A_473 : i32 to index
        %get3A_474 = tpu.vector_load %arg12[%get3A] {strides = array<i32>} : memref<256xi32, #tpu.memory_space<vmem>>, vector<16xi32>,
        %mul3A_475 = arith.constant 16 : i32
        %mul3A_476 = arith.muli %scan3A_470, %mul3A_475 : i32
        %add3A = vector.broadcast %mul3A_476 : i32 to vector<16xi32>
        %add3A_477 = arith.addi %add3A, %iota3A : vector<16xi32>
        %lt3A_478 = vector.broadcast %scan3A_214#1 : i32 to vector<16xi32>
        %lt3A_479 = arith.cmpi slt, %add3A_477, %lt3A_478 : vector<16xi32>
        %jit3A_480 = arith.constant 0 : i32
        %broadcast_in_dim3A_481 = vector.broadcast %jit3A_480 : i32 to vector<16xi32>
        %select_n3A_482 = arith.select %lt3A_479, %get3A_474, %broadcast_in_dim3A_481 : vector<16xi1>, vector<16xi32>
        %reduce_sum3A = arith.constant true
        %reduce_sum3A_483 = vector.broadcast %reduce_sum3A : i1 to vector<16xi1>
        %reduce_sum3A_484 = tpu.scan <sum>, %select_n3A_482 masked %reduce_sum3A_483 : vector<16xi32>, vector<16xi1> -> vector<16xi32>
        %reduce_sum3A_485 = vector.extract %reduce_sum3A_484[15] : i32 from vector<16xi32>
        %add3A_486 = arith.addi %scan3A_471, %reduce_sum3A_485 : i32
        scf.yield %add3A_486 : i32
      }
      %scan3A_222 = arith.constant 16 : i32
      %shift_left3A_223 = arith.constant 8 : i32
      %shift_left3A_224 = arith.shli %or3A, %shift_left3A_223 : i32
      %or3A_225 = arith.ori %shift_left3A_224, %scan3A_214#1 : i32
      %sub3A_226 = arith.subi %sub3A_125, %scan3A_221 : i32
      %broadcast_in_dim3A_227 = arith.constant 0 : i32
      %broadcast_in_dim3A_228 = vector.broadcast %broadcast_in_dim3A_227 : i32 to vector<16xi32>
      %swap3A_229 = arith.constant 0 : index
      %swap3A_230 = tpu.vector_load %arg12[%swap3A_229] {strides = array<i32>} : memref<256xi32, #tpu.memory_space<vmem>>, vector<16xi32>,
      tpu.vector_store %arg12[%swap3A_229], %broadcast_in_dim3A_228 {strides = array<i32>} : memref<256xi32, #tpu.memory_space<vmem>>, vector<16xi32>,
      %broadcast_in_dim3A_231 = arith.constant 0 : i32
      %broadcast_in_dim3A_232 = vector.broadcast %broadcast_in_dim3A_231 : i32 to vector<16xi32>
      %swap3A_233 = arith.constant 16 : index
      %swap3A_234 = tpu.vector_load %arg12[%swap3A_233] {strides = array<i32>} : memref<256xi32, #tpu.memory_space<vmem>>, vector<16xi32>,
      tpu.vector_store %arg12[%swap3A_233], %broadcast_in_dim3A_232 {strides = array<i32>} : memref<256xi32, #tpu.memory_space<vmem>>, vector<16xi32>,
      %broadcast_in_dim3A_235 = arith.constant 0 : i32
      %broadcast_in_dim3A_236 = vector.broadcast %broadcast_in_dim3A_235 : i32 to vector<16xi32>
      %swap3A_237 = arith.constant 32 : index
      %swap3A_238 = tpu.vector_load %arg12[%swap3A_237] {strides = array<i32>} : memref<256xi32, #tpu.memory_space<vmem>>, vector<16xi32>,
      tpu.vector_store %arg12[%swap3A_237], %broadcast_in_dim3A_236 {strides = array<i32>} : memref<256xi32, #tpu.memory_space<vmem>>, vector<16xi32>,
      %broadcast_in_dim3A_239 = arith.constant 0 : i32
      %broadcast_in_dim3A_240 = vector.broadcast %broadcast_in_dim3A_239 : i32 to vector<16xi32>
      %swap3A_241 = arith.constant 48 : index
      %swap3A_242 = tpu.vector_load %arg12[%swap3A_241] {strides = array<i32>} : memref<256xi32, #tpu.memory_space<vmem>>, vector<16xi32>,
      tpu.vector_store %arg12[%swap3A_241], %broadcast_in_dim3A_240 {strides = array<i32>} : memref<256xi32, #tpu.memory_space<vmem>>, vector<16xi32>,
      %broadcast_in_dim3A_243 = arith.constant 0 : i32
      %broadcast_in_dim3A_244 = vector.broadcast %broadcast_in_dim3A_243 : i32 to vector<16xi32>
      %swap3A_245 = arith.constant 64 : index
      %swap3A_246 = tpu.vector_load %arg12[%swap3A_245] {strides = array<i32>} : memref<256xi32, #tpu.memory_space<vmem>>, vector<16xi32>,
      tpu.vector_store %arg12[%swap3A_245], %broadcast_in_dim3A_244 {strides = array<i32>} : memref<256xi32, #tpu.memory_space<vmem>>, vector<16xi32>,
      %broadcast_in_dim3A_247 = arith.constant 0 : i32
      %broadcast_in_dim3A_248 = vector.broadcast %broadcast_in_dim3A_247 : i32 to vector<16xi32>
      %swap3A_249 = arith.constant 80 : index
      %swap3A_250 = tpu.vector_load %arg12[%swap3A_249] {strides = array<i32>} : memref<256xi32, #tpu.memory_space<vmem>>, vector<16xi32>,
      tpu.vector_store %arg12[%swap3A_249], %broadcast_in_dim3A_248 {strides = array<i32>} : memref<256xi32, #tpu.memory_space<vmem>>, vector<16xi32>,
      %broadcast_in_dim3A_251 = arith.constant 0 : i32
      %broadcast_in_dim3A_252 = vector.broadcast %broadcast_in_dim3A_251 : i32 to vector<16xi32>
      %swap3A_253 = arith.constant 96 : index
      %swap3A_254 = tpu.vector_load %arg12[%swap3A_253] {strides = array<i32>} : memref<256xi32, #tpu.memory_space<vmem>>, vector<16xi32>,
      tpu.vector_store %arg12[%swap3A_253], %broadcast_in_dim3A_252 {strides = array<i32>} : memref<256xi32, #tpu.memory_space<vmem>>, vector<16xi32>,
      %broadcast_in_dim3A_255 = arith.constant 0 : i32
      %broadcast_in_dim3A_256 = vector.broadcast %broadcast_in_dim3A_255 : i32 to vector<16xi32>
      %swap3A_257 = arith.constant 112 : index
      %swap3A_258 = tpu.vector_load %arg12[%swap3A_257] {strides = array<i32>} : memref<256xi32, #tpu.memory_space<vmem>>, vector<16xi32>,
      tpu.vector_store %arg12[%swap3A_257], %broadcast_in_dim3A_256 {strides = array<i32>} : memref<256xi32, #tpu.memory_space<vmem>>, vector<16xi32>,
      %broadcast_in_dim3A_259 = arith.constant 0 : i32
      %broadcast_in_dim3A_260 = vector.broadcast %broadcast_in_dim3A_259 : i32 to vector<16xi32>
      %swap3A_261 = arith.constant 128 : index
      %swap3A_262 = tpu.vector_load %arg12[%swap3A_261] {strides = array<i32>} : memref<256xi32, #tpu.memory_space<vmem>>, vector<16xi32>,
      tpu.vector_store %arg12[%swap3A_261], %broadcast_in_dim3A_260 {strides = array<i32>} : memref<256xi32, #tpu.memory_space<vmem>>, vector<16xi32>,
      %broadcast_in_dim3A_263 = arith.constant 0 : i32
      %broadcast_in_dim3A_264 = vector.broadcast %broadcast_in_dim3A_263 : i32 to vector<16xi32>
      %swap3A_265 = arith.constant 144 : index
      %swap3A_266 = tpu.vector_load %arg12[%swap3A_265] {strides = array<i32>} : memref<256xi32, #tpu.memory_space<vmem>>, vector<16xi32>,
      tpu.vector_store %arg12[%swap3A_265], %broadcast_in_dim3A_264 {strides = array<i32>} : memref<256xi32, #tpu.memory_space<vmem>>, vector<16xi32>,
      %broadcast_in_dim3A_267 = arith.constant 0 : i32
      %broadcast_in_dim3A_268 = vector.broadcast %broadcast_in_dim3A_267 : i32 to vector<16xi32>
      %swap3A_269 = arith.constant 160 : index
      %swap3A_270 = tpu.vector_load %arg12[%swap3A_269] {strides = array<i32>} : memref<256xi32, #tpu.memory_space<vmem>>, vector<16xi32>,
      tpu.vector_store %arg12[%swap3A_269], %broadcast_in_dim3A_268 {strides = array<i32>} : memref<256xi32, #tpu.memory_space<vmem>>, vector<16xi32>,
      %broadcast_in_dim3A_271 = arith.constant 0 : i32
      %broadcast_in_dim3A_272 = vector.broadcast %broadcast_in_dim3A_271 : i32 to vector<16xi32>
      %swap3A_273 = arith.constant 176 : index
      %swap3A_274 = tpu.vector_load %arg12[%swap3A_273] {strides = array<i32>} : memref<256xi32, #tpu.memory_space<vmem>>, vector<16xi32>,
      tpu.vector_store %arg12[%swap3A_273], %broadcast_in_dim3A_272 {strides = array<i32>} : memref<256xi32, #tpu.memory_space<vmem>>, vector<16xi32>,
      %broadcast_in_dim3A_275 = arith.constant 0 : i32
      %broadcast_in_dim3A_276 = vector.broadcast %broadcast_in_dim3A_275 : i32 to vector<16xi32>
      %swap3A_277 = arith.constant 192 : index
      %swap3A_278 = tpu.vector_load %arg12[%swap3A_277] {strides = array<i32>} : memref<256xi32, #tpu.memory_space<vmem>>, vector<16xi32>,
      tpu.vector_store %arg12[%swap3A_277], %broadcast_in_dim3A_276 {strides = array<i32>} : memref<256xi32, #tpu.memory_space<vmem>>, vector<16xi32>,
      %broadcast_in_dim3A_279 = arith.constant 0 : i32
      %broadcast_in_dim3A_280 = vector.broadcast %broadcast_in_dim3A_279 : i32 to vector<16xi32>
      %swap3A_281 = arith.constant 208 : index
      %swap3A_282 = tpu.vector_load %arg12[%swap3A_281] {strides = array<i32>} : memref<256xi32, #tpu.memory_space<vmem>>, vector<16xi32>,
      tpu.vector_store %arg12[%swap3A_281], %broadcast_in_dim3A_280 {strides = array<i32>} : memref<256xi32, #tpu.memory_space<vmem>>, vector<16xi32>,
      %broadcast_in_dim3A_283 = arith.constant 0 : i32
      %broadcast_in_dim3A_284 = vector.broadcast %broadcast_in_dim3A_283 : i32 to vector<16xi32>
      %swap3A_285 = arith.constant 224 : index
      %swap3A_286 = tpu.vector_load %arg12[%swap3A_285] {strides = array<i32>} : memref<256xi32, #tpu.memory_space<vmem>>, vector<16xi32>,
      tpu.vector_store %arg12[%swap3A_285], %broadcast_in_dim3A_284 {strides = array<i32>} : memref<256xi32, #tpu.memory_space<vmem>>, vector<16xi32>,
      %broadcast_in_dim3A_287 = arith.constant 0 : i32
      %broadcast_in_dim3A_288 = vector.broadcast %broadcast_in_dim3A_287 : i32 to vector<16xi32>
      %swap3A_289 = arith.constant 240 : index
      %swap3A_290 = tpu.vector_load %arg12[%swap3A_289] {strides = array<i32>} : memref<256xi32, #tpu.memory_space<vmem>>, vector<16xi32>,
      tpu.vector_store %arg12[%swap3A_289], %broadcast_in_dim3A_288 {strides = array<i32>} : memref<256xi32, #tpu.memory_space<vmem>>, vector<16xi32>,
      %scan3A_291 = arith.constant 0 : i32
      %scan3A_292 = arith.constant 0 : i32
      %scan3A_293 = arith.constant 64 : i32
      %scan3A_294 = arith.addi %scan3A_292, %scan3A_293 : i32
      %scan3A_295 = arith.constant 1 : i32
      %scan3A_296 = scf.for %scan3A_470 = %scan3A_292 to %scan3A_294 step %scan3A_295 iter_args(%scan3A_471 = %scan3A_291) -> (i32)  : i32 {
        %mul3A_472 = arith.constant 16 : i32
        %mul3A_473 = arith.muli %scan3A_470, %mul3A_472 : i32
        %get3A = arith.index_cast %mul3A_473 : i32 to index
        %get3A_474 = tpu.vector_load %arg11[%get3A] {strides = array<i32>} : memref<1024xi32, #tpu.memory_space<vmem>>, vector<16xi32>,
        %shift_right_logical3A = arith.constant 8 : i32
        %shift_right_logical3A_475 = vector.broadcast %shift_right_logical3A : i32 to vector<16xi32>
        %shift_right_logical3A_476 = arith.shrui %get3A_474, %shift_right_logical3A_475 : vector<16xi32>
        %and3A = arith.constant 255 : i32
        %and3A_477 = vector.broadcast %and3A : i32 to vector<16xi32>
        %and3A_478 = arith.andi %shift_right_logical3A_476, %and3A_477 : vector<16xi32>
        %shift_right_logical3A_479 = arith.constant 16 : i32
        %shift_right_logical3A_480 = vector.broadcast %shift_right_logical3A_479 : i32 to vector<16xi32>
        %shift_right_logical3A_481 = arith.shrui %get3A_474, %shift_right_logical3A_480 : vector<16xi32>
        %eq3A_482 = vector.broadcast %or3A_225 : i32 to vector<16xi32>
        %eq3A_483 = arith.cmpi eq, %shift_right_logical3A_481, %eq3A_482 : vector<16xi32>
        tpu.vector_store_idx %arg12[%and3A_478], %broadcast_in_dim3A_24 masked %eq3A_483 {add = true} : memref<256xi32, #tpu.memory_space<vmem>>[vector<16xi32>], vector<16xi32>, vector<16xi1>
        %scan3A_484 = arith.constant 0 : i32
        scf.yield %scan3A_484 : i32
      }
      %scan3A_297 = arith.constant 64 : i32
      %mul3A_298 = arith.constant 256 : i32
      %mul3A_299 = arith.muli %arg1, %mul3A_298 : i32
      "tpu.region"() ({
        %run_scoped3A = tpu.sem_alloc : memref<!tpu.dma_semaphore, #tpu.memory_space<semaphore_mem>>
        %dma_start3A = tpu.memref_slice %arg16[%mul3A_299] : memref<4096xi32, #tpu.memory_space<vmem_shared>> -> memref<256xi32, #tpu.memory_space<vmem_shared>>
        %dma_start3A_470 = tpu.memref_slice %arg16[%mul3A_299] : memref<4096xi32, #tpu.memory_space<vmem_shared>> -> memref<256xi32, #tpu.memory_space<vmem_shared>>
        tpu.enqueue_dma source(%arg12 : memref<256xi32, #tpu.memory_space<vmem>>) target(%dma_start3A_470 : memref<256xi32, #tpu.memory_space<vmem_shared>>) target_semaphore(%run_scoped3A : memref<!tpu.dma_semaphore, #tpu.memory_space<semaphore_mem>>)
        %dma_wait3A = tpu.memref_slice %arg16[%mul3A_299] : memref<4096xi32, #tpu.memory_space<vmem_shared>> -> memref<256xi32, #tpu.memory_space<vmem_shared>>
        %dma_wait3A_471 = tpu.memref_slice %arg16[%mul3A_299] : memref<4096xi32, #tpu.memory_space<vmem_shared>> -> memref<256xi32, #tpu.memory_space<vmem_shared>>
        tpu.wait_dma2 semaphore(%run_scoped3A : memref<!tpu.dma_semaphore, #tpu.memory_space<semaphore_mem>>) src(%arg12 : memref<256xi32, #tpu.memory_space<vmem>>) dst(%dma_wait3A_471 : memref<256xi32, #tpu.memory_space<vmem_shared>>)
        tpu.yield
      }) : () -> ()
      %barrier3A_300 = arith.constant 0 : index
      tpu.barrier barrier_id(%barrier3A_300)
      "tpu.region"() ({
        %run_scoped3A = tpu.sem_alloc : memref<!tpu.dma_semaphore, #tpu.memory_space<semaphore_mem>>
        tpu.enqueue_dma source(%arg16 : memref<4096xi32, #tpu.memory_space<vmem_shared>>) target(%arg13 : memref<4096xi32, #tpu.memory_space<vmem>>) target_semaphore(%run_scoped3A : memref<!tpu.dma_semaphore, #tpu.memory_space<semaphore_mem>>)
        tpu.wait_dma2 semaphore(%run_scoped3A : memref<!tpu.dma_semaphore, #tpu.memory_space<semaphore_mem>>) src(%arg16 : memref<4096xi32, #tpu.memory_space<vmem_shared>>) dst(%arg13 : memref<4096xi32, #tpu.memory_space<vmem>>)
        tpu.yield
      }) : () -> ()
      %barrier3A_301 = arith.constant 0 : index
      tpu.barrier barrier_id(%barrier3A_301)
      %scan3A_302 = arith.constant 0 : i32
      %scan3A_303 = arith.constant 0 : i32
      %scan3A_304 = arith.constant 16 : i32
      %scan3A_305 = arith.addi %scan3A_303, %scan3A_304 : i32
      %scan3A_306 = arith.constant 1 : i32
      %scan3A_307 = scf.for %scan3A_470 = %scan3A_303 to %scan3A_305 step %scan3A_306 iter_args(%scan3A_471 = %scan3A_302) -> (i32)  : i32 {
        %broadcast_in_dim3A_472 = arith.constant 0 : i32
        %broadcast_in_dim3A_473 = vector.broadcast %broadcast_in_dim3A_472 : i32 to vector<16xi32>
        %scan3A_474 = arith.constant 0 : i32
        %scan3A_475 = arith.constant 16 : i32
        %scan3A_476 = arith.addi %scan3A_474, %scan3A_475 : i32
        %scan3A_477 = arith.constant 1 : i32
        %scan3A_478 = scf.for %scan3A_485 = %scan3A_474 to %scan3A_476 step %scan3A_477 iter_args(%scan3A_486 = %broadcast_in_dim3A_473) -> (vector<16xi32>)  : i32 {
          %mul3A_487 = arith.constant 256 : i32
          %mul3A_488 = arith.muli %scan3A_485, %mul3A_487 : i32
          %mul3A_489 = arith.constant 16 : i32
          %mul3A_490 = arith.muli %scan3A_470, %mul3A_489 : i32
          %add3A = arith.addi %mul3A_488, %mul3A_490 : i32
          %get3A = arith.index_cast %add3A : i32 to index
          %get3A_491 = tpu.vector_load %arg13[%get3A] {strides = array<i32>} : memref<4096xi32, #tpu.memory_space<vmem>>, vector<16xi32>,
          %add3A_492 = arith.addi %scan3A_486, %get3A_491 : vector<16xi32>
          scf.yield %add3A_492 : vector<16xi32>
        }
        %scan3A_479 = arith.constant 16 : i32
        %mul3A_480 = arith.constant 16 : i32
        %mul3A_481 = arith.muli %scan3A_470, %mul3A_480 : i32
        %swap3A_482 = arith.index_cast %mul3A_481 : i32 to index
        %swap3A_483 = tpu.vector_load %arg12[%swap3A_482] {strides = array<i32>} : memref<256xi32, #tpu.memory_space<vmem>>, vector<16xi32>,
        tpu.vector_store %arg12[%swap3A_482], %scan3A_478 {strides = array<i32>} : memref<256xi32, #tpu.memory_space<vmem>>, vector<16xi32>,
        %scan3A_484 = arith.constant 0 : i32
        scf.yield %scan3A_484 : i32
      }
      %scan3A_308 = arith.constant 16 : i32
      %scan3A_309 = arith.constant 0 : i32
      %scan3A_310 = arith.constant 1000 : i32
      %scan3A_311 = arith.constant 0 : i32
      %scan3A_312 = arith.constant 16 : i32
      %scan3A_313 = arith.addi %scan3A_311, %scan3A_312 : i32
      %scan3A_314 = arith.constant 1 : i32
      %scan3A_315:2 = scf.for %scan3A_470 = %scan3A_311 to %scan3A_313 step %scan3A_314 iter_args(%scan3A_471 = %scan3A_309, %scan3A_472 = %scan3A_310) -> (i32, i32)  : i32 {
        %mul3A_473 = arith.constant 16 : i32
        %mul3A_474 = arith.muli %scan3A_470, %mul3A_473 : i32
        %get3A = arith.index_cast %mul3A_474 : i32 to index
        %get3A_475 = tpu.vector_load %arg12[%get3A] {strides = array<i32>} : memref<256xi32, #tpu.memory_space<vmem>>, vector<16xi32>,
        %broadcast_in_dim3A_476 = arith.constant true
        %broadcast_in_dim3A_477 = vector.broadcast %broadcast_in_dim3A_476 : i1 to vector<16xi1>
        %masked_cumsum3A = tpu.scan <sum>, %get3A_475 masked %broadcast_in_dim3A_477 : vector<16xi32>, vector<16xi1> -> vector<16xi32>
        %add3A = vector.broadcast %scan3A_471 : i32 to vector<16xi32>
        %add3A_478 = arith.addi %add3A, %masked_cumsum3A : vector<16xi32>
        %ge3A = vector.broadcast %sub3A_226 : i32 to vector<16xi32>
        %ge3A_479 = arith.cmpi sge, %add3A_478, %ge3A : vector<16xi32>
        %mul3A_480 = arith.constant 16 : i32
        %mul3A_481 = arith.muli %scan3A_470, %mul3A_480 : i32
        %add3A_482 = vector.broadcast %mul3A_481 : i32 to vector<16xi32>
        %add3A_483 = arith.addi %add3A_482, %iota3A : vector<16xi32>
        %jit3A_484 = arith.constant 1000 : i32
        %broadcast_in_dim3A_485 = vector.broadcast %jit3A_484 : i32 to vector<16xi32>
        %select_n3A_486 = arith.select %ge3A_479, %add3A_483, %broadcast_in_dim3A_485 : vector<16xi1>, vector<16xi32>
        %reduce_min3A = arith.constant true
        %reduce_min3A_487 = vector.broadcast %reduce_min3A : i1 to vector<16xi1>
        %reduce_min3A_488 = arith.constant -2147483648 : i32
        %reduce_min3A_489 = vector.broadcast %reduce_min3A_488 : i32 to vector<16xi32>
        %reduce_min3A_490 = arith.xori %select_n3A_486, %reduce_min3A_489 : vector<16xi32>
        %reduce_min3A_491 = tpu.scan <min>, %reduce_min3A_490 masked %reduce_min3A_487 : vector<16xi32>, vector<16xi1> -> vector<16xi32>
        %reduce_min3A_492 = arith.xori %reduce_min3A_491, %reduce_min3A_489 : vector<16xi32>
        %reduce_min3A_493 = vector.extract %reduce_min3A_492[15] : i32 from vector<16xi32>
        %min3A = arith.minsi %scan3A_472, %reduce_min3A_493 : i32
        %reduce_sum3A = arith.constant true
        %reduce_sum3A_494 = vector.broadcast %reduce_sum3A : i1 to vector<16xi1>
        %reduce_sum3A_495 = tpu.scan <sum>, %get3A_475 masked %reduce_sum3A_494 : vector<16xi32>, vector<16xi1> -> vector<16xi32>
        %reduce_sum3A_496 = vector.extract %reduce_sum3A_495[15] : i32 from vector<16xi32>
        %add3A_497 = arith.addi %scan3A_471, %reduce_sum3A_496 : i32
        scf.yield %add3A_497, %min3A : i32, i32
      }
      %scan3A_316 = arith.constant 16 : i32
      %scan3A_317 = arith.constant 0 : i32
      %scan3A_318 = arith.constant 0 : i32
      %scan3A_319 = arith.constant 16 : i32
      %scan3A_320 = arith.addi %scan3A_318, %scan3A_319 : i32
      %scan3A_321 = arith.constant 1 : i32
      %scan3A_322 = scf.for %scan3A_470 = %scan3A_318 to %scan3A_320 step %scan3A_321 iter_args(%scan3A_471 = %scan3A_317) -> (i32)  : i32 {
        %mul3A_472 = arith.constant 16 : i32
        %mul3A_473 = arith.muli %scan3A_470, %mul3A_472 : i32
        %get3A = arith.index_cast %mul3A_473 : i32 to index
        %get3A_474 = tpu.vector_load %arg12[%get3A] {strides = array<i32>} : memref<256xi32, #tpu.memory_space<vmem>>, vector<16xi32>,
        %mul3A_475 = arith.constant 16 : i32
        %mul3A_476 = arith.muli %scan3A_470, %mul3A_475 : i32
        %add3A = vector.broadcast %mul3A_476 : i32 to vector<16xi32>
        %add3A_477 = arith.addi %add3A, %iota3A : vector<16xi32>
        %lt3A_478 = vector.broadcast %scan3A_315#1 : i32 to vector<16xi32>
        %lt3A_479 = arith.cmpi slt, %add3A_477, %lt3A_478 : vector<16xi32>
        %jit3A_480 = arith.constant 0 : i32
        %broadcast_in_dim3A_481 = vector.broadcast %jit3A_480 : i32 to vector<16xi32>
        %select_n3A_482 = arith.select %lt3A_479, %get3A_474, %broadcast_in_dim3A_481 : vector<16xi1>, vector<16xi32>
        %reduce_sum3A = arith.constant true
        %reduce_sum3A_483 = vector.broadcast %reduce_sum3A : i1 to vector<16xi1>
        %reduce_sum3A_484 = tpu.scan <sum>, %select_n3A_482 masked %reduce_sum3A_483 : vector<16xi32>, vector<16xi1> -> vector<16xi32>
        %reduce_sum3A_485 = vector.extract %reduce_sum3A_484[15] : i32 from vector<16xi32>
        %add3A_486 = arith.addi %scan3A_471, %reduce_sum3A_485 : i32
        scf.yield %add3A_486 : i32
      }
      %scan3A_323 = arith.constant 16 : i32
      %shift_left3A_324 = arith.constant 8 : i32
      %shift_left3A_325 = arith.shli %or3A_225, %shift_left3A_324 : i32
      %or3A_326 = arith.ori %shift_left3A_325, %scan3A_315#1 : i32
      %sub3A_327 = arith.subi %sub3A_226, %scan3A_322 : i32
      %broadcast_in_dim3A_328 = arith.constant 0 : i32
      %broadcast_in_dim3A_329 = vector.broadcast %broadcast_in_dim3A_328 : i32 to vector<16xi32>
      %swap3A_330 = arith.constant 0 : index
      %swap3A_331 = tpu.vector_load %arg12[%swap3A_330] {strides = array<i32>} : memref<256xi32, #tpu.memory_space<vmem>>, vector<16xi32>,
      tpu.vector_store %arg12[%swap3A_330], %broadcast_in_dim3A_329 {strides = array<i32>} : memref<256xi32, #tpu.memory_space<vmem>>, vector<16xi32>,
      %broadcast_in_dim3A_332 = arith.constant 0 : i32
      %broadcast_in_dim3A_333 = vector.broadcast %broadcast_in_dim3A_332 : i32 to vector<16xi32>
      %swap3A_334 = arith.constant 16 : index
      %swap3A_335 = tpu.vector_load %arg12[%swap3A_334] {strides = array<i32>} : memref<256xi32, #tpu.memory_space<vmem>>, vector<16xi32>,
      tpu.vector_store %arg12[%swap3A_334], %broadcast_in_dim3A_333 {strides = array<i32>} : memref<256xi32, #tpu.memory_space<vmem>>, vector<16xi32>,
      %broadcast_in_dim3A_336 = arith.constant 0 : i32
      %broadcast_in_dim3A_337 = vector.broadcast %broadcast_in_dim3A_336 : i32 to vector<16xi32>
      %swap3A_338 = arith.constant 32 : index
      %swap3A_339 = tpu.vector_load %arg12[%swap3A_338] {strides = array<i32>} : memref<256xi32, #tpu.memory_space<vmem>>, vector<16xi32>,
      tpu.vector_store %arg12[%swap3A_338], %broadcast_in_dim3A_337 {strides = array<i32>} : memref<256xi32, #tpu.memory_space<vmem>>, vector<16xi32>,
      %broadcast_in_dim3A_340 = arith.constant 0 : i32
      %broadcast_in_dim3A_341 = vector.broadcast %broadcast_in_dim3A_340 : i32 to vector<16xi32>
      %swap3A_342 = arith.constant 48 : index
      %swap3A_343 = tpu.vector_load %arg12[%swap3A_342] {strides = array<i32>} : memref<256xi32, #tpu.memory_space<vmem>>, vector<16xi32>,
      tpu.vector_store %arg12[%swap3A_342], %broadcast_in_dim3A_341 {strides = array<i32>} : memref<256xi32, #tpu.memory_space<vmem>>, vector<16xi32>,
      %broadcast_in_dim3A_344 = arith.constant 0 : i32
      %broadcast_in_dim3A_345 = vector.broadcast %broadcast_in_dim3A_344 : i32 to vector<16xi32>
      %swap3A_346 = arith.constant 64 : index
      %swap3A_347 = tpu.vector_load %arg12[%swap3A_346] {strides = array<i32>} : memref<256xi32, #tpu.memory_space<vmem>>, vector<16xi32>,
      tpu.vector_store %arg12[%swap3A_346], %broadcast_in_dim3A_345 {strides = array<i32>} : memref<256xi32, #tpu.memory_space<vmem>>, vector<16xi32>,
      %broadcast_in_dim3A_348 = arith.constant 0 : i32
      %broadcast_in_dim3A_349 = vector.broadcast %broadcast_in_dim3A_348 : i32 to vector<16xi32>
      %swap3A_350 = arith.constant 80 : index
      %swap3A_351 = tpu.vector_load %arg12[%swap3A_350] {strides = array<i32>} : memref<256xi32, #tpu.memory_space<vmem>>, vector<16xi32>,
      tpu.vector_store %arg12[%swap3A_350], %broadcast_in_dim3A_349 {strides = array<i32>} : memref<256xi32, #tpu.memory_space<vmem>>, vector<16xi32>,
      %broadcast_in_dim3A_352 = arith.constant 0 : i32
      %broadcast_in_dim3A_353 = vector.broadcast %broadcast_in_dim3A_352 : i32 to vector<16xi32>
      %swap3A_354 = arith.constant 96 : index
      %swap3A_355 = tpu.vector_load %arg12[%swap3A_354] {strides = array<i32>} : memref<256xi32, #tpu.memory_space<vmem>>, vector<16xi32>,
      tpu.vector_store %arg12[%swap3A_354], %broadcast_in_dim3A_353 {strides = array<i32>} : memref<256xi32, #tpu.memory_space<vmem>>, vector<16xi32>,
      %broadcast_in_dim3A_356 = arith.constant 0 : i32
      %broadcast_in_dim3A_357 = vector.broadcast %broadcast_in_dim3A_356 : i32 to vector<16xi32>
      %swap3A_358 = arith.constant 112 : index
      %swap3A_359 = tpu.vector_load %arg12[%swap3A_358] {strides = array<i32>} : memref<256xi32, #tpu.memory_space<vmem>>, vector<16xi32>,
      tpu.vector_store %arg12[%swap3A_358], %broadcast_in_dim3A_357 {strides = array<i32>} : memref<256xi32, #tpu.memory_space<vmem>>, vector<16xi32>,
      %broadcast_in_dim3A_360 = arith.constant 0 : i32
      %broadcast_in_dim3A_361 = vector.broadcast %broadcast_in_dim3A_360 : i32 to vector<16xi32>
      %swap3A_362 = arith.constant 128 : index
      %swap3A_363 = tpu.vector_load %arg12[%swap3A_362] {strides = array<i32>} : memref<256xi32, #tpu.memory_space<vmem>>, vector<16xi32>,
      tpu.vector_store %arg12[%swap3A_362], %broadcast_in_dim3A_361 {strides = array<i32>} : memref<256xi32, #tpu.memory_space<vmem>>, vector<16xi32>,
      %broadcast_in_dim3A_364 = arith.constant 0 : i32
      %broadcast_in_dim3A_365 = vector.broadcast %broadcast_in_dim3A_364 : i32 to vector<16xi32>
      %swap3A_366 = arith.constant 144 : index
      %swap3A_367 = tpu.vector_load %arg12[%swap3A_366] {strides = array<i32>} : memref<256xi32, #tpu.memory_space<vmem>>, vector<16xi32>,
      tpu.vector_store %arg12[%swap3A_366], %broadcast_in_dim3A_365 {strides = array<i32>} : memref<256xi32, #tpu.memory_space<vmem>>, vector<16xi32>,
      %broadcast_in_dim3A_368 = arith.constant 0 : i32
      %broadcast_in_dim3A_369 = vector.broadcast %broadcast_in_dim3A_368 : i32 to vector<16xi32>
      %swap3A_370 = arith.constant 160 : index
      %swap3A_371 = tpu.vector_load %arg12[%swap3A_370] {strides = array<i32>} : memref<256xi32, #tpu.memory_space<vmem>>, vector<16xi32>,
      tpu.vector_store %arg12[%swap3A_370], %broadcast_in_dim3A_369 {strides = array<i32>} : memref<256xi32, #tpu.memory_space<vmem>>, vector<16xi32>,
      %broadcast_in_dim3A_372 = arith.constant 0 : i32
      %broadcast_in_dim3A_373 = vector.broadcast %broadcast_in_dim3A_372 : i32 to vector<16xi32>
      %swap3A_374 = arith.constant 176 : index
      %swap3A_375 = tpu.vector_load %arg12[%swap3A_374] {strides = array<i32>} : memref<256xi32, #tpu.memory_space<vmem>>, vector<16xi32>,
      tpu.vector_store %arg12[%swap3A_374], %broadcast_in_dim3A_373 {strides = array<i32>} : memref<256xi32, #tpu.memory_space<vmem>>, vector<16xi32>,
      %broadcast_in_dim3A_376 = arith.constant 0 : i32
      %broadcast_in_dim3A_377 = vector.broadcast %broadcast_in_dim3A_376 : i32 to vector<16xi32>
      %swap3A_378 = arith.constant 192 : index
      %swap3A_379 = tpu.vector_load %arg12[%swap3A_378] {strides = array<i32>} : memref<256xi32, #tpu.memory_space<vmem>>, vector<16xi32>,
      tpu.vector_store %arg12[%swap3A_378], %broadcast_in_dim3A_377 {strides = array<i32>} : memref<256xi32, #tpu.memory_space<vmem>>, vector<16xi32>,
      %broadcast_in_dim3A_380 = arith.constant 0 : i32
      %broadcast_in_dim3A_381 = vector.broadcast %broadcast_in_dim3A_380 : i32 to vector<16xi32>
      %swap3A_382 = arith.constant 208 : index
      %swap3A_383 = tpu.vector_load %arg12[%swap3A_382] {strides = array<i32>} : memref<256xi32, #tpu.memory_space<vmem>>, vector<16xi32>,
      tpu.vector_store %arg12[%swap3A_382], %broadcast_in_dim3A_381 {strides = array<i32>} : memref<256xi32, #tpu.memory_space<vmem>>, vector<16xi32>,
      %broadcast_in_dim3A_384 = arith.constant 0 : i32
      %broadcast_in_dim3A_385 = vector.broadcast %broadcast_in_dim3A_384 : i32 to vector<16xi32>
      %swap3A_386 = arith.constant 224 : index
      %swap3A_387 = tpu.vector_load %arg12[%swap3A_386] {strides = array<i32>} : memref<256xi32, #tpu.memory_space<vmem>>, vector<16xi32>,
      tpu.vector_store %arg12[%swap3A_386], %broadcast_in_dim3A_385 {strides = array<i32>} : memref<256xi32, #tpu.memory_space<vmem>>, vector<16xi32>,
      %broadcast_in_dim3A_388 = arith.constant 0 : i32
      %broadcast_in_dim3A_389 = vector.broadcast %broadcast_in_dim3A_388 : i32 to vector<16xi32>
      %swap3A_390 = arith.constant 240 : index
      %swap3A_391 = tpu.vector_load %arg12[%swap3A_390] {strides = array<i32>} : memref<256xi32, #tpu.memory_space<vmem>>, vector<16xi32>,
      tpu.vector_store %arg12[%swap3A_390], %broadcast_in_dim3A_389 {strides = array<i32>} : memref<256xi32, #tpu.memory_space<vmem>>, vector<16xi32>,
      %scan3A_392 = arith.constant 0 : i32
      %scan3A_393 = arith.constant 0 : i32
      %scan3A_394 = arith.constant 64 : i32
      %scan3A_395 = arith.addi %scan3A_393, %scan3A_394 : i32
      %scan3A_396 = arith.constant 1 : i32
      %scan3A_397 = scf.for %scan3A_470 = %scan3A_393 to %scan3A_395 step %scan3A_396 iter_args(%scan3A_471 = %scan3A_392) -> (i32)  : i32 {
        %mul3A_472 = arith.constant 16 : i32
        %mul3A_473 = arith.muli %scan3A_470, %mul3A_472 : i32
        %get3A = arith.index_cast %mul3A_473 : i32 to index
        %get3A_474 = tpu.vector_load %arg11[%get3A] {strides = array<i32>} : memref<1024xi32, #tpu.memory_space<vmem>>, vector<16xi32>,
        %shift_right_logical3A = arith.constant 0 : i32
        %shift_right_logical3A_475 = vector.broadcast %shift_right_logical3A : i32 to vector<16xi32>
        %shift_right_logical3A_476 = arith.shrui %get3A_474, %shift_right_logical3A_475 : vector<16xi32>
        %and3A = arith.constant 255 : i32
        %and3A_477 = vector.broadcast %and3A : i32 to vector<16xi32>
        %and3A_478 = arith.andi %shift_right_logical3A_476, %and3A_477 : vector<16xi32>
        %shift_right_logical3A_479 = arith.constant 8 : i32
        %shift_right_logical3A_480 = vector.broadcast %shift_right_logical3A_479 : i32 to vector<16xi32>
        %shift_right_logical3A_481 = arith.shrui %get3A_474, %shift_right_logical3A_480 : vector<16xi32>
        %eq3A_482 = vector.broadcast %or3A_326 : i32 to vector<16xi32>
        %eq3A_483 = arith.cmpi eq, %shift_right_logical3A_481, %eq3A_482 : vector<16xi32>
        tpu.vector_store_idx %arg12[%and3A_478], %broadcast_in_dim3A_24 masked %eq3A_483 {add = true} : memref<256xi32, #tpu.memory_space<vmem>>[vector<16xi32>], vector<16xi32>, vector<16xi1>
        %scan3A_484 = arith.constant 0 : i32
        scf.yield %scan3A_484 : i32
      }
      %scan3A_398 = arith.constant 64 : i32
      %mul3A_399 = arith.constant 256 : i32
      %mul3A_400 = arith.muli %arg1, %mul3A_399 : i32
      "tpu.region"() ({
        %run_scoped3A = tpu.sem_alloc : memref<!tpu.dma_semaphore, #tpu.memory_space<semaphore_mem>>
        %dma_start3A = tpu.memref_slice %arg16[%mul3A_400] : memref<4096xi32, #tpu.memory_space<vmem_shared>> -> memref<256xi32, #tpu.memory_space<vmem_shared>>
        %dma_start3A_470 = tpu.memref_slice %arg16[%mul3A_400] : memref<4096xi32, #tpu.memory_space<vmem_shared>> -> memref<256xi32, #tpu.memory_space<vmem_shared>>
        tpu.enqueue_dma source(%arg12 : memref<256xi32, #tpu.memory_space<vmem>>) target(%dma_start3A_470 : memref<256xi32, #tpu.memory_space<vmem_shared>>) target_semaphore(%run_scoped3A : memref<!tpu.dma_semaphore, #tpu.memory_space<semaphore_mem>>)
        %dma_wait3A = tpu.memref_slice %arg16[%mul3A_400] : memref<4096xi32, #tpu.memory_space<vmem_shared>> -> memref<256xi32, #tpu.memory_space<vmem_shared>>
        %dma_wait3A_471 = tpu.memref_slice %arg16[%mul3A_400] : memref<4096xi32, #tpu.memory_space<vmem_shared>> -> memref<256xi32, #tpu.memory_space<vmem_shared>>
        tpu.wait_dma2 semaphore(%run_scoped3A : memref<!tpu.dma_semaphore, #tpu.memory_space<semaphore_mem>>) src(%arg12 : memref<256xi32, #tpu.memory_space<vmem>>) dst(%dma_wait3A_471 : memref<256xi32, #tpu.memory_space<vmem_shared>>)
        tpu.yield
      }) : () -> ()
      %barrier3A_401 = arith.constant 0 : index
      tpu.barrier barrier_id(%barrier3A_401)
      "tpu.region"() ({
        %run_scoped3A = tpu.sem_alloc : memref<!tpu.dma_semaphore, #tpu.memory_space<semaphore_mem>>
        tpu.enqueue_dma source(%arg16 : memref<4096xi32, #tpu.memory_space<vmem_shared>>) target(%arg13 : memref<4096xi32, #tpu.memory_space<vmem>>) target_semaphore(%run_scoped3A : memref<!tpu.dma_semaphore, #tpu.memory_space<semaphore_mem>>)
        tpu.wait_dma2 semaphore(%run_scoped3A : memref<!tpu.dma_semaphore, #tpu.memory_space<semaphore_mem>>) src(%arg16 : memref<4096xi32, #tpu.memory_space<vmem_shared>>) dst(%arg13 : memref<4096xi32, #tpu.memory_space<vmem>>)
        tpu.yield
      }) : () -> ()
      %barrier3A_402 = arith.constant 0 : index
      tpu.barrier barrier_id(%barrier3A_402)
      %scan3A_403 = arith.constant 0 : i32
      %scan3A_404 = arith.constant 0 : i32
      %scan3A_405 = arith.constant 16 : i32
      %scan3A_406 = arith.addi %scan3A_404, %scan3A_405 : i32
      %scan3A_407 = arith.constant 1 : i32
      %scan3A_408 = scf.for %scan3A_470 = %scan3A_404 to %scan3A_406 step %scan3A_407 iter_args(%scan3A_471 = %scan3A_403) -> (i32)  : i32 {
        %broadcast_in_dim3A_472 = arith.constant 0 : i32
        %broadcast_in_dim3A_473 = vector.broadcast %broadcast_in_dim3A_472 : i32 to vector<16xi32>
        %scan3A_474 = arith.constant 0 : i32
        %scan3A_475 = arith.constant 16 : i32
        %scan3A_476 = arith.addi %scan3A_474, %scan3A_475 : i32
        %scan3A_477 = arith.constant 1 : i32
        %scan3A_478 = scf.for %scan3A_485 = %scan3A_474 to %scan3A_476 step %scan3A_477 iter_args(%scan3A_486 = %broadcast_in_dim3A_473) -> (vector<16xi32>)  : i32 {
          %mul3A_487 = arith.constant 256 : i32
          %mul3A_488 = arith.muli %scan3A_485, %mul3A_487 : i32
          %mul3A_489 = arith.constant 16 : i32
          %mul3A_490 = arith.muli %scan3A_470, %mul3A_489 : i32
          %add3A = arith.addi %mul3A_488, %mul3A_490 : i32
          %get3A = arith.index_cast %add3A : i32 to index
          %get3A_491 = tpu.vector_load %arg13[%get3A] {strides = array<i32>} : memref<4096xi32, #tpu.memory_space<vmem>>, vector<16xi32>,
          %add3A_492 = arith.addi %scan3A_486, %get3A_491 : vector<16xi32>
          scf.yield %add3A_492 : vector<16xi32>
        }
        %scan3A_479 = arith.constant 16 : i32
        %mul3A_480 = arith.constant 16 : i32
        %mul3A_481 = arith.muli %scan3A_470, %mul3A_480 : i32
        %swap3A_482 = arith.index_cast %mul3A_481 : i32 to index
        %swap3A_483 = tpu.vector_load %arg12[%swap3A_482] {strides = array<i32>} : memref<256xi32, #tpu.memory_space<vmem>>, vector<16xi32>,
        tpu.vector_store %arg12[%swap3A_482], %scan3A_478 {strides = array<i32>} : memref<256xi32, #tpu.memory_space<vmem>>, vector<16xi32>,
        %scan3A_484 = arith.constant 0 : i32
        scf.yield %scan3A_484 : i32
      }
      %scan3A_409 = arith.constant 16 : i32
      %scan3A_410 = arith.constant 0 : i32
      %scan3A_411 = arith.constant 1000 : i32
      %scan3A_412 = arith.constant 0 : i32
      %scan3A_413 = arith.constant 16 : i32
      %scan3A_414 = arith.addi %scan3A_412, %scan3A_413 : i32
      %scan3A_415 = arith.constant 1 : i32
      %scan3A_416:2 = scf.for %scan3A_470 = %scan3A_412 to %scan3A_414 step %scan3A_415 iter_args(%scan3A_471 = %scan3A_410, %scan3A_472 = %scan3A_411) -> (i32, i32)  : i32 {
        %mul3A_473 = arith.constant 16 : i32
        %mul3A_474 = arith.muli %scan3A_470, %mul3A_473 : i32
        %get3A = arith.index_cast %mul3A_474 : i32 to index
        %get3A_475 = tpu.vector_load %arg12[%get3A] {strides = array<i32>} : memref<256xi32, #tpu.memory_space<vmem>>, vector<16xi32>,
        %broadcast_in_dim3A_476 = arith.constant true
        %broadcast_in_dim3A_477 = vector.broadcast %broadcast_in_dim3A_476 : i1 to vector<16xi1>
        %masked_cumsum3A = tpu.scan <sum>, %get3A_475 masked %broadcast_in_dim3A_477 : vector<16xi32>, vector<16xi1> -> vector<16xi32>
        %add3A = vector.broadcast %scan3A_471 : i32 to vector<16xi32>
        %add3A_478 = arith.addi %add3A, %masked_cumsum3A : vector<16xi32>
        %ge3A = vector.broadcast %sub3A_327 : i32 to vector<16xi32>
        %ge3A_479 = arith.cmpi sge, %add3A_478, %ge3A : vector<16xi32>
        %mul3A_480 = arith.constant 16 : i32
        %mul3A_481 = arith.muli %scan3A_470, %mul3A_480 : i32
        %add3A_482 = vector.broadcast %mul3A_481 : i32 to vector<16xi32>
        %add3A_483 = arith.addi %add3A_482, %iota3A : vector<16xi32>
        %jit3A_484 = arith.constant 1000 : i32
        %broadcast_in_dim3A_485 = vector.broadcast %jit3A_484 : i32 to vector<16xi32>
        %select_n3A_486 = arith.select %ge3A_479, %add3A_483, %broadcast_in_dim3A_485 : vector<16xi1>, vector<16xi32>
        %reduce_min3A = arith.constant true
        %reduce_min3A_487 = vector.broadcast %reduce_min3A : i1 to vector<16xi1>
        %reduce_min3A_488 = arith.constant -2147483648 : i32
        %reduce_min3A_489 = vector.broadcast %reduce_min3A_488 : i32 to vector<16xi32>
        %reduce_min3A_490 = arith.xori %select_n3A_486, %reduce_min3A_489 : vector<16xi32>
        %reduce_min3A_491 = tpu.scan <min>, %reduce_min3A_490 masked %reduce_min3A_487 : vector<16xi32>, vector<16xi1> -> vector<16xi32>
        %reduce_min3A_492 = arith.xori %reduce_min3A_491, %reduce_min3A_489 : vector<16xi32>
        %reduce_min3A_493 = vector.extract %reduce_min3A_492[15] : i32 from vector<16xi32>
        %min3A = arith.minsi %scan3A_472, %reduce_min3A_493 : i32
        %reduce_sum3A = arith.constant true
        %reduce_sum3A_494 = vector.broadcast %reduce_sum3A : i1 to vector<16xi1>
        %reduce_sum3A_495 = tpu.scan <sum>, %get3A_475 masked %reduce_sum3A_494 : vector<16xi32>, vector<16xi1> -> vector<16xi32>
        %reduce_sum3A_496 = vector.extract %reduce_sum3A_495[15] : i32 from vector<16xi32>
        %add3A_497 = arith.addi %scan3A_471, %reduce_sum3A_496 : i32
        scf.yield %add3A_497, %min3A : i32, i32
      }
      %scan3A_417 = arith.constant 16 : i32
      %scan3A_418 = arith.constant 0 : i32
      %scan3A_419 = arith.constant 0 : i32
      %scan3A_420 = arith.constant 16 : i32
      %scan3A_421 = arith.addi %scan3A_419, %scan3A_420 : i32
      %scan3A_422 = arith.constant 1 : i32
      %scan3A_423 = scf.for %scan3A_470 = %scan3A_419 to %scan3A_421 step %scan3A_422 iter_args(%scan3A_471 = %scan3A_418) -> (i32)  : i32 {
        %mul3A_472 = arith.constant 16 : i32
        %mul3A_473 = arith.muli %scan3A_470, %mul3A_472 : i32
        %get3A = arith.index_cast %mul3A_473 : i32 to index
        %get3A_474 = tpu.vector_load %arg12[%get3A] {strides = array<i32>} : memref<256xi32, #tpu.memory_space<vmem>>, vector<16xi32>,
        %mul3A_475 = arith.constant 16 : i32
        %mul3A_476 = arith.muli %scan3A_470, %mul3A_475 : i32
        %add3A = vector.broadcast %mul3A_476 : i32 to vector<16xi32>
        %add3A_477 = arith.addi %add3A, %iota3A : vector<16xi32>
        %lt3A_478 = vector.broadcast %scan3A_416#1 : i32 to vector<16xi32>
        %lt3A_479 = arith.cmpi slt, %add3A_477, %lt3A_478 : vector<16xi32>
        %jit3A_480 = arith.constant 0 : i32
        %broadcast_in_dim3A_481 = vector.broadcast %jit3A_480 : i32 to vector<16xi32>
        %select_n3A_482 = arith.select %lt3A_479, %get3A_474, %broadcast_in_dim3A_481 : vector<16xi1>, vector<16xi32>
        %reduce_sum3A = arith.constant true
        %reduce_sum3A_483 = vector.broadcast %reduce_sum3A : i1 to vector<16xi1>
        %reduce_sum3A_484 = tpu.scan <sum>, %select_n3A_482 masked %reduce_sum3A_483 : vector<16xi32>, vector<16xi1> -> vector<16xi32>
        %reduce_sum3A_485 = vector.extract %reduce_sum3A_484[15] : i32 from vector<16xi32>
        %add3A_486 = arith.addi %scan3A_471, %reduce_sum3A_485 : i32
        scf.yield %add3A_486 : i32
      }
      %scan3A_424 = arith.constant 16 : i32
      %shift_left3A_425 = arith.constant 8 : i32
      %shift_left3A_426 = arith.shli %or3A_326, %shift_left3A_425 : i32
      %or3A_427 = arith.ori %shift_left3A_426, %scan3A_416#1 : i32
      %sub3A_428 = arith.subi %sub3A_327, %scan3A_423 : i32
      %xor3A = arith.constant -2147483648 : i32
      %xor3A_429 = arith.xori %or3A_427, %xor3A : i32
      %scan3A_430 = arith.constant 0 : i32
      %scan3A_431 = arith.constant 0.000000e+00 : f32
      %scan3A_432 = arith.constant 0.000000e+00 : f32
      %scan3A_433 = arith.constant 0 : i32
      %scan3A_434 = arith.constant 0 : i32
      %scan3A_435 = arith.constant 64 : i32
      %scan3A_436 = arith.addi %scan3A_434, %scan3A_435 : i32
      %scan3A_437 = arith.constant 1 : i32
      %scan3A_438:4 = scf.for %scan3A_470 = %scan3A_434 to %scan3A_436 step %scan3A_437 iter_args(%scan3A_471 = %scan3A_430, %scan3A_472 = %scan3A_431, %scan3A_473 = %scan3A_432, %scan3A_474 = %scan3A_433) -> (i32, f32, f32, i32)  : i32 {
        %mul3A_475 = arith.constant 16 : i32
        %mul3A_476 = arith.muli %scan3A_470, %mul3A_475 : i32
        %get3A = arith.index_cast %mul3A_476 : i32 to index
        %get3A_477 = tpu.vector_load %arg11[%get3A] {strides = array<i32>} : memref<1024xi32, #tpu.memory_space<vmem>>, vector<16xi32>,
        %xor3A_478 = arith.constant -2147483648 : i32
        %xor3A_479 = vector.broadcast %xor3A_478 : i32 to vector<16xi32>
        %xor3A_480 = arith.xori %get3A_477, %xor3A_479 : vector<16xi32>
        %lt3A_481 = vector.broadcast %xor3A_429 : i32 to vector<16xi32>
        %lt3A_482 = arith.cmpi slt, %xor3A_480, %lt3A_481 : vector<16xi32>
        %convert_element_type3A_483 = arith.extui %lt3A_482 : vector<16xi1> to vector<16xi32>
        %reduce_sum3A = arith.constant true
        %reduce_sum3A_484 = vector.broadcast %reduce_sum3A : i1 to vector<16xi1>
        %reduce_sum3A_485 = tpu.scan <sum>, %convert_element_type3A_483 masked %reduce_sum3A_484 : vector<16xi32>, vector<16xi1> -> vector<16xi32>
        %reduce_sum3A_486 = vector.extract %reduce_sum3A_485[15] : i32 from vector<16xi32>
        %add3A = arith.addi %scan3A_471, %reduce_sum3A_486 : i32
        %mul3A_487 = arith.constant 16 : i32
        %mul3A_488 = arith.muli %scan3A_470, %mul3A_487 : i32
        %get3A_489 = arith.index_cast %mul3A_488 : i32 to index
        %get3A_490 = tpu.vector_load %arg7[%get3A_489] {strides = array<i32>} : memref<1024xf32, #tpu.memory_space<vmem>>, vector<16xf32>,
        %jit3A_491 = arith.constant 0.000000e+00 : f32
        %broadcast_in_dim3A_492 = vector.broadcast %jit3A_491 : f32 to vector<16xf32>
        %select_n3A_493 = arith.select %lt3A_482, %get3A_490, %broadcast_in_dim3A_492 : vector<16xi1>, vector<16xf32>
        %reduce_sum3A_494 = arith.constant true
        %reduce_sum3A_495 = vector.broadcast %reduce_sum3A_494 : i1 to vector<16xi1>
        %reduce_sum3A_496 = tpu.scan <sum>, %select_n3A_493 masked %reduce_sum3A_495 : vector<16xf32>, vector<16xi1> -> vector<16xf32>
        %reduce_sum3A_497 = vector.extract %reduce_sum3A_496[15] : f32 from vector<16xf32>
        %add3A_498 = arith.addf %scan3A_472, %reduce_sum3A_497 : f32
        %mul3A_499 = arith.constant 16 : i32
        %mul3A_500 = arith.muli %scan3A_470, %mul3A_499 : i32
        %get3A_501 = arith.index_cast %mul3A_500 : i32 to index
        %get3A_502 = tpu.vector_load %arg10[%get3A_501] {strides = array<i32>} : memref<1024xi32, #tpu.memory_space<vmem>>, vector<16xi32>,
        %eq3A_503 = arith.constant 0 : i32
        %eq3A_504 = vector.broadcast %eq3A_503 : i32 to vector<16xi32>
        %eq3A_505 = arith.cmpi eq, %get3A_502, %eq3A_504 : vector<16xi32>
        %convert_element_type3A_506 = arith.extui %eq3A_505 : vector<16xi1> to vector<16xi32>
        %broadcast_in_dim3A_507 = arith.constant true
        %broadcast_in_dim3A_508 = vector.broadcast %broadcast_in_dim3A_507 : i1 to vector<16xi1>
        %masked_cumsum3A = tpu.scan <sum>, %convert_element_type3A_506 masked %broadcast_in_dim3A_508 : vector<16xi32>, vector<16xi1> -> vector<16xi32>
        %add3A_509 = arith.addi %scan3A_21#0, %scan3A_474 : i32
        %sub3A_510 = arith.subi %masked_cumsum3A, %convert_element_type3A_506 : vector<16xi32>
        %add3A_511 = vector.broadcast %add3A_509 : i32 to vector<16xi32>
        %add3A_512 = arith.addi %add3A_511, %sub3A_510 : vector<16xi32>
        %mul3A_513 = arith.constant 16 : i32
        %mul3A_514 = arith.muli %scan3A_470, %mul3A_513 : i32
        %add3A_515 = arith.addi %mul3A_2, %mul3A_514 : i32
        %add3A_516 = vector.broadcast %add3A_515 : i32 to vector<16xi32>
        %add3A_517 = arith.addi %add3A_516, %iota3A : vector<16xi32>
        %eq3A_518 = arith.constant 1 : i32
        %eq3A_519 = vector.broadcast %eq3A_518 : i32 to vector<16xi32>
        %eq3A_520 = arith.cmpi eq, %convert_element_type3A_506, %eq3A_519 : vector<16xi32>
        %sub3A_521 = arith.subi %add3A_517, %add3A_512 : vector<16xi32>
        %add3A_522 = vector.broadcast %scan3A_21#1 : i32 to vector<16xi32>
        %add3A_523 = arith.addi %add3A_522, %sub3A_521 : vector<16xi32>
        %select_n3A_524 = arith.select %eq3A_520, %add3A_512, %add3A_523 : vector<16xi1>, vector<16xi32>
        %lt3A_525 = arith.constant 1638 : i32
        %lt3A_526 = vector.broadcast %lt3A_525 : i32 to vector<16xi32>
        %lt3A_527 = arith.cmpi slt, %select_n3A_524, %lt3A_526 : vector<16xi32>
        %mul3A_528 = arith.constant 16 : i32
        %mul3A_529 = arith.muli %scan3A_470, %mul3A_528 : i32
        %get3A_530 = arith.index_cast %mul3A_529 : i32 to index
        %get3A_531 = tpu.vector_load %arg8[%get3A_530] {strides = array<i32>} : memref<1024xf32, #tpu.memory_space<vmem>>, vector<16xf32>,
        %jit3A_532 = arith.constant 0.000000e+00 : f32
        %broadcast_in_dim3A_533 = vector.broadcast %jit3A_532 : f32 to vector<16xf32>
        %select_n3A_534 = arith.select %lt3A_527, %get3A_531, %broadcast_in_dim3A_533 : vector<16xi1>, vector<16xf32>
        %reduce_sum3A_535 = arith.constant true
        %reduce_sum3A_536 = vector.broadcast %reduce_sum3A_535 : i1 to vector<16xi1>
        %reduce_sum3A_537 = tpu.scan <sum>, %select_n3A_534 masked %reduce_sum3A_536 : vector<16xf32>, vector<16xi1> -> vector<16xf32>
        %reduce_sum3A_538 = vector.extract %reduce_sum3A_537[15] : f32 from vector<16xf32>
        %add3A_539 = arith.addf %scan3A_473, %reduce_sum3A_538 : f32
        %reduce_sum3A_540 = arith.constant true
        %reduce_sum3A_541 = vector.broadcast %reduce_sum3A_540 : i1 to vector<16xi1>
        %reduce_sum3A_542 = tpu.scan <sum>, %convert_element_type3A_506 masked %reduce_sum3A_541 : vector<16xi32>, vector<16xi1> -> vector<16xi32>
        %reduce_sum3A_543 = vector.extract %reduce_sum3A_542[15] : i32 from vector<16xi32>
        %add3A_544 = arith.addi %scan3A_474, %reduce_sum3A_543 : i32
        scf.yield %add3A, %add3A_498, %add3A_539, %add3A_544 : i32, f32, f32, i32
      }
      %scan3A_439 = arith.constant 64 : i32
      %eq3A_440 = arith.constant 0 : i32
      %eq3A_441 = vector.broadcast %eq3A_440 : i32 to vector<16xi32>
      %eq3A_442 = arith.cmpi eq, %iota3A, %eq3A_441 : vector<16xi32>
      %eq3A_443 = arith.constant 1 : i32
      %eq3A_444 = vector.broadcast %eq3A_443 : i32 to vector<16xi32>
      %eq3A_445 = arith.cmpi eq, %iota3A, %eq3A_444 : vector<16xi32>
      %eq3A_446 = arith.constant 2 : i32
      %eq3A_447 = vector.broadcast %eq3A_446 : i32 to vector<16xi32>
      %eq3A_448 = arith.cmpi eq, %iota3A, %eq3A_447 : vector<16xi32>
      %convert_element_type3A_449 = arith.sitofp %scan3A_438#0 : i32 to f32
      %broadcast_in_dim3A_450 = vector.broadcast %scan3A_438#1 : f32 to vector<16xf32>
      %broadcast_in_dim3A_451 = vector.broadcast %convert_element_type3A_449 : f32 to vector<16xf32>
      %select_n3A = arith.select %eq3A_448, %broadcast_in_dim3A_450, %broadcast_in_dim3A_451 : vector<16xi1>, vector<16xf32>
      %broadcast_in_dim3A_452 = vector.broadcast %scan3A_438#2 : f32 to vector<16xf32>
      %select_n3A_453 = arith.select %eq3A_445, %broadcast_in_dim3A_452, %select_n3A : vector<16xi1>, vector<16xf32>
      %broadcast_in_dim3A_454 = vector.broadcast %scan3A_8#0 : f32 to vector<16xf32>
      %select_n3A_455 = arith.select %eq3A_442, %broadcast_in_dim3A_454, %select_n3A_453 : vector<16xi1>, vector<16xf32>
      %lt3A = arith.constant 4 : i32
      %lt3A_456 = vector.broadcast %lt3A : i32 to vector<16xi32>
      %lt3A_457 = arith.cmpi slt, %iota3A, %lt3A_456 : vector<16xi32>
      %jit3A = arith.constant 0.000000e+00 : f32
      %broadcast_in_dim3A_458 = vector.broadcast %jit3A : f32 to vector<16xf32>
      %select_n3A_459 = arith.select %lt3A_457, %select_n3A_455, %broadcast_in_dim3A_458 : vector<16xi1>, vector<16xf32>
      %swap3A_460 = arith.constant 0 : index
      %swap3A_461 = tpu.vector_load %arg15[%swap3A_460] {strides = array<i32>} : memref<32xf32, #tpu.memory_space<vmem>>, vector<16xf32>,
      tpu.vector_store %arg15[%swap3A_460], %select_n3A_459 {strides = array<i32>} : memref<32xf32, #tpu.memory_space<vmem>>, vector<16xf32>,
      %mul3A_462 = arith.constant 16 : i32
      %mul3A_463 = arith.muli %arg1, %mul3A_462 : i32
      "tpu.region"() ({
        %run_scoped3A = tpu.sem_alloc : memref<!tpu.dma_semaphore, #tpu.memory_space<semaphore_mem>>
        %dma_start3A = arith.constant 0 : i32
        %dma_start3A_470 = tpu.memref_slice %arg15[%dma_start3A] : memref<32xf32, #tpu.memory_space<vmem>> -> memref<16xf32, #tpu.memory_space<vmem>>
        %dma_start3A_471 = tpu.memref_slice %arg17[%mul3A_463] : memref<256xf32, #tpu.memory_space<vmem_shared>> -> memref<16xf32, #tpu.memory_space<vmem_shared>>
        %dma_start3A_472 = tpu.memref_slice %arg17[%mul3A_463] : memref<256xf32, #tpu.memory_space<vmem_shared>> -> memref<16xf32, #tpu.memory_space<vmem_shared>>
        %dma_start3A_473 = arith.constant 0 : i32
        %dma_start3A_474 = tpu.memref_slice %arg15[%dma_start3A_473] : memref<32xf32, #tpu.memory_space<vmem>> -> memref<16xf32, #tpu.memory_space<vmem>>
        tpu.enqueue_dma source(%dma_start3A_474 : memref<16xf32, #tpu.memory_space<vmem>>) target(%dma_start3A_472 : memref<16xf32, #tpu.memory_space<vmem_shared>>) target_semaphore(%run_scoped3A : memref<!tpu.dma_semaphore, #tpu.memory_space<semaphore_mem>>)
        %dma_wait3A = arith.constant 0 : i32
        %dma_wait3A_475 = tpu.memref_slice %arg15[%dma_wait3A] : memref<32xf32, #tpu.memory_space<vmem>> -> memref<16xf32, #tpu.memory_space<vmem>>
        %dma_wait3A_476 = tpu.memref_slice %arg17[%mul3A_463] : memref<256xf32, #tpu.memory_space<vmem_shared>> -> memref<16xf32, #tpu.memory_space<vmem_shared>>
        %dma_wait3A_477 = tpu.memref_slice %arg17[%mul3A_463] : memref<256xf32, #tpu.memory_space<vmem_shared>> -> memref<16xf32, #tpu.memory_space<vmem_shared>>
        %dma_wait3A_478 = arith.constant 0 : i32
        %dma_wait3A_479 = tpu.memref_slice %arg15[%dma_wait3A_478] : memref<32xf32, #tpu.memory_space<vmem>> -> memref<16xf32, #tpu.memory_space<vmem>>
        tpu.wait_dma2 semaphore(%run_scoped3A : memref<!tpu.dma_semaphore, #tpu.memory_space<semaphore_mem>>) src(%dma_wait3A_479 : memref<16xf32, #tpu.memory_space<vmem>>) dst(%dma_wait3A_477 : memref<16xf32, #tpu.memory_space<vmem_shared>>)
        tpu.yield
      }) : () -> ()
      %barrier3A_464 = arith.constant 0 : index
      tpu.barrier barrier_id(%barrier3A_464)
      %eq3A_465 = arith.constant 0 : i32
      %eq3A_466 = arith.cmpi eq, %arg1, %eq3A_465 : i32
      %convert_element_type3A_467 = arith.extui %eq3A_466 : i1 to i32
      %cond3A_468 = arith.constant 0 : i32
      %cond3A_469 = arith.cmpi ne, %convert_element_type3A_467, %cond3A_468 : i32
      scf.if %cond3A_469 {
        "tpu.region"() ({
          %run_scoped3A = tpu.sem_alloc : memref<!tpu.dma_semaphore, #tpu.memory_space<semaphore_mem>>
          tpu.enqueue_dma source(%arg17 : memref<256xf32, #tpu.memory_space<vmem_shared>>) target(%arg14 : memref<256xf32, #tpu.memory_space<vmem>>) target_semaphore(%run_scoped3A : memref<!tpu.dma_semaphore, #tpu.memory_space<semaphore_mem>>)
          tpu.wait_dma2 semaphore(%run_scoped3A : memref<!tpu.dma_semaphore, #tpu.memory_space<semaphore_mem>>) src(%arg17 : memref<256xf32, #tpu.memory_space<vmem_shared>>) dst(%arg14 : memref<256xf32, #tpu.memory_space<vmem>>)
          tpu.yield
        }) : () -> ()
        %broadcast_in_dim3A_470 = arith.constant 0.000000e+00 : f32
        %broadcast_in_dim3A_471 = vector.broadcast %broadcast_in_dim3A_470 : f32 to vector<16xf32>
        %scan3A_472 = arith.constant 0 : i32
        %scan3A_473 = arith.constant 16 : i32
        %scan3A_474 = arith.addi %scan3A_472, %scan3A_473 : i32
        %scan3A_475 = arith.constant 1 : i32
        %scan3A_476 = scf.for %scan3A_504 = %scan3A_472 to %scan3A_474 step %scan3A_475 iter_args(%scan3A_505 = %broadcast_in_dim3A_471) -> (vector<16xf32>)  : i32 {
          %mul3A_506 = arith.constant 16 : i32
          %mul3A_507 = arith.muli %scan3A_504, %mul3A_506 : i32
          %get3A = arith.index_cast %mul3A_507 : i32 to index
          %get3A_508 = tpu.vector_load %arg14[%get3A] {strides = array<i32>} : memref<256xf32, #tpu.memory_space<vmem>>, vector<16xf32>,
          %add3A_509 = arith.addf %scan3A_505, %get3A_508 : vector<16xf32>
          scf.yield %add3A_509 : vector<16xf32>
        }
        %scan3A_477 = arith.constant 16 : i32
        %broadcast_in_dim3A_478 = vector.broadcast %xor3A_429 : i32 to vector<16xi32>
        %lt3A_479 = arith.constant 0 : i32
        %lt3A_480 = vector.broadcast %lt3A_479 : i32 to vector<16xi32>
        %lt3A_481 = arith.cmpi slt, %broadcast_in_dim3A_478, %lt3A_480 : vector<16xi32>
        %xor3A_482 = arith.constant 2147483647 : i32
        %xor3A_483 = vector.broadcast %xor3A_482 : i32 to vector<16xi32>
        %xor3A_484 = arith.xori %broadcast_in_dim3A_478, %xor3A_483 : vector<16xi32>
        %select_n3A_485 = arith.select %lt3A_481, %xor3A_484, %broadcast_in_dim3A_478 : vector<16xi1>, vector<16xi32>
        %bitcast_convert_type3A = tpu.bitcast %select_n3A_485 : vector<16xi32> -> vector<16xf32>
        %slice3A = vector.extract_strided_slice %scan3A_476 {offsets = [0], sizes = [1], strides = [1]} : vector<16xf32> to vector<1xf32>
        %squeeze3A = vector.extract %slice3A[0] : f32 from vector<1xf32>
        %slice3A_486 = vector.extract_strided_slice %scan3A_476 {offsets = [1], sizes = [1], strides = [1]} : vector<16xf32> to vector<1xf32>
        %squeeze3A_487 = vector.extract %slice3A_486[0] : f32 from vector<1xf32>
        %slice3A_488 = vector.extract_strided_slice %scan3A_476 {offsets = [2], sizes = [1], strides = [1]} : vector<16xf32> to vector<1xf32>
        %squeeze3A_489 = vector.extract %slice3A_488[0] : f32 from vector<1xf32>
        %slice3A_490 = vector.extract_strided_slice %scan3A_476 {offsets = [3], sizes = [1], strides = [1]} : vector<16xf32> to vector<1xf32>
        %squeeze3A_491 = vector.extract %slice3A_490[0] : f32 from vector<1xf32>
        %slice3A_492 = vector.extract_strided_slice %bitcast_convert_type3A {offsets = [0], sizes = [1], strides = [1]} : vector<16xf32> to vector<1xf32>
        %squeeze3A_493 = vector.extract %slice3A_492[0] : f32 from vector<1xf32>
        %add3A = arith.addf %squeeze3A, %squeeze3A_489 : f32
        %sub3A_494 = arith.constant 1.638000e+03 : f32
        %sub3A_495 = arith.subf %sub3A_494, %squeeze3A_491 : f32
        %mul3A_496 = arith.mulf %sub3A_495, %squeeze3A_493 : f32
        %add3A_497 = arith.addf %add3A, %mul3A_496 : f32
        %sub3A_498 = arith.subf %add3A_497, %squeeze3A_487 : f32
        %mul3A_499 = arith.constant 6.10351563E-5 : f32
        %mul3A_500 = arith.mulf %sub3A_498, %mul3A_499 : f32
        %broadcast_in_dim3A_501 = vector.broadcast %mul3A_500 : f32 to vector<16xf32>
        %swap3A_502 = arith.constant 0 : index
        %swap3A_503 = tpu.vector_load %arg15[%swap3A_502] {strides = array<i32>} : memref<32xf32, #tpu.memory_space<vmem>>, vector<16xf32>,
        tpu.vector_store %arg15[%swap3A_502], %broadcast_in_dim3A_501 {strides = array<i32>} : memref<32xf32, #tpu.memory_space<vmem>>, vector<16xf32>,
        "tpu.region"() ({
          %run_scoped3A = tpu.sem_alloc : memref<!tpu.dma_semaphore, #tpu.memory_space<semaphore_mem>>
          %dma_start3A = arith.constant 0 : i32
          %dma_start3A_504 = tpu.memref_slice %arg15[%dma_start3A] : memref<32xf32, #tpu.memory_space<vmem>> -> memref<16xf32, #tpu.memory_space<vmem>>
          %dma_start3A_505 = arith.constant 0 : i32
          %dma_start3A_506 = tpu.memref_slice %arg15[%dma_start3A_505] : memref<32xf32, #tpu.memory_space<vmem>> -> memref<16xf32, #tpu.memory_space<vmem>>
          tpu.enqueue_dma source(%dma_start3A_506 : memref<16xf32, #tpu.memory_space<vmem>>) target(%arg6 : memref<16xf32, #tpu.memory_space<hbm>>) target_semaphore(%run_scoped3A : memref<!tpu.dma_semaphore, #tpu.memory_space<semaphore_mem>>)
          %dma_wait3A = arith.constant 0 : i32
          %dma_wait3A_507 = tpu.memref_slice %arg15[%dma_wait3A] : memref<32xf32, #tpu.memory_space<vmem>> -> memref<16xf32, #tpu.memory_space<vmem>>
          %dma_wait3A_508 = arith.constant 0 : i32
          %dma_wait3A_509 = tpu.memref_slice %arg15[%dma_wait3A_508] : memref<32xf32, #tpu.memory_space<vmem>> -> memref<16xf32, #tpu.memory_space<vmem>>
          tpu.wait_dma2 semaphore(%run_scoped3A : memref<!tpu.dma_semaphore, #tpu.memory_space<semaphore_mem>>) src(%dma_wait3A_509 : memref<16xf32, #tpu.memory_space<vmem>>) dst(%arg6 : memref<16xf32, #tpu.memory_space<hbm>>)
          tpu.yield
        }) : () -> ()
      } else {
      }
    } else {
    }
    return
  }
}

module attributes {stable_mosaic.version = 14 : i64} {
  func.func @_rows_body(%arg0: i32, %arg1: memref<256x1000xf32, #tpu.memory_space<vmem>>, %arg2: memref<256x1xi32, #tpu.memory_space<vmem>>, %arg3: memref<256x1xf32, #tpu.memory_space<vmem>>, %arg4: memref<256x1xf32, #tpu.memory_space<vmem>>, %arg5: memref<256x1xf32, #tpu.memory_space<vmem>>) attributes {dimension_semantics = [#tpu.dimension_semantics<arbitrary>], iteration_bounds = array<i64: 64>, scalar_prefetch = 0 : i64, scratch_operands = 0 : i64, tpu.core_type = #tpu.core_type<tc>, window_params = [{transform_indices = @transform_0, window_bounds = array<i64: 256, 1000>}, {transform_indices = @transform_1, window_bounds = array<i64: 256, 1>}, {transform_indices = @transform_2, window_bounds = array<i64: 256, 1>}, {transform_indices = @transform_3, window_bounds = array<i64: 256, 1>}, {transform_indices = @transform_4, window_bounds = array<i64: 256, 1>}]} {
    %get3A = arith.constant 0 : index
    %get3A_0 = arith.constant 0 : index
    %get3A_1 = vector.load %arg1[%get3A, %get3A_0] : memref<256x1000xf32, #tpu.memory_space<vmem>>, vector<256x1000xf32>
    %get3A_2 = arith.constant 0 : index
    %get3A_3 = arith.constant 0 : index
    %get3A_4 = vector.load %arg2[%get3A_2, %get3A_3] : memref<256x1xi32, #tpu.memory_space<vmem>>, vector<256x1xi32>
    %reduce_max3A = arith.constant dense<0xFF800000> : vector<256xf32>
    %reduce_max3A_5 = vector.multi_reduction <maximumf>, %get3A_1, %reduce_max3A [1] : vector<256x1000xf32> to vector<256xf32>
    %broadcast_in_dim3A = vector.shape_cast %reduce_max3A_5 : vector<256xf32> to vector<256x1xf32>
    %sub3A = vector.broadcast %broadcast_in_dim3A : vector<256x1xf32> to vector<256x1000xf32>
    %sub3A_6 = arith.subf %get3A_1, %sub3A : vector<256x1000xf32>
    %exp3A = math.exp %sub3A_6 : vector<256x1000xf32>
    %reduce_sum3A = arith.constant dense<0.000000e+00> : vector<256xf32>
    %reduce_sum3A_7 = vector.multi_reduction <add>, %exp3A, %reduce_sum3A [1] : vector<256x1000xf32> to vector<256xf32>
    %broadcast_in_dim3A_8 = vector.shape_cast %reduce_sum3A_7 : vector<256xf32> to vector<256x1xf32>
    %iota3A = tpu.iota {dimensions = array<i32: 1>} : vector<256x1000xi32>
    %eq3A = vector.broadcast %get3A_4 : vector<256x1xi32> to vector<256x1000xi32>
    %eq3A_9 = arith.cmpi eq, %iota3A, %eq3A : vector<256x1000xi32>
    %jit3A = arith.constant 0.000000e+00 : f32
    %broadcast_in_dim3A_10 = vector.broadcast %jit3A : f32 to vector<256x1000xf32>
    %select_n3A = arith.select %eq3A_9, %exp3A, %broadcast_in_dim3A_10 : vector<256x1000xi1>, vector<256x1000xf32>
    %reduce_sum3A_11 = arith.constant dense<0.000000e+00> : vector<256xf32>
    %reduce_sum3A_12 = vector.multi_reduction <add>, %select_n3A, %reduce_sum3A_11 [1] : vector<256x1000xf32> to vector<256xf32>
    %broadcast_in_dim3A_13 = vector.shape_cast %reduce_sum3A_12 : vector<256xf32> to vector<256x1xf32>
    %slice3A = vector.extract_strided_slice %exp3A {offsets = [0, 0], sizes = [256, 1], strides = [1, 1]} : vector<256x1000xf32> to vector<256x1xf32>
    %slice3A_14 = vector.extract_strided_slice %exp3A {offsets = [0, 1], sizes = [256, 1], strides = [1, 1]} : vector<256x1000xf32> to vector<256x1xf32>
    %ge3A = arith.constant 1 : i32
    %ge3A_15 = vector.broadcast %ge3A : i32 to vector<256x1000xi32>
    %ge3A_16 = arith.cmpi sge, %iota3A, %ge3A_15 : vector<256x1000xi32>
    %not3A = arith.constant dense<true> : vector<256x1000xi1>
    %not3A_17 = arith.xori %eq3A_9, %not3A : vector<256x1000xi1>
    %and3A = arith.andi %ge3A_16, %not3A_17 : vector<256x1000xi1>
    %jit3A_18 = arith.constant 0.000000e+00 : f32
    %broadcast_in_dim3A_19 = vector.broadcast %jit3A_18 : f32 to vector<256x1000xf32>
    %select_n3A_20 = arith.select %and3A, %exp3A, %broadcast_in_dim3A_19 : vector<256x1000xi1>, vector<256x1000xf32>
    %reduce_max3A_21 = arith.constant dense<0xFF800000> : vector<256xf32>
    %reduce_max3A_22 = vector.multi_reduction <maximumf>, %select_n3A_20, %reduce_max3A_21 [1] : vector<256x1000xf32> to vector<256xf32>
    %broadcast_in_dim3A_23 = vector.shape_cast %reduce_max3A_22 : vector<256xf32> to vector<256x1xf32>
    %eq3A_24 = arith.constant 0 : i32
    %eq3A_25 = vector.broadcast %eq3A_24 : i32 to vector<256x1xi32>
    %eq3A_26 = arith.cmpi eq, %get3A_4, %eq3A_25 : vector<256x1xi32>
    %mul3A = arith.constant 2.000000e+00 : f32
    %mul3A_27 = vector.broadcast %mul3A : f32 to vector<256x1xf32>
    %mul3A_28 = arith.mulf %mul3A_27, %broadcast_in_dim3A_23 : vector<256x1xf32>
    %mul3A_29 = arith.constant 2.000000e+00 : f32
    %mul3A_30 = vector.broadcast %mul3A_29 : f32 to vector<256x1xf32>
    %mul3A_31 = arith.mulf %mul3A_30, %broadcast_in_dim3A_13 : vector<256x1xf32>
    %sub3A_32 = arith.subf %mul3A_31, %broadcast_in_dim3A_8 : vector<256x1xf32>
    %jit3A_33 = arith.constant -1.000000e+30 : f32
    %broadcast_in_dim3A_34 = vector.broadcast %jit3A_33 : f32 to vector<256x1xf32>
    %select_n3A_35 = arith.select %eq3A_26, %broadcast_in_dim3A_34, %sub3A_32 : vector<256x1xi1>, vector<256x1xf32>
    %max3A = arith.maximumf %mul3A_28, %select_n3A_35 : vector<256x1xf32>
    %div3A = arith.divf %slice3A, %broadcast_in_dim3A_8 : vector<256x1xf32>
    %div3A_36 = arith.divf %max3A, %broadcast_in_dim3A_8 : vector<256x1xf32>
    %mul3A_37 = arith.constant 2.000000e+00 : f32
    %mul3A_38 = vector.broadcast %mul3A_37 : f32 to vector<256x1xf32>
    %mul3A_39 = arith.mulf %mul3A_38, %div3A : vector<256x1xf32>
    %sub3A_40 = arith.subf %div3A_36, %mul3A_39 : vector<256x1xf32>
    %jit3A_41 = arith.constant 1.000000e+00 : f32
    %jit3A_42 = arith.constant 0.000000e+00 : f32
    %broadcast_in_dim3A_43 = vector.broadcast %jit3A_41 : f32 to vector<256x1xf32>
    %broadcast_in_dim3A_44 = vector.broadcast %jit3A_42 : f32 to vector<256x1xf32>
    %select_n3A_45 = arith.select %eq3A_26, %broadcast_in_dim3A_43, %broadcast_in_dim3A_44 : vector<256x1xi1>, vector<256x1xf32>
    %add3A = arith.addf %sub3A_40, %select_n3A_45 : vector<256x1xf32>
    %swap3A = arith.constant 0 : index
    %swap3A_46 = arith.constant 0 : index
    %swap3A_47 = vector.load %arg3[%swap3A, %swap3A_46] : memref<256x1xf32, #tpu.memory_space<vmem>>, vector<256x1xf32>
    tpu.vector_store %arg3[%swap3A, %swap3A_46], %add3A {strides = array<i32>} : memref<256x1xf32, #tpu.memory_space<vmem>>, vector<256x1xf32>,
    %select_n3A_48 = arith.select %eq3A_26, %slice3A_14, %broadcast_in_dim3A_13 : vector<256x1xi1>, vector<256x1xf32>
    %div3A_49 = arith.divf %select_n3A_48, %broadcast_in_dim3A_8 : vector<256x1xf32>
    %sub3A_50 = arith.subf %div3A_49, %div3A : vector<256x1xf32>
    %swap3A_51 = arith.constant 0 : index
    %swap3A_52 = arith.constant 0 : index
    %swap3A_53 = vector.load %arg4[%swap3A_51, %swap3A_52] : memref<256x1xf32, #tpu.memory_space<vmem>>, vector<256x1xf32>
    tpu.vector_store %arg4[%swap3A_51, %swap3A_52], %sub3A_50 {strides = array<i32>} : memref<256x1xf32, #tpu.memory_space<vmem>>, vector<256x1xf32>,
    %sub3A_54 = arith.subf %div3A_49, %div3A_36 : vector<256x1xf32>
    %swap3A_55 = arith.constant 0 : index
    %swap3A_56 = arith.constant 0 : index
    %swap3A_57 = vector.load %arg5[%swap3A_55, %swap3A_56] : memref<256x1xf32, #tpu.memory_space<vmem>>, vector<256x1xf32>
    tpu.vector_store %arg5[%swap3A_55, %swap3A_56], %sub3A_54 {strides = array<i32>} : memref<256x1xf32, #tpu.memory_space<vmem>>, vector<256x1xf32>,
    return
  }
  func.func @transform_0(%arg0: i32) -> (i32, i32) {
    %c0_i32 = arith.constant 0 : i32
    %c0_i32_0 = arith.constant 0 : i32
    return %arg0, %c0_i32 : i32, i32
  }
  func.func @transform_1(%arg0: i32) -> (i32, i32) {
    %c0_i32 = arith.constant 0 : i32
    %c0_i32_0 = arith.constant 0 : i32
    return %arg0, %c0_i32 : i32, i32
  }
  func.func @transform_2(%arg0: i32) -> (i32, i32) {
    %c0_i32 = arith.constant 0 : i32
    %c0_i32_0 = arith.constant 0 : i32
    return %arg0, %c0_i32 : i32, i32
  }
  func.func @transform_3(%arg0: i32) -> (i32, i32) {
    %c0_i32 = arith.constant 0 : i32
    %c0_i32_0 = arith.constant 0 : i32
    return %arg0, %c0_i32 : i32, i32
  }
  func.func @transform_4(%arg0: i32) -> (i32, i32) {
    %c0_i32 = arith.constant 0 : i32
    %c0_i32_0 = arith.constant 0 : i32
    return %arg0, %c0_i32 : i32, i32
  }
}

</mosaic_0001>

<sc_bundles>
// kernel: kernel.4.cloned.1.call-start
scs
__scs_entry_jumppad:
0x0: {  	(pc) =	sbr.rel $0x88, $3  }
0x1: {  	(tag) =	ssettag $0x0;
	lr =	simm.s32 $0x1  }
0x2: {  	[smem:$0x3F9F] =	sst lr;
	_ =	strace $0xD0000000  }
0x3: {  	_ = 	snop  }
0x4: {  	_ = 	snop  }
0x5: {  	_ = 	snop  }
0x6: {  	_ = 	snop  }
0x7: {  	_ = 	snop  }
__scs_overlays_trampoline_lowered:
0x8: {  	[smem:$0x3FAE] =	sst s0  }
0x9: {  	[smem:$0x3FAF] =	sst s1  }
0xa: {  	[smem:$0x3FB0] =	sst s2  }
0xb: {  	[smem:$0x3FB1] =	sst s3  }
0xc: {  	[smem:$0x3FB2] =	sst s4  }
0xd: {  	[smem:$0x3FB3] =	sst s5  }
0xe: {  	[smem:$0x3FB4] =	sst s6  }
0xf: {  	[smem:$0x3FB5] =	sst s7  }
0x10: {  	[smem:$0x3FB6] =	sst s8  }
0x11: {  	[smem:$0x3FB7] =	sst s9;
	s0 =	simm.s32 @!p0 $0x0  }
0x12: {  	s1 =	sld [smem:$0x3F9D];
	s0 =	simm.s32 @p0 $0x1  }
0x13: {  	[smem:$0x3FB8] =	sst s0;
	s0 =	simm.s32 @!p1 $0x0  }
0x14: {  	s2 =	sld [smem:$0x3F9C];
	s0 =	simm.s32 @p1 $0x1  }
0x15: {  	[smem:$0x3FB9] =	sst s0;
	s0 =	simm.s32 @!p2 $0x0  }
0x16: {  	s3 =	sld [smem:$0x3FDB];
	s0 =	simm.s32 @p2 $0x1  }
0x17: {  	s4 =	simm.s32 $0x1BF5;
	[smem:$0x3FBB] =	sst s0  }
0x18: {  	s0 =	sld [smem:$0x3F9E];
	_ =	swait.ge [sflag:s4], $0x0  }
0x19: {  	s7 =	sld [smem:$0x3F9F]  }
0x1a: {  	s8 =	sadd.s32 $0xFFFFE003, lr  }
0x1b: {  	s9 =	sadd.s32 $0xFFFFFEF7, lr;
	s5 =	simm.s32 $0xFFFFFFFF;
	p2 =	slt.u32 s8, $0xFFFFF086  }
0x1c: {  	p1 =	slt.u32 s9, $0xF7A;
	s5 =	simm.s32 @!p2 $0x0  }
0x1d: {  	s5 =	simm.s32 @p1 $0x1;
	p0 =	seq.s32 s7, s2  }
0x1e: {  	s7 =	smul.u32 @!p0 $0xF7A, s2;
	p2 =	seq.s32 @!p0 s5, $0x0  }
0x1f: {  	s9 =	smul.u32 $0xF7A, s1;
	s8 =	simm.s32 @!p0 $0x1BF5;
	p2 =	por !p2, p0  }
0x20: {  	[sflag:s8] =	ssyncset.s32 @!p0 $0xFFFFF086;
	s6 =	sadd.s32 @!p0 s3, s7;
	s7 =	simm.s32 @!p0 $0x108  }
0x21: {  	s3 =	sadd.s32 s3, s9;
	s6 =	sadd.s32 @!p0 $0x88, s6;
	s7 =	simm.s32 @p2 $0x1082  }
0x22: {  	[simem:s7], [sflag:s8] =	dma.local @!p0 [hbm:s6], $0xF7A  }
0x23: {  	s9 =	sor.u32 $0xD0000000, s2;
	s6 =	simm.s32 $0x108;
	_ =	swait.ge @!p0 [sflag:s8], $0x0  }
0x24: {  	s3 =	sadd.s32 $0x88, s3;
	s6 =	simm.s32 @!p1 $0x1082;
	[sflag:s4] =	ssyncset.s32 $0xFFFFF086  }
0x25: {  	[simem:s6], [sflag:s4] =	dma.local [hbm:s3], $0xF7A  }
0x26: {  	[smem:$0x3F9F] =	sst s1;
	(tag) =	ssettag s2;
	_ =	strace s9  }
0x27: {  	s1 =	sld [smem:$0x3FAF]  }
0x28: {  	s2 =	sld [smem:$0x3FB0]  }
0x29: {  	s4 =	sld [smem:$0x3FB2]  }
0x2a: {  	p0 =	seq.s32 s5, $0x0;
	s5 =	sld [smem:$0x3FB3]  }
0x2b: {  	s6 =	sld [smem:$0x3FB4]  }
0x2c: {  	s7 =	sld [smem:$0x3FB5]  }
0x2d: {  	s3 =	simm.s32 $0x108;
	s8 =	sld [smem:$0x3FB6]  }
0x2e: {  	s3 =	simm.s32 @!p0 $0x1082;
	s9 =	sld [smem:$0x3FB7]  }
0x2f: {  	lr =	sadd.s32 s0, s3;
	s0 =	sld [smem:$0x3FAE]  }
0x30: {  	s3 =	sld [smem:$0x3FB1]  }
0x31: {  	[smem:$0x3FBA] =	sst s10  }
0x32: {  	s10 =	sld [smem:$0x3FB8];
	_ =	sdelay $0x3  }
0x33: {  	p0 =	seq.s32 s10, $0x1;
	s10 =	sld [smem:$0x3FBA];
	_ =	sdelay $0x3  }
0x34: {  	[smem:$0x3FBA] =	sst s10  }
0x35: {  	s10 =	sld [smem:$0x3FB9];
	_ =	sdelay $0x3  }
0x36: {  	p1 =	seq.s32 s10, $0x1;
	s10 =	sld [smem:$0x3FBA];
	_ =	sdelay $0x3  }
0x37: {  	[smem:$0x3FBA] =	sst s10  }
0x38: {  	s10 =	sld [smem:$0x3FBB]  }
0x39: {  	_ = 	snop;
	(pc) =	sbr.ind lr, $3  }
0x3a: {  	_ = 	snop  }
0x3b: {  	_ = 	snop  }
0x3c: {  	p2 =	seq.s32 s10, $0x1;
	s10 =	sld [smem:$0x3FBA]  }
0x3d: {  	_ =	shalt  }
0x3e: {  	_ =	shalt  }
0x3f: {  	_ =	shalt  }
0x40: {  	_ =	shalt  }
0x41: {  	_ =	shalt  }
0x42: {  	_ =	shalt  }
0x43: {  	_ =	shalt  }
0x44: {  	_ =	shalt  }
0x45: {  	_ =	shalt  }
0x46: {  	_ =	shalt  }
0x47: {  	_ =	shalt  }
0x48: {  	_ =	shalt  }
0x49: {  	_ =	shalt  }
0x4a: {  	_ =	shalt  }
0x4b: {  	_ =	shalt  }
0x4c: {  	_ =	shalt  }
0x4d: {  	_ =	shalt  }
0x4e: {  	_ =	shalt  }
0x4f: {  	_ =	shalt  }
0x50: {  	_ =	shalt  }
0x51: {  	_ =	shalt  }
0x52: {  	_ =	shalt  }
0x53: {  	_ =	shalt  }
0x54: {  	_ =	shalt  }
0x55: {  	_ =	shalt  }
0x56: {  	_ =	shalt  }
0x57: {  	_ =	shalt  }
0x58: {  	_ =	shalt  }
0x59: {  	_ =	shalt  }
0x5a: {  	_ =	shalt  }
0x5b: {  	_ =	shalt  }
0x5c: {  	_ =	shalt  }
0x5d: {  	_ =	shalt  }
0x5e: {  	_ =	shalt  }
0x5f: {  	_ =	shalt  }
0x60: {  	_ =	shalt  }
0x61: {  	_ =	shalt  }
0x62: {  	_ =	shalt  }
0x63: {  	_ =	shalt  }
0x64: {  	_ =	shalt  }
0x65: {  	_ =	shalt  }
0x66: {  	_ =	shalt  }
0x67: {  	_ =	shalt  }
0x68: {  	_ =	shalt  }
0x69: {  	_ =	shalt  }
0x6a: {  	_ =	shalt  }
0x6b: {  	_ =	shalt  }
0x6c: {  	_ =	shalt  }
0x6d: {  	_ =	shalt  }
0x6e: {  	_ =	shalt  }
0x6f: {  	_ =	shalt  }
0x70: {  	_ =	shalt  }
0x71: {  	_ =	shalt  }
0x72: {  	_ =	shalt  }
0x73: {  	_ =	shalt  }
0x74: {  	_ =	shalt  }
0x75: {  	_ =	shalt  }
0x76: {  	_ =	shalt  }
0x77: {  	_ =	shalt  }
0x78: {  	_ =	shalt  }
0x79: {  	_ =	shalt  }
0x7a: {  	_ =	shalt  }
0x7b: {  	_ =	shalt  }
0x7c: {  	_ =	shalt  }
0x7d: {  	_ =	shalt  }
0x7e: {  	_ =	shalt  }
0x7f: {  	_ =	shalt  }
0x80: {  	_ =	shalt  }
0x81: {  	_ =	shalt  }
0x82: {  	_ =	shalt  }
0x83: {  	_ =	shalt  }
0x84: {  	_ =	shalt  }
0x85: {  	_ =	shalt  }
0x86: {  	_ =	shalt  }
0x87: {  	_ =	shalt  }
.Lfunc_end0:
.L_simem_size_0:
called_computation_lowered:
.L_overlay_start_0:
0x88: {  	s2 =	sld [smem:$0x3FD9]  }
0x89: {  	s3 =	sld [smem:$0x3FFE];
	_ =	sdelay $0x1  }
0x8a: {  	s1 =	srdreg.scid  }
0x8b: {  	s0 =	sand.u32 $0x1, s1  }
0x8c: {  	s17 =	sshll.u32 s0, $0xA;
	s2 =	sadd.s32 s3, s2  }
0x8d: {  	s2 =	sadd.s32 s2, s17  }
0x8e: {  	[smem:$0x3FC6] =	sst s2  }
0x8f: {  	_ = 	snop  }
0x90: {  	s2 =	sld [smem:$0x3FC8]  }
0x91: {  	s18 =	sld [smem:$0x3FD0];
	(tm) =	ssettm $0x1  }
0x92: {  	s4 =	sld [smem:$0x3FFB];
	_ =	sdelay $0x3  }
0x93: {  	_ =	strace s4  }
0x94: {  	s4 =	sld [smem:$0x3FFC];
	_ =	sdelay $0x3  }
0x95: {  	_ =	strace s4  }
0x96: {  	s4 =	sld [smem:$0x3FFD];
	_ =	sdelay $0x3  }
0x97: {  	_ =	strace s4  }
0x98: {  	_ =	strace $0x8FFFFFFF  }
0x99: {  	s19 =	sld [smem:$0x3FDB];
	_ =	sdelay $0x1  }
0x9a: {  	s5 =	simm.s32 $_scs_section_size  }
0x9b: {  	s6 =	simm.s32 $_size__tile_overlayer_lowered;
	s7 =	simm.s32 $_tile_overlayer_lowered  }
0x9c: {  	s22 =	simm.s32 $0x1BFF;
	s21 =	sshll.u32 s7, $0x1;
	s4 =	sadd.s32 s5, s19  }
0x9d: {  	s8 =	simm.s32 $0x0;
	s20 =	sshll.u32 s6, $0x1;
	s6 =	sadd.s32 s21, s4  }
0x9e: {  	[timem:s8], [sflag:s22] =	dma.local [hbm:s6], s20  }
0x9f: {  	_ =	swait.ge [sflag:s22], s20  }
0xa0: {  	s5 =	ssub.s32 $0x0, s20;
	[sflag:s22] =	ssyncset.done $0x0  }
0xa1: {  	[sflag:s22] =	ssyncadd.s32 s5;
	_ =	sdelay $0x1  }
0xa2: {  	s23 =	simm.s32 $0x1B8B  }
0xa3: {  	_ =	swait.ge [sflag:s23], $0x1  }
0xa4: {  	[sflag:s23] =	ssyncset.done $0x0  }
0xa5: {  	s25 =	simm.s32 $0x1B8E;
	s24 =	sld [smem:$0x3FFE];
	[sflag:s23] =	ssyncadd.s32 $0xFFFFFFFF  }
0xa6: {  	s26 =	simm.s32 $execute0_lowered;
	[smem:$0x3FD2] =	sst s25  }
0xa7: {  	s6 =	sshll.u32 s26, $0x1;
	_ =	strace $0x80000046;
	[dreg:$0x1] =	wrdreg $0xFFFFFFFF  }
0xa8: {  	s28 =	simm.s32 $_size_execute0_lowered;
	s4 =	sadd.s32 s4, s6;
	[dreg:$0x0] =	wrdreg $0x0  }
0xa9: {  	s6 =	sshll.u32 s28, $0x1;
	[dreg:$0x2] =	wrdreg s4  }
0xaa: {  	[dreg:$0x3] =	wrdreg s6  }
0xab: {  	[dreg:$0x4] =	wrdreg $0xC0  }
0xac: {  	_ =	task [dreg:s8], $0x5FFFF  }
0xad: {  	[dreg:$0x1] =	wrdreg $0xFFFFFFFF  }
0xae: {  	[dreg:$0x0] =	wrdreg $0x60  }
0xaf: {  	[dreg:$0x2] =	wrdreg s24  }
0xb0: {  	[dreg:$0x3] =	wrdreg s2  }
0xb1: {  	[dreg:$0x4] =	wrdreg s18  }
0xb2: {  	[dreg:$0x5] =	wrdreg $0x27800  }
0xb3: {  	[dreg:$0x6] =	wrdreg $0x26800  }
0xb4: {  	[dreg:$0x7] =	wrdreg $0x9  }
0xb5: {  	_ =	task.clear_ibuf [dreg:s8], $0x8FFFF;
	_ =	strace $0x90000046  }
0xb6: {  	s29 =	simm.s32 $0x9;
	_ =	strace $0x80000048  }
0xb7: {  	_ =	swait.ge [sflag:s29], $0x1  }
0xb8: {  	[sflag:s29] =	ssyncadd.s32 $0xFFFFFFFF  }
0xb9: {  	_ =	strace $0x90000048  }
0xba: {  	_ =	sfence  }
0xbb: {  	s30 =	sld [smem:$0x0];
	_ =	sdelay $0x2  }
0xbc: {  	s31 =	sshll.u32 s1, $0xD;
	s1 =	sshrl.u32 s1, $0x2  }
0xbd: {  	s3 =	sand.u32 $0x4000, s31;
	s1 =	sadd.s32 s1, s30  }
0xbe: {  	s0 =	sor.u32 s3, s0;
	s1 =	sshll.u32 s1, $0x11  }
0xbf: {  	s0 =	sor.u32 s1, s0  }
0xc0: {  	s0 =	sadd.s32 $0x8F2B, s0  }
0xc1: {  	[sflag:s0] =	ssyncadd.remote.s32 $0x1  }
0xc2: {  	_ =	sfence.sel $0xFFFF  }
0xc3: {  	[dreg:$0x0] =	wrdreg $0xFFFFFFFF;
	(pc) =	sbr.abs _section_cstart, $3  }
0xc4: {  	[dreg:$0x1] =	wrdreg $0xFFFFFFFF  }
0xc5: {  	_ =	task.clear_ibuf [dreg:s8], $0x2FFFF;
	_ =	strace $0x9FFFFFFF  }
0xc6: {  	(tm) =	ssettm $0x7FFFFFFF  }
0xc7: {  	_ =	shalt  }
tec
execute0_lowered:
.L_overlay_start_1:
0x0: {  	(tag) =	ssettag $0x1  }
0x1: {  	s2 =	srdreg.scid  }
0x2: {  	s6 =	rddreg [dreg:$0x0];
	s2 =	sand.u32 $0x1, s2  }
0x3: {  	s4 =	rddreg [dreg:$0x1];
	p0 =	seq.s32 s2, $0x1  }
.Ltmp0:
0x4: {  	s1 =	rddreg [dreg:$0x2];
	(pc) =	sbr.rel @p0 .LBB2_42-.Ltmp0, $4  }
0x5: {  	s3 =	rddreg [dreg:$0x3]  }
0x6: {  	s9 =	rddreg [dreg:$0x4];
	s5 =	simm.s32 $0x0  }
0x7: {  	[smem:$0x7FF] =	sst s5  }
0x8: {  	s0 =	rddreg [dreg:$0x5];
	_ =	strace $0x80000047;
	s2 =	stileid.u32  }
0x9: {  	s7 =	sshll.u32 s2, $0x7  }
0xa: {  	s22 =	simm.s32 $0x1;
	s8 =	sadd.s32 s6, s7  }
0xb: {  	[tilespmem:s5], [sflag:$0x1] =	stream.linear.gather [hbm4b:s8+s5], $0x400, $0x38;
	[tilespmem:$0x2790] =	vst v63  }
0xc: {  	_ =	swait.ge [sflag:s22], $0x400  }
0xd: {  	s10 =	sadd.s32 $0x800, s6;
	[sflag:s22] =	ssyncset.done $0x0  }
0xe: {  	s11 =	simm.s32 $0x400;
	s10 =	sadd.s32 s10, s7;
	[sflag:s22] =	ssyncadd.s32 $0xFFFFFC00  }
0xf: {  	[tilespmem:s11], [sflag:$0x1] =	stream.linear.gather [hbm4b:s10+s5], $0x400, $0x38;
	[tilespmem:$0x2790] =	vst v63  }
0x10: {  	_ =	swait.ge [sflag:s22], $0x400  }
0x11: {  	s23 =	sadd.s32 $0x1000, s6;
	[sflag:s22] =	ssyncset.done $0x0  }
0x12: {  	s24 =	simm.s32 $0x800;
	s6 =	sadd.s32 s23, s7;
	[sflag:s22] =	ssyncadd.s32 $0xFFFFFC00  }
0x13: {  	[tilespmem:s24], [sflag:$0x1] =	stream.linear.gather [hbm4b:s6+s5], $0x400, $0x38;
	[tilespmem:$0x2790] =	vst v63  }
0x14: {  	_ =	swait.ge [sflag:s22], $0x400  }
0x15: {  	[sflag:s22] =	ssyncset.done $0x0  }
0x16: {  	s25 =	simm.s32 $0xC00;
	s4 =	sadd.s32 s4, s7;
	[sflag:s22] =	ssyncadd.s32 $0xFFFFFC00  }
0x17: {  	[tilespmem:s25], [sflag:$0x1] =	stream.linear.gather [hbm4b:s4+s5], $0x400, $0x38;
	[tilespmem:$0x2790] =	vst v63  }
0x18: {  	_ =	swait.ge [sflag:s22], $0x400  }
0x19: {  	[sflag:s22] =	ssyncset.done $0x0  }
0x1a: {  	s26 =	simm.s32 $0x0;
	[sflag:s22] =	ssyncadd.s32 $0xFFFFFC00  }
0x1b: {  	v0 =	vld [tilespmem:s26+$0x0];
	_ =	sdelay $0x3  }
0x1c: {  	v1 =	vld [tilespmem:s26+$0x800]  }
0x1d: {  	s28 =	simm.s32 $0x10;
	v2 =	vld [tilespmem:s26+$0xC00];
	v4 =	vshra.s32 v0, $0x1F  }
0x1e: {  	v3 =	vld [tilespmem:s28+$0x800];
	v4 =	vor.u32 $0x80000000, v4  }
0x1f: {  	v5 =	vld [tilespmem:s28+$0xC00];
	v0 =	vxor.u32 v0, v4  }
0x20: {  	s29 =	simm.s32 $0x20;
	v6 =	vld [tilespmem:s28+$0x0];
	[tilespmem:s26+$0x1000] =	vst v0  }
0x21: {  	v4 =	vld [tilespmem:s29+$0x800]  }
0x22: {  	(xrf2) =	vadd.scan.msk.f32 $0xffff, v1;
	v1 =	vld [tilespmem:s29+$0xC00]  }
0x23: {  	vm0 =	veq.s32 v2, $0x0;
	v0 =	vimm.s32 $0x0  }
0x24: {  	(xrf2) =	vadd.scan.msk.f32 $0xffff, v3;
	v2 =	vsel vm0, $0x1, v0  }
0x25: {  	vm13 =	veq.s32 v5, $0x0;
	(xrf0) =	vadd.scan.msk.s32 $0xffff, v2  }
0x26: {  	v3 =	vld [tilespmem:s29+$0x0];
	v5 =	vsel vm13, $0x1, v0;
	(xrf2) =	vadd.scan.msk.f32 $0xffff, v4  }
0x27: {  	(xrf0) =	vadd.scan.msk.s32 $0xffff, v5;
	vm14 =	veq.s32 v1, $0x0  }
0x28: {  	v2 =	vshra.s32 v6, $0x1F;
	v1 =	vsel vm14, $0x1, v0  }
0x29: {  	v2 =	vor.u32 $0x80000000, v2;
	(xrf0) =	vadd.scan.msk.s32 $0xffff, v1  }
0x2a: {  	v2 =	vxor.u32 v6, v2  }
0x2b: {  	[tilespmem:s28+$0x1000] =	vst v2;
	v2 =	vshra.s32 v3, $0x1F;
	v5, _, _ =	vpop (xrf0)  }
0x2c: {  	v2 =	vor.u32 $0x80000000, v2;
	v7, _, _ =	vpop (xrf2);
	(v2sf) =	vpush v5, $0xF  }
0x2d: {  	v2 =	vxor.u32 v3, v2;
	v3, _, _ =	vpop (xrf0);
	(v2sf) =	vpush v7, $0xF  }
0x2e: {  	s12 =	simm.s32 $0x30;
	v5, _, _ =	vpop (xrf2);
	(v2sf) =	vpush v3, $0xF  }
0x2f: {  	v4 =	vld [tilespmem:s12+$0x0];
	(v2sf) =	vpush v5, $0xF;
	v5, _, _ =	vpop (xrf0)  }
0x30: {  	v61 =	vld [tilespmem:s12+$0x800];
	(v2sf) =	vpush v5, $0xF;
	v5, _, _ =	vpop (xrf2)  }
0x31: {  	v1 =	vld [tilespmem:s12+$0xC00];
	(v2sf) =	vpush v5, $0xF;
	_ =	sdelay $0x3  }
0x32: {  	s8 =	simm.s32 $0x40;
	[tilespmem:s29+$0x1000] =	vst v2;
	(xrf2) =	vadd.scan.msk.f32 $0xffff, v61  }
0x33: {  	v2 =	vld [tilespmem:s8+$0x800];
	v62 =	vshra.s32 v4, $0x1F;
	vm15 =	veq.s32 v1, $0x0  }
0x34: {  	s7 =	sshll.u32 s2, $0xA;
	v3 =	vld [tilespmem:s8+$0xC00];
	v1 =	vor.u32 $0x80000000, v62;
	v63 =	vsel vm15, $0x1, v0  }
0x35: {  	s31 =	sshrl.u32 s7, $0x2;
	v4 =	vxor.u32 v4, v1;
	v1 =	vld [tilespmem:s8+$0x0];
	(xrf0) =	vadd.scan.msk.s32 $0xffff, v63  }
0x36: {  	s30 =	sshll.u32 s2, $0x4;
	s10 =	sadd.s32 s31, s9  }
0x37: {  	s11 =	simm.s32 $0x140;
	s6 =	simm.f32 $0.0e+00;
	s4 =	sadd.s32 s30, s3;
	[tilespmem:s12+$0x1000] =	vst v4  }
.LBB2_2:
0x38: {  	s12 =	sshra.s32 s11, $0x2;
	p0 =	sne.s32 s11, $0xFC0;
	s11 =	sadd.s32 $0x40, s11;
	(xrf2) =	vadd.scan.msk.f32 $0xffff, v2  }
.Ltmp1:
0x39: {  	v2 =	vld [tilespmem:s12+$0x800];
	vm0 =	veq.s32 v3, $0x0;
	s13 =	spop (v2sf);
	(pc) =	sbr.rel @p0 .LBB2_2-.Ltmp1, $4  }
0x3a: {  	v3 =	vld [tilespmem:s12+$0xC00];
	v4 =	vshra.s32 v1, $0x1F;
	v7 =	vsel vm0, $0x1, v0;
	s5 =	sadd.s32 s5, s13;
	s13 =	spop (v2sf);
	v8 =	vmov v1  }
0x3b: {  	v1 =	vld [tilespmem:s12+$0x0];
	v4 =	vor.u32 $0x80000000, v4;
	(xrf0) =	vadd.scan.msk.s32 $0xffff, v7;
	v5, _, _ =	vpop (xrf0);
	s6 =	sadd.f32 s13, s6  }
0x3c: {  	v4 =	vxor.u32 v8, v4;
	v6, _, _ =	vpop (xrf2);
	(v2sf) =	vpush v5, $0xF  }
0x3d: {  	[tilespmem:s8+$0x1000] =	vst v4;
	(v2sf) =	vpush v6, $0xF;
	s8 =	smov.u32 s12  }
0x3e: {  	_ = 	snop  }
0x3f: {  	vm0 =	veq.s32 v3, $0x0  }
0x40: {  	v0 =	vsel vm0, $0x1, v0  }
0x41: {  	(xrf0) =	vadd.scan.msk.s32 $0xffff, v0  }
0x42: {  	(xrf2) =	vadd.scan.msk.f32 $0xffff, v2;
	_ =	sdelay $0x2  }
0x43: {  	v0, _, _ =	vpop (xrf0)  }
0x44: {  	v2, _, _ =	vpop (xrf2);
	(v2sf) =	vpush v0, $0xF  }
0x45: {  	(v2sf) =	vpush v2, $0xF;
	v0, _, _ =	vpop (xrf0)  }
0x46: {  	(v2sf) =	vpush v0, $0xF;
	_ =	sdelay $0x3  }
0x47: {  	v0, _, _ =	vpop (xrf2)  }
0x48: {  	s11 =	spop (v2sf);
	(v2sf) =	vpush v0, $0xF;
	_ =	sdelay $0x2  }
0x49: {  	s12 =	spop (v2sf)  }
0x4a: {  	s13 =	spop (v2sf)  }
0x4b: {  	s14 =	spop (v2sf)  }
0x4c: {  	s15 =	spop (v2sf)  }
0x4d: {  	s5 =	sadd.s32 s5, s11;
	s18 =	spop (v2sf)  }
0x4e: {  	s5 =	sadd.s32 s5, s13;
	s19 =	spop (v2sf)  }
0x4f: {  	s5 =	sadd.s32 s5, s15;
	s20 =	spop (v2sf)  }
0x50: {  	s5 =	sadd.s32 s5, s19;
	s21 =	spop (v2sf)  }
0x51: {  	v0 =	vshra.s32 v1, $0x1F;
	s5 =	sadd.s32 s5, s21  }
0x52: {  	v0 =	vor.u32 $0x80000000, v0;
	s5 =	scvt.s32.f32 s5  }
0x53: {  	v0 =	vxor.u32 v1, v0  }
0x54: {  	[tilespmem:s8+$0x1000] =	vst v0;
	v0 =	vmov s5  }
0x55: {  	s22 =	simm.s32 $0x2600;
	s24 =	simm.s32 $0x1;
	s23 =	spop (v2sf);
	[tilespmem:$0x2600] =	vst v0  }
0x56: {  	[spmem:s4] =	stream.linear.scatter [tilespmem:s22], [sflag:$0x1], $0x10, $0x38;
	[tilespmem:$0x2790] =	vst v63  }
0x57: {  	_ =	swait.ge [sflag:s24], $0x10  }
0x58: {  	[sflag:s24] =	ssyncset.done $0x0  }
0x59: {  	[sflag:s24] =	ssyncadd.s32 $0xFFFFFFF0  }
0x5a: {  	s25 =	simm.s32 $0x2500;
	[bflag:$0x0] =	sbarrier.arrive $0xFFFF  }
0x5b: {  	[tilespmem:s25], [sflag:$0x1] =	stream.linear.gather [spmem:s3], $0x100, $0x38;
	[tilespmem:$0x2790] =	vst v63  }
0x5c: {  	_ =	swait.ge [sflag:s24], $0x100  }
0x5d: {  	[sflag:s24] =	ssyncset.done $0x0  }
0x5e: {  	[sflag:s24] =	ssyncadd.s32 $0xFFFFFF00  }
0x5f: {  	[bflag:$0x0] =	sbarrier.arrive $0xFFFF  }
0x60: {  	v0 =	vld [tilespmem:s25+$0x0];
	_ =	sdelay $0x3  }
0x61: {  	vm0 =	vmmov $0x1  }
0x62: {  	v0 =	vnsel vm0, $0x0, v0  }
0x63: {  	(xrf2) =	vadd.scan.msk.f32 $0xffff, v0;
	_ =	sdelay $0x9  }
0x64: {  	s26 =	simm.s32 $0x2510;
	v0, _, _ =	vpop (xrf2)  }
0x65: {  	(v2sf) =	vpush v0, $0xF;
	v0 =	vld [tilespmem:s26+$0x0];
	_ =	sdelay $0x1  }
0x66: {  	s28 =	simm.s32 $0x2520  }
0x67: {  	v1 =	vld [tilespmem:s28+$0x0];
	_ =	sdelay $0x1  }
0x68: {  	v0 =	vnsel vm0, $0x0, v0  }
0x69: {  	(xrf2) =	vadd.scan.msk.f32 $0xffff, v0;
	_ =	sdelay $0x1  }
0x6a: {  	v0 =	vnsel vm0, $0x0, v1  }
0x6b: {  	(xrf2) =	vadd.scan.msk.f32 $0xffff, v0  }
0x6c: {  	s29 =	simm.s32 $0x2530  }
0x6d: {  	v0 =	vld [tilespmem:s29+$0x0];
	_ =	sdelay $0x4  }
0x6e: {  	v0 =	vnsel vm0, $0x0, v0;
	v2, _, _ =	vpop (xrf2)  }
0x6f: {  	(v2sf) =	vpush v2, $0xF  }
0x70: {  	s30 =	simm.s32 $0x2540  }
0x71: {  	s6 =	sadd.f32 s12, s6;
	v1 =	vld [tilespmem:s30+$0x0];
	(xrf2) =	vadd.scan.msk.f32 $0xffff, v0;
	v0, _, _ =	vpop (xrf2)  }
0x72: {  	s31 =	spop (v2sf);
	(v2sf) =	vpush v0, $0xF  }
0x73: {  	s6 =	sadd.f32 s14, s6;
	_ =	sdelay $0x1  }
0x74: {  	s6 =	sadd.f32 s18, s6  }
0x75: {  	s17 =	simm.s32 $0x2550;
	p0 =	sgt.u32 s2, $0x0;
	v1 =	vnsel vm0, $0x0, v1  }
0x76: {  	s11 =	simm.s32 $0x3;
	s12 =	simm.s32 $0x2;
	s6 =	sadd.f32 s20, s6;
	(xrf2) =	vadd.scan.msk.f32 $0xffff, v1  }
0x77: {  	s13 =	simm.s32 $0x0;
	s14 =	simm.s32 $0x1;
	s15 =	scvt.f32.s32 s31  }
0x78: {  	s8 =	simm.s32 $0x5;
	s18 =	simm.s32 $0x6;
	s5 =	sadd.f32 s23, s6  }
0x79: {  	s6 =	simm.s32 $0x4;
	s16 =	sadd.s32 $0x0, s15;
	v0 =	vld [tilespmem:s17+$0x0];
	s15 =	simm.s32 @!p0 $0x0  }
.LBB2_4:
0x7a: {  	p0 =	sne.s32 s18, $0xF;
	s13 =	sadd.s32 s13, s15;
	s19 =	smov.u32 s12  }
0x7b: {  	s12 =	smov.u32 s11;
	s11 =	smov.u32 s6;
	s6 =	smov.u32 s8;
	v1, _, _ =	vpop (xrf2)  }
.Ltmp2:
0x7c: {  	s8 =	smov.u32 s18;
	(v2sf) =	vpush v1, $0xF;
	(pc) =	sbr.rel @p0 .LBB2_4-.Ltmp2, $4  }
0x7d: {  	s15 =	spop (v2sf)  }
0x7e: {  	v0 =	vnsel vm0, $0x0, v0;
	s15 =	scvt.f32.s32 s15  }
0x7f: {  	s17 =	sadd.s32 $0x10, s17;
	p1 =	slt.u32 s14, s2;
	s14 =	smov.u32 s19;
	(xrf2) =	vadd.scan.msk.f32 $0xffff, v0  }
0x80: {  	s18 =	sadd.s32 $0x1, s18;
	v0 =	vld [tilespmem:s17+$0x0];
	s16 =	sadd.s32 s15, s16;
	s15 =	simm.s32 @!p1 $0x0  }
0x81: {  	_ =	sdelay $0x3  }
0x82: {  	v0 =	vnsel vm0, $0x0, v0  }
0x83: {  	(xrf2) =	vadd.scan.msk.f32 $0xffff, v0;
	_ =	sdelay $0x5  }
0x84: {  	v0, _, _ =	vpop (xrf2)  }
0x85: {  	(v2sf) =	vpush v0, $0xF  }
0x86: {  	v0, _, _ =	vpop (xrf2)  }
0x87: {  	(v2sf) =	vpush v0, $0xF  }
0x88: {  	v0, _, _ =	vpop (xrf2)  }
0x89: {  	(v2sf) =	vpush v0, $0xF;
	_ =	sdelay $0x2  }
0x8a: {  	v0 =	vimm.s32 $0x0  }
0x8b: {  	[tilespmem:$0x1400] =	vst v0  }
0x8c: {  	[tilespmem:$0x1410] =	vst v0  }
0x8d: {  	[tilespmem:$0x1420] =	vst v0  }
0x8e: {  	s17 =	spop (v2sf);
	[tilespmem:$0x1430] =	vst v0  }
0x8f: {  	s17 =	scvt.f32.s32 s17;
	[tilespmem:$0x1440] =	vst v0  }
0x90: {  	p0 =	slt.u32 s14, s2;
	s24 =	spop (v2sf);
	[tilespmem:$0x1450] =	vst v0  }
0x91: {  	s13 =	sadd.s32 s13, s15;
	s16 =	sadd.s32 s17, s16;
	s14 =	scvt.f32.s32 s24;
	[tilespmem:$0x1460] =	vst v0  }
0x92: {  	s17 =	simm.s32 @!p0 $0x0;
	p0 =	slt.u32 s12, s2;
	[tilespmem:$0x1470] =	vst v0;
	s25 =	spop (v2sf)  }
0x93: {  	s13 =	sadd.s32 s13, s17;
	s26 =	sadd.s32 s14, s16;
	[tilespmem:$0x1480] =	vst v0;
	s15 =	scvt.f32.s32 s25  }
0x94: {  	s14 =	simm.s32 @!p0 $0x0;
	p0 =	slt.u32 s11, s2;
	[tilespmem:$0x1490] =	vst v0;
	s28 =	spop (v2sf)  }
0x95: {  	s13 =	sadd.s32 s13, s14;
	[tilespmem:$0x14A0] =	vst v0;
	s11 =	scvt.f32.s32 s28;
	s12 =	sadd.s32 s15, s26  }
0x96: {  	[tilespmem:$0x14B0] =	vst v0;
	s15 =	simm.s32 @!p0 $0x0;
	p0 =	slt.u32 s6, s2;
	s29 =	spop (v2sf)  }
0x97: {  	[tilespmem:$0x14C0] =	vst v0;
	s13 =	sadd.s32 s13, s15;
	s30 =	sadd.s32 s11, s12;
	s14 =	scvt.f32.s32 s29  }
0x98: {  	[tilespmem:$0x14D0] =	vst v0;
	s11 =	simm.s32 @!p0 $0x0;
	p0 =	slt.u32 s8, s2;
	s12 =	simm.s32 $0x40  }
0x99: {  	[tilespmem:$0x14E0] =	vst v0;
	s31 =	sadd.s32 s13, s11;
	s6 =	sadd.s32 s14, s30;
	s14 =	simm.s32 @!p0 $0x0  }
0x9a: {  	[tilespmem:$0x14F0] =	vst v0;
	v0 =	vimm.s32 $0x1;
	s11 =	simm.s32 $0x1400;
	s13 =	simm.s32 $0x0;
	s8 =	sadd.s32 s31, s14  }
.LBB2_6:
0x9b: {  	p0 =	sne.s32 s12, $0xFC0;
	v1 =	vld [tilespmem:s13+$0x1000];
	_ =	sdelay $0x4  }
0x9c: {  	v1 =	vshrl.u32 v1, $0x18  }
.Ltmp3:
0x9d: {  	(pc) =	sbr.rel @p0 .LBB2_6-.Ltmp3, $2  }
0x9e: {  	_ =	sdelay $0x2  }
0x9f: {  	s13 =	sshra.s32 s12, $0x2;
	s12 =	sadd.s32 $0x40, s12;
	[tilespmem:v1+s11+$0x0] =	vst.idx.add.s32.msk $0xffff, v0  }
0xa0: {  	v1 =	vld [tilespmem:s13+$0x1000];
	_ =	sdelay $0x4  }
0xa1: {  	v1 =	vshrl.u32 v1, $0x18;
	_ =	sdelay $0x4  }
0xa2: {  	s14 =	simm.s32 $0x1400;
	s31 =	simm.s32 $0x1;
	[tilespmem:v1+s11+$0x0] =	vst.idx.add.s32.msk $0xffff, v0  }
0xa3: {  	[spmem:s10] =	stream.linear.scatter [tilespmem:s14], [sflag:$0x1], $0x100, $0x38;
	[tilespmem:$0x2790] =	vst v63  }
0xa4: {  	_ =	swait.ge [sflag:s31], $0x100  }
0xa5: {  	[sflag:s31] =	ssyncset.done $0x0  }
0xa6: {  	[sflag:s31] =	ssyncadd.s32 $0xFFFFFF00  }
0xa7: {  	s12 =	simm.s32 $0x1500;
	p1 =	por $0x0, $0x0;
	[bflag:$0x0] =	sbarrier.arrive $0xFFFF  }
0xa8: {  	[tilespmem:s12], [sflag:$0x1] =	stream.linear.gather [spmem:s9], $0x1000, $0x38;
	[tilespmem:$0x2790] =	vst v63  }
.Ltmp4:
0xa9: {  	_ =	swait.ge [sflag:s31], $0x1000;
	(pc) =	sbr.rel @p1 .LBB2_8-.Ltmp4, $4  }
0xaa: {  	[sflag:s31] =	ssyncset.done $0x0  }
0xab: {  	s13 =	simm.s32 $0x0;
	[sflag:s31] =	ssyncadd.s32 $0xFFFFF000  }
0xac: {  	s12 =	sand.u32 $0xF0, s13;
	[bflag:$0x0] =	sbarrier.arrive $0xFFFF  }
0xad: {  	p0 =	por $0x0, $0x0;
	s11 =	simm.s32 $0x10;
	v0 =	vld [tilespmem:s12+$0x1600]  }
0xae: {  	v1 =	vld [tilespmem:s12+$0x1500]  }
0xaf: {  	v2 =	vld [tilespmem:s12+$0x1700]  }
0xb0: {  	v3 =	vld [tilespmem:s12+$0x1800]  }
0xb1: {  	v4 =	vld [tilespmem:s12+$0x1900]  }
0xb2: {  	v5 =	vld [tilespmem:s12+$0x1A00]  }
0xb3: {  	v0 =	vadd.s32 v1, v0;
	v1 =	vld [tilespmem:s12+$0x1B00]  }
0xb4: {  	v0 =	vadd.s32 v0, v2;
	v2 =	vld [tilespmem:s12+$0x1C00]  }
0xb5: {  	v0 =	vadd.s32 v0, v3;
	v3 =	vld [tilespmem:s12+$0x1D00]  }
0xb6: {  	v60 =	vld [tilespmem:s12+$0x1E00];
	v0 =	vadd.s32 v0, v4  }
0xb7: {  	v61 =	vld [tilespmem:s12+$0x1F00];
	v0 =	vadd.s32 v0, v5  }
0xb8: {  	v0 =	vadd.s32 v0, v1;
	v1 =	vld [tilespmem:s12+$0x2000]  }
0xb9: {  	v0 =	vadd.s32 v0, v2;
	v2 =	vld [tilespmem:s12+$0x2100]  }
0xba: {  	v0 =	vadd.s32 v0, v3;
	v3 =	vld [tilespmem:s12+$0x2200]  }
0xbb: {  	v62 =	vld [tilespmem:s12+$0x2300];
	v0 =	vadd.s32 v0, v60  }
0xbc: {  	v63 =	vld [tilespmem:s12+$0x2400];
	v0 =	vadd.s32 v0, v61  }
0xbd: {  	v0 =	vadd.s32 v0, v1  }
0xbe: {  	p1 =	por $0x0, $0x0;
	v0 =	vadd.s32 v0, v2  }
.Ltmp5:
0xbf: {  	v0 =	vadd.s32 v0, v3;
	(pc) =	sbr.rel @p1 .LBB2_10-.Ltmp5, $4  }
0xc0: {  	v0 =	vadd.s32 v0, v62  }
0xc1: {  	v0 =	vadd.s32 v0, v63  }
0xc2: {  	s12 =	sand.u32 $0xF0, s11;
	[tilespmem:s14+$0x0] =	vst v0  }
0xc3: {  	s16 =	simm.s32 $0x20;
	p0 =	por $0x1, $0x1;
	s15 =	simm.s32 $0x1400;
	v0 =	vld [tilespmem:s12+$0x1600]  }
.LBB2_11:
0xc4: {  	p1 =	seq.s32 s16, $0xF0;
	v1 =	vld [tilespmem:s12+$0x1500]  }
0xc5: {  	v2 =	vld [tilespmem:s12+$0x1700]  }
0xc6: {  	v3 =	vld [tilespmem:s12+$0x1800]  }
0xc7: {  	v4 =	vld [tilespmem:s12+$0x1900]  }
0xc8: {  	v5 =	vld [tilespmem:s12+$0x1A00]  }
0xc9: {  	v0 =	vadd.s32 v1, v0;
	v1 =	vld [tilespmem:s12+$0x1B00]  }
0xca: {  	v0 =	vadd.s32 v0, v2;
	v2 =	vld [tilespmem:s12+$0x1C00]  }
0xcb: {  	v0 =	vadd.s32 v0, v3;
	v3 =	vld [tilespmem:s12+$0x1D00]  }
0xcc: {  	v0 =	vadd.s32 v0, v4;
	v4 =	vld [tilespmem:s12+$0x1E00]  }
0xcd: {  	v0 =	vadd.s32 v0, v5;
	v5 =	vld [tilespmem:s12+$0x1F00]  }
0xce: {  	v0 =	vadd.s32 v0, v1;
	v1 =	vld [tilespmem:s12+$0x2000]  }
0xcf: {  	v0 =	vadd.s32 v0, v2;
	v2 =	vld [tilespmem:s12+$0x2100]  }
0xd0: {  	v0 =	vadd.s32 v0, v3;
	v3 =	vld [tilespmem:s12+$0x2200]  }
0xd1: {  	v0 =	vadd.s32 v0, v4;
	v4 =	vld [tilespmem:s12+$0x2300]  }
0xd2: {  	v0 =	vadd.s32 v0, v5;
	v5 =	vld [tilespmem:s12+$0x2400]  }
0xd3: {  	v0 =	vadd.s32 v0, v1  }
0xd4: {  	v0 =	vadd.s32 v0, v2  }
.Ltmp6:
0xd5: {  	v0 =	vadd.s32 v0, v3;
	(pc) =	sbr.rel @!p1 .LBB2_11-.Ltmp6, $4  }
0xd6: {  	v0 =	vadd.s32 v0, v4  }
0xd7: {  	s15 =	sadd.s32 $0x10, s15;
	v0 =	vadd.s32 v0, v5  }
0xd8: {  	s12 =	sand.u32 $0xF0, s16;
	[tilespmem:s15+$0x0] =	vst v0  }
0xd9: {  	s16 =	sadd.s32 $0x10, s16;
	v0 =	vld [tilespmem:s12+$0x1600]  }
.LBB2_12:
0xda: {  	v1 =	vld [tilespmem:s12+$0x1500]  }
0xdb: {  	v2 =	vld [tilespmem:s12+$0x1700]  }
0xdc: {  	v3 =	vld [tilespmem:s12+$0x1800]  }
0xdd: {  	v4 =	vld [tilespmem:s12+$0x1900]  }
0xde: {  	v5 =	vld [tilespmem:s12+$0x1A00]  }
0xdf: {  	v0 =	vadd.s32 v1, v0;
	v1 =	vld [tilespmem:s12+$0x1B00]  }
0xe0: {  	v0 =	vadd.s32 v0, v2;
	v2 =	vld [tilespmem:s12+$0x1C00]  }
0xe1: {  	v0 =	vadd.s32 v0, v3;
	v3 =	vld [tilespmem:s12+$0x1D00]  }
0xe2: {  	v0 =	vadd.s32 v0, v4;
	v4 =	vld [tilespmem:s12+$0x1E00]  }
0xe3: {  	v0 =	vadd.s32 v0, v5;
	v5 =	vld [tilespmem:s12+$0x1F00]  }
0xe4: {  	v0 =	vadd.s32 v0, v1;
	v1 =	vld [tilespmem:s12+$0x2000]  }
0xe5: {  	v0 =	vadd.s32 v0, v2;
	v2 =	vld [tilespmem:s12+$0x2100]  }
0xe6: {  	v0 =	vadd.s32 v0, v3;
	v3 =	vld [tilespmem:s12+$0x2200]  }
0xe7: {  	v0 =	vadd.s32 v0, v4;
	v4 =	vld [tilespmem:s12+$0x2300]  }
0xe8: {  	v0 =	vadd.s32 v0, v5;
	v5 =	vld [tilespmem:s12+$0x2400]  }
0xe9: {  	v0 =	vadd.s32 v0, v1  }
0xea: {  	v0 =	vadd.s32 v0, v2  }
0xeb: {  	v0 =	vadd.s32 v0, v3  }
0xec: {  	s12 =	sadd.s32 @p0 $0x10, s15;
	s15 =	simm.s32 $0x1400;
	v0 =	vadd.s32 v0, v4  }
0xed: {  	s15 =	smov.u32 @p0 s12;
	v0 =	vadd.s32 v0, v5  }
0xee: {  	v1 =	vlaneseq.u32;
	[tilespmem:s15+$0x0] =	vst v0  }
0xef: {  	v0 =	vor.u32 $0x80000000, v1;
	v1 =	vld [tilespmem:s14+$0x0]  }
0xf0: {  	s15 =	simm.s32 $0x1410  }
0xf1: {  	v2 =	vld [tilespmem:s15+$0x0];
	_ =	sdelay $0x1  }
0xf2: {  	s16 =	simm.s32 $0x1420  }
0xf3: {  	v3 =	vld [tilespmem:s16+$0x0];
	(xrf0) =	vadd.scan.msk.s32 $0xffff, v1;
	_ =	sdelay $0x1  }
0xf4: {  	(xrf0) =	vadd.scan.msk.s32 $0xffff, v2;
	_ =	sdelay $0x2  }
0xf5: {  	s17 =	simm.s32 $0x1430;
	(xrf0) =	vadd.scan.msk.s32 $0xffff, v3  }
0xf6: {  	v1 =	vld [tilespmem:s17+$0x0];
	v2, _, _ =	vpop (xrf0)  }
0xf7: {  	(v2sf) =	vpush v2, $0xF  }
0xf8: {  	v3, _, _ =	vpop (xrf0)  }
0xf9: {  	(v2sf) =	vpush v3, $0xF;
	_ =	sdelay $0x1  }
0xfa: {  	(xrf0) =	vadd.scan.msk.s32 $0xffff, v1;
	v2 =	vadd.s32 s13, v2;
	v1, _, _ =	vpop (xrf0)  }
0xfb: {  	vm0 =	vgt.s32 v2, $0x665;
	v2 =	vor.u32 s13, v0;
	(v2sf) =	vpush v1, $0xF  }
0xfc: {  	v2 =	vnsel vm0, $0x800003E8, v2  }
0xfd: {  	(xrf0) =	vmin.scan.msk.u32 $0xffff, v2;
	_ =	sdelay $0x4  }
0xfe: {  	v2, _, _ =	vpop (xrf0)  }
0xff: {  	s18 =	simm.s32 $0x1440;
	(v2sf) =	vpush v2, $0xF;
	v4, _, _ =	vpop (xrf0)  }
0x100: {  	(v2sf) =	vpush v4, $0xF;
	v4 =	vld [tilespmem:s18+$0x0]  }
0x101: {  	s20 =	simm.s32 $0x1450;
	s19 =	spop (v2sf)  }
0x102: {  	v5 =	vld [tilespmem:s20+$0x0];
	s13 =	sadd.s32 $0x0, s19  }
0x103: {  	s21 =	spop (v2sf);
	v3 =	vadd.s32 s13, v3  }
0x104: {  	s23 =	sadd.s32 s13, s21;
	vm12 =	vgt.s32 v3, $0x665;
	v3 =	vor.u32 s11, v0  }
0x105: {  	s24 =	simm.s32 $0x20;
	(xrf0) =	vadd.scan.msk.s32 $0xffff, v4;
	v1 =	vadd.s32 s23, v1;
	v3 =	vnsel vm12, $0x800003E8, v3  }
0x106: {  	s22 =	simm.s32 $0x1460;
	s25 =	spop (v2sf);
	vm13 =	vgt.s32 v1, $0x665;
	v1 =	vor.u32 s24, v0;
	(xrf0) =	vmin.scan.msk.u32 $0xffff, v3  }
0x107: {  	v6 =	vld [tilespmem:s22+$0x0];
	s11 =	sadd.s32 s23, s25;
	v1 =	vnsel vm13, $0x800003E8, v1;
	(xrf0) =	vadd.scan.msk.s32 $0xffff, v5  }
0x108: {  	s26 =	simm.s32 $0x30;
	v2 =	vadd.s32 s11, v2;
	(xrf0) =	vmin.scan.msk.u32 $0xffff, v1  }
0x109: {  	vm14 =	vgt.s32 v2, $0x665;
	v1 =	vor.u32 s26, v0  }
0x10a: {  	v1 =	vnsel vm14, $0x800003E8, v1  }
0x10b: {  	v3, _, _ =	vpop (xrf0)  }
0x10c: {  	(xrf0) =	vadd.scan.msk.s32 $0xffff, v6;
	(v2sf) =	vpush v3, $0xF;
	v4, _, _ =	vpop (xrf0)  }
0x10d: {  	s28 =	simm.s32 $0x1470;
	(xrf0) =	vmin.scan.msk.u32 $0xffff, v1;
	v1, _, _ =	vpop (xrf0);
	(v2sf) =	vpush v4, $0xF  }
0x10e: {  	v2 =	vld [tilespmem:s28+$0x0];
	(v2sf) =	vpush v1, $0xF;
	v4, _, _ =	vpop (xrf0)  }
0x10f: {  	s29 =	spop (v2sf);
	(v2sf) =	vpush v4, $0xF;
	_ =	sdelay $0x3  }
0x110: {  	(xrf0) =	vadd.scan.msk.s32 $0xffff, v2;
	v2, _, _ =	vpop (xrf0)  }
0x111: {  	s31 =	spop (v2sf);
	(v2sf) =	vpush v2, $0xF  }
0x112: {  	s16 =	sadd.s32 s11, s29  }
0x113: {  	s30 =	simm.s32 $0x40;
	v3 =	vadd.s32 s16, v3  }
0x114: {  	vm15 =	vgt.s32 v3, $0x665;
	v3 =	vor.u32 s30, v0  }
0x115: {  	v4 =	vnsel vm15, $0x800003E8, v3  }
0x116: {  	s12 =	simm.s32 $0x3E8;
	s14 =	simm.s32 $0x70;
	s17 =	simm.s32 $0x50  }
0x117: {  	s18 =	simm.s32 $0x1480;
	s19 =	simm.s32 $0x90;
	s15 =	sxor.u32 $0x80000000, s31  }
0x118: {  	s13 =	simm.s32 $0x60;
	s11 =	simm.s32 $0x80;
	p0 =	sgt.s32 s15, $0x3E8;
	v3 =	vld [tilespmem:s18+$0x0];
	(xrf0) =	vmin.scan.msk.u32 $0xffff, v4;
	v4, _, _ =	vpop (xrf0)  }
.LBB2_13:
0x119: {  	s20 =	smov.u32 s12  }
0x11a: {  	s12 =	smov.u32 s15;
	s22 =	sadd.s32 $0x10, s19;
	p1 =	seq.s32 s19, $0xF0  }
0x11b: {  	s21 =	spop (v2sf);
	(v2sf) =	vpush v4, $0xF;
	s12 =	smov.u32 @p0 s20;
	s20 =	smov.u32 s19  }
.Ltmp7:
0x11c: {  	s16 =	sadd.s32 s16, s21;
	(pc) =	sbr.rel @!p1 .LBB2_13-.Ltmp7, $4  }
0x11d: {  	s18 =	sadd.s32 $0x10, s18;
	(xrf0) =	vadd.scan.msk.s32 $0xffff, v3;
	v4 =	vadd.s32 s16, v1;
	v1 =	vmov v2;
	v2, _, _ =	vpop (xrf0)  }
0x11e: {  	v6 =	vor.u32 s17, v0;
	s17 =	smov.u32 s13;
	s13 =	smov.u32 s14;
	v3 =	vld [tilespmem:s18+$0x0];
	(v2sf) =	vpush v2, $0xF;
	vm0 =	vgt.s32 v4, $0x665;
	s15 =	spop (v2sf)  }
0x11f: {  	s14 =	smov.u32 s11;
	s11 =	smov.u32 s20;
	v5 =	vnsel vm0, $0x800003E8, v6;
	s15 =	sxor.u32 $0x80000000, s15  }
0x120: {  	s19 =	smov.u32 s22;
	(xrf0) =	vmin.scan.msk.u32 $0xffff, v5;
	v4, _, _ =	vpop (xrf0);
	p0 =	slt.s32 s12, s15  }
0x121: {  	_ =	sdelay $0x1  }
0x122: {  	(v2sf) =	vpush v4, $0xF;
	v56, _, _ =	vpop (xrf0)  }
0x123: {  	(v2sf) =	vpush v56, $0xF;
	_ =	sdelay $0x6  }
0x124: {  	s18 =	spop (v2sf)  }
0x125: {  	s16 =	sadd.s32 s16, s18;
	s25 =	spop (v2sf)  }
0x126: {  	v1 =	vadd.s32 s16, v1;
	s19 =	spop (v2sf)  }
0x127: {  	(xrf0) =	vadd.scan.msk.s32 $0xffff, v3;
	vm0 =	vgt.s32 v1, $0x665;
	v1 =	vor.u32 s17, v0;
	s16 =	sadd.s32 s16, s19  }
0x128: {  	v1 =	vnsel vm0, $0x800003E8, v1;
	v2 =	vadd.s32 s16, v2  }
0x129: {  	(xrf0) =	vmin.scan.msk.u32 $0xffff, v1;
	vm9 =	vgt.s32 v2, $0x665;
	v1 =	vor.u32 s13, v0;
	s26 =	spop (v2sf)  }
0x12a: {  	v1 =	vnsel vm9, $0x800003E8, v1;
	s28 =	spop (v2sf)  }
0x12b: {  	s29 =	sadd.s32 s16, s28;
	s30 =	spop (v2sf)  }
0x12c: {  	v2, _, _ =	vpop (xrf0);
	v3 =	vadd.s32 s29, v56;
	s31 =	spop (v2sf)  }
0x12d: {  	v57 =	vor.u32 s14, v0;
	(xrf0) =	vmin.scan.msk.u32 $0xffff, v1;
	v1, _, _ =	vpop (xrf0);
	vm10 =	vgt.s32 v3, $0x665;
	s13 =	sadd.s32 s29, s31  }
0x12e: {  	v3 =	vnsel vm10, $0x800003E8, v57;
	v58 =	vadd.s32 s13, v1  }
0x12f: {  	v0 =	vor.u32 s11, v0;
	(xrf0) =	vmin.scan.msk.u32 $0xffff, v3;
	vm11 =	vgt.s32 v58, $0x665  }
0x130: {  	(v2sf) =	vpush v2, $0xF;
	v0 =	vnsel vm11, $0x800003E8, v0  }
0x131: {  	(v2sf) =	vpush v1, $0xF;
	v1, _, _ =	vpop (xrf0);
	(xrf0) =	vmin.scan.msk.u32 $0xffff, v0  }
0x132: {  	(v2sf) =	vpush v1, $0xF  }
0x133: {  	v0, _, _ =	vpop (xrf0)  }
0x134: {  	(v2sf) =	vpush v0, $0xF  }
0x135: {  	v0, _, _ =	vpop (xrf0)  }
0x136: {  	(v2sf) =	vpush v0, $0xF  }
0x137: {  	v0, _, _ =	vpop (xrf0)  }
0x138: {  	(v2sf) =	vpush v0, $0xF;
	_ =	sdelay $0x1  }
0x139: {  	s15 =	smov.u32 @p0 s12;
	s11 =	sxor.u32 $0x80000000, s25  }
0x13a: {  	p0 =	slt.s32 s15, s11  }
0x13b: {  	s11 =	smov.u32 @p0 s15;
	s12 =	sxor.u32 $0x80000000, s26  }
0x13c: {  	p0 =	slt.s32 s11, s12  }
0x13d: {  	s12 =	smov.u32 @p0 s11;
	s11 =	sxor.u32 $0x80000000, s30  }
0x13e: {  	p0 =	slt.s32 s12, s11;
	s19 =	spop (v2sf)  }
0x13f: {  	s11 =	smov.u32 @p0 s12;
	s12 =	sxor.u32 $0x80000000, s19;
	s20 =	spop (v2sf)  }
0x140: {  	p0 =	slt.s32 s11, s12;
	s13 =	spop (v2sf)  }
0x141: {  	s12 =	smov.u32 @p0 s11;
	s11 =	sxor.u32 $0x80000000, s13  }
0x142: {  	p0 =	slt.s32 s12, s11;
	s21 =	spop (v2sf)  }
0x143: {  	s11 =	smov.u32 @p0 s12;
	s12 =	sxor.u32 $0x80000000, s21  }
0x144: {  	s22 =	spop (v2sf);
	p0 =	slt.s32 s11, s12  }
0x145: {  	s13 =	sxor.u32 $0x80000000, s22;
	s12 =	smov.u32 @p0 s11  }
0x146: {  	s24 =	simm.s32 $0x1400;
	p0 =	slt.s32 s12, s13;
	s23 =	spop (v2sf)  }
0x147: {  	s25 =	simm.s32 $0x1410;
	v2 =	vld [tilespmem:s24+$0x0];
	s13 =	smov.u32 @p0 s12;
	s11 =	sxor.u32 $0x80000000, s23  }
0x148: {  	v3 =	vld [tilespmem:s25+$0x0];
	p0 =	slt.s32 s13, s11  }
0x149: {  	v1 =	vlaneseq.u32;
	s12 =	simm.s32 $0x0;
	s11 =	smov.u32 @p0 s13  }
0x14a: {  	s26 =	simm.s32 $0x10;
	v59 =	vor.u32 s12, v1;
	v0 =	vmov s11  }
0x14b: {  	v60 =	vor.u32 s26, v1;
	vm12 =	vlt.s32 v59, v0  }
0x14c: {  	vm13 =	vlt.s32 v60, v0;
	v2 =	vnsel vm12, $0x0, v2  }
0x14d: {  	(xrf0) =	vadd.scan.msk.s32 $0xffff, v2;
	v2 =	vnsel vm13, $0x0, v3  }
0x14e: {  	(xrf0) =	vadd.scan.msk.s32 $0xffff, v2;
	_ =	sdelay $0x3  }
0x14f: {  	s28 =	simm.s32 $0x1420  }
0x150: {  	v2 =	vld [tilespmem:s28+$0x0];
	v5, _, _ =	vpop (xrf0)  }
0x151: {  	(v2sf) =	vpush v5, $0xF;
	v63, _, _ =	vpop (xrf0)  }
0x152: {  	s30 =	simm.s32 $0x20;
	(v2sf) =	vpush v63, $0xF  }
0x153: {  	v61 =	vor.u32 s30, v1  }
0x154: {  	vm14 =	vlt.s32 v61, v0  }
0x155: {  	s29 =	simm.s32 $0x1430;
	v2 =	vnsel vm14, $0x0, v2  }
0x156: {  	v3 =	vld [tilespmem:s29+$0x0];
	(xrf0) =	vadd.scan.msk.s32 $0xffff, v2;
	_ =	sdelay $0x1  }
0x157: {  	s31 =	simm.s32 $0x30  }
0x158: {  	v62 =	vor.u32 s31, v1  }
0x159: {  	vm15 =	vlt.s32 v62, v0  }
0x15a: {  	s14 =	simm.s32 $0x1440;
	s13 =	simm.s32 $0x40;
	v2 =	vnsel vm15, $0x0, v3  }
.LBB2_15:
0x15b: {  	v3 =	vld [tilespmem:s14+$0x0];
	p0 =	sne.s32 s13, $0xF0;
	(xrf0) =	vadd.scan.msk.s32 $0xffff, v2;
	v2, _, _ =	vpop (xrf0);
	s15 =	smov.u32 s13;
	s13 =	sadd.s32 $0x10, s13  }
.Ltmp8:
0x15c: {  	(v2sf) =	vpush v2, $0xF;
	(pc) =	sbr.rel @p0 .LBB2_15-.Ltmp8, $4  }
0x15d: {  	_ = 	snop  }
0x15e: {  	v2 =	vor.u32 s15, v1  }
0x15f: {  	vm0 =	vlt.s32 v2, v0;
	s15 =	spop (v2sf)  }
0x160: {  	s14 =	sadd.s32 $0x10, s14;
	v2 =	vnsel vm0, $0x0, v3;
	s12 =	sadd.s32 s12, s15  }
0x161: {  	(xrf0) =	vadd.scan.msk.s32 $0xffff, v2;
	_ =	sdelay $0x4  }
0x162: {  	v1, _, _ =	vpop (xrf0)  }
0x163: {  	(v2sf) =	vpush v1, $0xF;
	v1, _, _ =	vpop (xrf0)  }
0x164: {  	(v2sf) =	vpush v1, $0xF;
	v1 =	vimm.s32 $0x0  }
0x165: {  	[tilespmem:$0x1400] =	vst v1  }
0x166: {  	[tilespmem:$0x1410] =	vst v1  }
0x167: {  	[tilespmem:$0x1420] =	vst v1  }
0x168: {  	[tilespmem:$0x1430] =	vst v1  }
0x169: {  	[tilespmem:$0x1440] =	vst v1  }
0x16a: {  	[tilespmem:$0x1450] =	vst v1  }
0x16b: {  	[tilespmem:$0x1460] =	vst v1  }
0x16c: {  	[tilespmem:$0x1470] =	vst v1  }
0x16d: {  	[tilespmem:$0x1480] =	vst v1  }
0x16e: {  	[tilespmem:$0x1490] =	vst v1  }
0x16f: {  	[tilespmem:$0x14A0] =	vst v1  }
0x170: {  	s13 =	spop (v2sf);
	[tilespmem:$0x14B0] =	vst v1  }
0x171: {  	s12 =	sadd.s32 s12, s13;
	[tilespmem:$0x14C0] =	vst v1;
	s29 =	spop (v2sf)  }
0x172: {  	[tilespmem:$0x14D0] =	vst v1;
	s12 =	sadd.s32 s12, s29;
	s30 =	spop (v2sf)  }
0x173: {  	s15 =	simm.s32 $0x0;
	[tilespmem:$0x14E0] =	vst v1;
	s12 =	sadd.s32 s12, s30;
	s31 =	spop (v2sf)  }
0x174: {  	s14 =	simm.s32 $0x40;
	s13 =	simm.s32 $0x1400;
	[tilespmem:$0x14F0] =	vst v1;
	v1 =	vimm.s32 $0x1;
	s12 =	sadd.s32 s12, s31  }
.LBB2_17:
0x175: {  	p0 =	sne.s32 s14, $0xFC0;
	v2 =	vld [tilespmem:s15+$0x1000];
	_ =	sdelay $0x4  }
0x176: {  	v3 =	vshrl.u32 v2, $0x18  }
0x177: {  	v2 =	vshrl.u32 v2, $0x10;
	vm0 =	veq.s32 v3, v0  }
0x178: {  	v2 =	vand.u32 $0xFF, v2  }
.Ltmp9:
0x179: {  	(pc) =	sbr.rel @p0 .LBB2_17-.Ltmp9, $2  }
0x17a: {  	_ =	sdelay $0x2  }
0x17b: {  	s15 =	sshra.s32 s14, $0x2;
	s14 =	sadd.s32 $0x40, s14;
	[tilespmem:v2+s13+$0x0] =	vst.idx.add.s32.msk vm0, v1  }
0x17c: {  	v2 =	vld [tilespmem:s15+$0x1000];
	_ =	sdelay $0x4  }
0x17d: {  	v3 =	vshrl.u32 v2, $0x18  }
0x17e: {  	v2 =	vshrl.u32 v2, $0x10;
	vm0 =	veq.s32 v3, v0  }
0x17f: {  	v0 =	vand.u32 $0xFF, v2;
	_ =	sdelay $0x4  }
0x180: {  	s14 =	simm.s32 $0x1;
	[tilespmem:v0+s13+$0x0] =	vst.idx.add.s32.msk vm0, v1;
	s13 =	simm.s32 $0x1400  }
0x181: {  	[spmem:s10] =	stream.linear.scatter [tilespmem:s13], [sflag:$0x1], $0x100, $0x38;
	[tilespmem:$0x2790] =	vst v63  }
0x182: {  	_ =	swait.ge [sflag:s14], $0x100  }
0x183: {  	[sflag:s14] =	ssyncset.done $0x0  }
0x184: {  	[sflag:s14] =	ssyncadd.s32 $0xFFFFFF00  }
0x185: {  	s29 =	simm.s32 $0x1500;
	[bflag:$0x0] =	sbarrier.arrive $0xFFFF  }
0x186: {  	[tilespmem:s29], [sflag:$0x1] =	stream.linear.gather [spmem:s9], $0x1000, $0x38;
	[tilespmem:$0x2790] =	vst v63  }
0x187: {  	_ =	swait.ge [sflag:s14], $0x1000  }
0x188: {  	[sflag:s14] =	ssyncset.done $0x0  }
0x189: {  	s30 =	simm.s32 $0x0;
	[sflag:s14] =	ssyncadd.s32 $0xFFFFF000  }
0x18a: {  	s14 =	sand.u32 $0xF0, s30;
	[bflag:$0x0] =	sbarrier.arrive $0xFFFF  }
0x18b: {  	v0 =	vld [tilespmem:s14+$0x1600]  }
0x18c: {  	v1 =	vld [tilespmem:s14+$0x1500]  }
0x18d: {  	v2 =	vld [tilespmem:s14+$0x1700]  }
0x18e: {  	v3 =	vld [tilespmem:s14+$0x1800]  }
0x18f: {  	v4 =	vld [tilespmem:s14+$0x1900]  }
0x190: {  	v5 =	vld [tilespmem:s14+$0x1A00]  }
0x191: {  	v0 =	vadd.s32 v1, v0;
	v1 =	vld [tilespmem:s14+$0x1B00]  }
0x192: {  	v0 =	vadd.s32 v0, v2;
	v2 =	vld [tilespmem:s14+$0x1C00]  }
0x193: {  	v0 =	vadd.s32 v0, v3;
	v3 =	vld [tilespmem:s14+$0x1D00]  }
0x194: {  	v60 =	vld [tilespmem:s14+$0x1E00];
	v0 =	vadd.s32 v0, v4  }
0x195: {  	v61 =	vld [tilespmem:s14+$0x1F00];
	v0 =	vadd.s32 v0, v5  }
0x196: {  	v0 =	vadd.s32 v0, v1;
	v1 =	vld [tilespmem:s14+$0x2000]  }
0x197: {  	v0 =	vadd.s32 v0, v2;
	v2 =	vld [tilespmem:s14+$0x2100]  }
0x198: {  	v0 =	vadd.s32 v0, v3;
	v3 =	vld [tilespmem:s14+$0x2200]  }
0x199: {  	v62 =	vld [tilespmem:s14+$0x2300];
	v0 =	vadd.s32 v0, v60  }
0x19a: {  	v63 =	vld [tilespmem:s14+$0x2400];
	v0 =	vadd.s32 v0, v61  }
0x19b: {  	v0 =	vadd.s32 v0, v1  }
0x19c: {  	v0 =	vadd.s32 v0, v2  }
0x19d: {  	v0 =	vadd.s32 v0, v3  }
0x19e: {  	v0 =	vadd.s32 v0, v62  }
0x19f: {  	s31 =	simm.s32 $0x10;
	v0 =	vadd.s32 v0, v63  }
0x1a0: {  	s14 =	sand.u32 $0xF0, s31;
	[tilespmem:s13+$0x0] =	vst v0  }
0x1a1: {  	s15 =	simm.s32 $0x20;
	v0 =	vld [tilespmem:s14+$0x1600]  }
.LBB2_19:
0x1a2: {  	p0 =	seq.s32 s15, $0xF0;
	v1 =	vld [tilespmem:s14+$0x1500]  }
0x1a3: {  	v2 =	vld [tilespmem:s14+$0x1700]  }
0x1a4: {  	v3 =	vld [tilespmem:s14+$0x1800]  }
0x1a5: {  	v4 =	vld [tilespmem:s14+$0x1900]  }
0x1a6: {  	v5 =	vld [tilespmem:s14+$0x1A00]  }
0x1a7: {  	v0 =	vadd.s32 v1, v0;
	v1 =	vld [tilespmem:s14+$0x1B00]  }
0x1a8: {  	v0 =	vadd.s32 v0, v2;
	v2 =	vld [tilespmem:s14+$0x1C00]  }
0x1a9: {  	v0 =	vadd.s32 v0, v3;
	v3 =	vld [tilespmem:s14+$0x1D00]  }
0x1aa: {  	v0 =	vadd.s32 v0, v4;
	v4 =	vld [tilespmem:s14+$0x1E00]  }
0x1ab: {  	v0 =	vadd.s32 v0, v5;
	v5 =	vld [tilespmem:s14+$0x1F00]  }
0x1ac: {  	v0 =	vadd.s32 v0, v1;
	v1 =	vld [tilespmem:s14+$0x2000]  }
0x1ad: {  	v0 =	vadd.s32 v0, v2;
	v2 =	vld [tilespmem:s14+$0x2100]  }
0x1ae: {  	v0 =	vadd.s32 v0, v3;
	v3 =	vld [tilespmem:s14+$0x2200]  }
0x1af: {  	v0 =	vadd.s32 v0, v4;
	v4 =	vld [tilespmem:s14+$0x2300]  }
0x1b0: {  	v0 =	vadd.s32 v0, v5;
	v5 =	vld [tilespmem:s14+$0x2400]  }
0x1b1: {  	v0 =	vadd.s32 v0, v1  }
0x1b2: {  	v0 =	vadd.s32 v0, v2  }
.Ltmp10:
0x1b3: {  	v0 =	vadd.s32 v0, v3;
	(pc) =	sbr.rel @!p0 .LBB2_19-.Ltmp10, $4  }
0x1b4: {  	v0 =	vadd.s32 v0, v4  }
0x1b5: {  	s13 =	sadd.s32 $0x10, s13;
	v0 =	vadd.s32 v0, v5  }
0x1b6: {  	s14 =	sand.u32 $0xF0, s15;
	[tilespmem:s13+$0x0] =	vst v0  }
0x1b7: {  	s15 =	sadd.s32 $0x10, s15;
	v0 =	vld [tilespmem:s14+$0x1600]  }
0x1b8: {  	v1 =	vld [tilespmem:s14+$0x1500]  }
0x1b9: {  	v2 =	vld [tilespmem:s14+$0x1700]  }
0x1ba: {  	v3 =	vld [tilespmem:s14+$0x1800]  }
0x1bb: {  	v4 =	vld [tilespmem:s14+$0x1900]  }
0x1bc: {  	v5 =	vld [tilespmem:s14+$0x1A00]  }
0x1bd: {  	v0 =	vadd.s32 v1, v0;
	v1 =	vld [tilespmem:s14+$0x1B00]  }
0x1be: {  	v0 =	vadd.s32 v0, v2;
	v2 =	vld [tilespmem:s14+$0x1C00]  }
0x1bf: {  	v0 =	vadd.s32 v0, v3;
	v3 =	vld [tilespmem:s14+$0x1D00]  }
0x1c0: {  	v0 =	vadd.s32 v0, v4;
	v4 =	vld [tilespmem:s14+$0x1E00]  }
0x1c1: {  	v0 =	vadd.s32 v0, v5;
	v5 =	vld [tilespmem:s14+$0x1F00]  }
0x1c2: {  	v0 =	vadd.s32 v0, v1;
	v1 =	vld [tilespmem:s14+$0x2000]  }
0x1c3: {  	v0 =	vadd.s32 v0, v2;
	v2 =	vld [tilespmem:s14+$0x2100]  }
0x1c4: {  	v0 =	vadd.s32 v0, v3;
	v3 =	vld [tilespmem:s14+$0x2200]  }
0x1c5: {  	v0 =	vadd.s32 v0, v4;
	v4 =	vld [tilespmem:s14+$0x2300]  }
0x1c6: {  	v0 =	vadd.s32 v0, v5;
	v5 =	vld [tilespmem:s14+$0x2400]  }
0x1c7: {  	v0 =	vadd.s32 v0, v1  }
0x1c8: {  	v0 =	vadd.s32 v0, v2  }
0x1c9: {  	v0 =	vadd.s32 v0, v3  }
0x1ca: {  	v0 =	vadd.s32 v0, v4  }
0x1cb: {  	s13 =	sadd.s32 $0x10, s13;
	v0 =	vadd.s32 v0, v5  }
0x1cc: {  	s15 =	simm.s32 $0x1400;
	[tilespmem:s13+$0x0] =	vst v0  }
0x1cd: {  	v2 =	vld [tilespmem:s15+$0x0]  }
0x1ce: {  	s17 =	simm.s32 $0x1410  }
0x1cf: {  	v3 =	vld [tilespmem:s17+$0x0];
	_ =	sdelay $0x1  }
0x1d0: {  	s18 =	simm.s32 $0x1420  }
0x1d1: {  	v4 =	vld [tilespmem:s18+$0x0];
	(xrf0) =	vadd.scan.msk.s32 $0xffff, v2;
	_ =	sdelay $0x1  }
0x1d2: {  	(xrf0) =	vadd.scan.msk.s32 $0xffff, v3;
	_ =	sdelay $0x2  }
0x1d3: {  	s19 =	simm.s32 $0x1430;
	(xrf0) =	vadd.scan.msk.s32 $0xffff, v4  }
0x1d4: {  	v2 =	vld [tilespmem:s19+$0x0];
	v3, _, _ =	vpop (xrf0)  }
0x1d5: {  	(v2sf) =	vpush v3, $0xF  }
0x1d6: {  	v4, _, _ =	vpop (xrf0)  }
0x1d7: {  	(v2sf) =	vpush v4, $0xF  }
0x1d8: {  	s12 =	ssub.s32 $0x666, s12;
	s16 =	simm.s32 $0x0;
	v1 =	vlaneseq.u32  }
0x1d9: {  	v1 =	vor.u32 $0x80000000, v1;
	v0 =	vmov s12;
	(xrf0) =	vadd.scan.msk.s32 $0xffff, v2;
	v3 =	vadd.s32 s16, v3;
	v2, _, _ =	vpop (xrf0)  }
0x1da: {  	vm0 =	vlt.s32 v3, v0;
	v3 =	vor.u32 s16, v1;
	(v2sf) =	vpush v2, $0xF  }
0x1db: {  	v3 =	vsel vm0, $0x800003E8, v3  }
0x1dc: {  	(xrf0) =	vmin.scan.msk.u32 $0xffff, v3;
	_ =	sdelay $0x4  }
0x1dd: {  	v3, _, _ =	vpop (xrf0)  }
0x1de: {  	s20 =	simm.s32 $0x1440;
	(v2sf) =	vpush v3, $0xF;
	v5, _, _ =	vpop (xrf0)  }
0x1df: {  	(v2sf) =	vpush v5, $0xF;
	v5 =	vld [tilespmem:s20+$0x0]  }
0x1e0: {  	s22 =	simm.s32 $0x1450;
	s21 =	spop (v2sf)  }
0x1e1: {  	v6 =	vld [tilespmem:s22+$0x0];
	s14 =	sadd.s32 $0x0, s21  }
0x1e2: {  	s23 =	simm.s32 $0x10;
	s16 =	spop (v2sf);
	v4 =	vadd.s32 s14, v4  }
0x1e3: {  	s14 =	sadd.s32 s14, s16;
	vm12 =	vlt.s32 v4, v0;
	v4 =	vor.u32 s23, v1  }
0x1e4: {  	s24 =	simm.s32 $0x20;
	(xrf0) =	vadd.scan.msk.s32 $0xffff, v5;
	v2 =	vadd.s32 s14, v2;
	v4 =	vsel vm12, $0x800003E8, v4  }
0x1e5: {  	s17 =	simm.s32 $0x1460;
	s25 =	spop (v2sf);
	vm13 =	vlt.s32 v2, v0;
	v2 =	vor.u32 s24, v1;
	(xrf0) =	vmin.scan.msk.u32 $0xffff, v4  }
0x1e6: {  	v7 =	vld [tilespmem:s17+$0x0];
	s14 =	sadd.s32 s14, s25;
	v2 =	vsel vm13, $0x800003E8, v2;
	(xrf0) =	vadd.scan.msk.s32 $0xffff, v6  }
0x1e7: {  	s26 =	simm.s32 $0x30;
	v3 =	vadd.s32 s14, v3;
	(xrf0) =	vmin.scan.msk.u32 $0xffff, v2  }
0x1e8: {  	vm14 =	vlt.s32 v3, v0;
	v2 =	vor.u32 s26, v1  }
0x1e9: {  	v2 =	vsel vm14, $0x800003E8, v2  }
0x1ea: {  	v4, _, _ =	vpop (xrf0)  }
0x1eb: {  	(xrf0) =	vadd.scan.msk.s32 $0xffff, v7;
	(v2sf) =	vpush v4, $0xF;
	v5, _, _ =	vpop (xrf0)  }
0x1ec: {  	s28 =	simm.s32 $0x1470;
	(xrf0) =	vmin.scan.msk.u32 $0xffff, v2;
	v2, _, _ =	vpop (xrf0);
	(v2sf) =	vpush v5, $0xF  }
0x1ed: {  	v3 =	vld [tilespmem:s28+$0x0];
	(v2sf) =	vpush v2, $0xF;
	v5, _, _ =	vpop (xrf0)  }
0x1ee: {  	s29 =	spop (v2sf);
	(v2sf) =	vpush v5, $0xF;
	_ =	sdelay $0x3  }
0x1ef: {  	(xrf0) =	vadd.scan.msk.s32 $0xffff, v3;
	v3, _, _ =	vpop (xrf0)  }
0x1f0: {  	s31 =	spop (v2sf);
	(v2sf) =	vpush v3, $0xF  }
0x1f1: {  	s18 =	sadd.s32 s14, s29  }
0x1f2: {  	s30 =	simm.s32 $0x40;
	v4 =	vadd.s32 s18, v4  }
0x1f3: {  	vm15 =	vlt.s32 v4, v0;
	v4 =	vor.u32 s30, v1  }
0x1f4: {  	v5 =	vsel vm15, $0x800003E8, v4  }
0x1f5: {  	s13 =	simm.s32 $0x3E8;
	s15 =	simm.s32 $0x60;
	s19 =	simm.s32 $0x50  }
0x1f6: {  	s20 =	simm.s32 $0x1480;
	s21 =	simm.s32 $0x90;
	s17 =	sxor.u32 $0x80000000, s31  }
0x1f7: {  	s16 =	simm.s32 $0x70;
	s14 =	simm.s32 $0x80;
	p0 =	sgt.s32 s17, $0x3E8;
	v4 =	vld [tilespmem:s20+$0x0];
	(xrf0) =	vmin.scan.msk.u32 $0xffff, v5;
	v5, _, _ =	vpop (xrf0)  }
.LBB2_21:
0x1f8: {  	s22 =	smov.u32 s13  }
0x1f9: {  	s13 =	smov.u32 s17;
	s24 =	sadd.s32 $0x10, s21;
	p1 =	seq.s32 s21, $0xF0  }
0x1fa: {  	s23 =	spop (v2sf);
	(v2sf) =	vpush v5, $0xF;
	s13 =	smov.u32 @p0 s22;
	s22 =	smov.u32 s21  }
.Ltmp11:
0x1fb: {  	s18 =	sadd.s32 s18, s23;
	(pc) =	sbr.rel @!p1 .LBB2_21-.Ltmp11, $4  }
0x1fc: {  	s20 =	sadd.s32 $0x10, s20;
	(xrf0) =	vadd.scan.msk.s32 $0xffff, v4;
	v5 =	vadd.s32 s18, v2;
	v2 =	vmov v3;
	v3, _, _ =	vpop (xrf0)  }
0x1fd: {  	v7 =	vor.u32 s19, v1;
	s19 =	smov.u32 s15;
	s15 =	smov.u32 s16;
	v4 =	vld [tilespmem:s20+$0x0];
	(v2sf) =	vpush v3, $0xF;
	vm0 =	vlt.s32 v5, v0;
	s17 =	spop (v2sf)  }
0x1fe: {  	s16 =	smov.u32 s14;
	s14 =	smov.u32 s22;
	v6 =	vsel vm0, $0x800003E8, v7;
	s17 =	sxor.u32 $0x80000000, s17  }
0x1ff: {  	s21 =	smov.u32 s24;
	(xrf0) =	vmin.scan.msk.u32 $0xffff, v6;
	v5, _, _ =	vpop (xrf0);
	p0 =	slt.s32 s13, s17  }
0x200: {  	_ =	sdelay $0x1  }
0x201: {  	(v2sf) =	vpush v5, $0xF;
	v54, _, _ =	vpop (xrf0)  }
0x202: {  	(v2sf) =	vpush v54, $0xF;
	_ =	sdelay $0x6  }
0x203: {  	s20 =	spop (v2sf)  }
0x204: {  	s18 =	sadd.s32 s18, s20;
	s25 =	spop (v2sf)  }
0x205: {  	v2 =	vadd.s32 s18, v2;
	s21 =	spop (v2sf)  }
0x206: {  	(xrf0) =	vadd.scan.msk.s32 $0xffff, v4;
	vm0 =	vlt.s32 v2, v0;
	v2 =	vor.u32 s19, v1;
	s18 =	sadd.s32 s18, s21  }
0x207: {  	v2 =	vsel vm0, $0x800003E8, v2;
	v3 =	vadd.s32 s18, v3  }
0x208: {  	(xrf0) =	vmin.scan.msk.u32 $0xffff, v2;
	vm9 =	vlt.s32 v3, v0;
	v2 =	vor.u32 s15, v1;
	s26 =	spop (v2sf)  }
0x209: {  	v2 =	vsel vm9, $0x800003E8, v2;
	s28 =	spop (v2sf)  }
0x20a: {  	s29 =	sadd.s32 s18, s28;
	s30 =	spop (v2sf)  }
0x20b: {  	v3, _, _ =	vpop (xrf0);
	v55 =	vadd.s32 s29, v54;
	s31 =	spop (v2sf)  }
0x20c: {  	v56 =	vor.u32 s16, v1;
	(xrf0) =	vmin.scan.msk.u32 $0xffff, v2;
	v2, _, _ =	vpop (xrf0);
	vm10 =	vlt.s32 v55, v0;
	s15 =	sadd.s32 s29, s31  }
0x20d: {  	v4 =	vsel vm10, $0x800003E8, v56;
	v57 =	vadd.s32 s15, v2  }
0x20e: {  	(xrf0) =	vmin.scan.msk.u32 $0xffff, v4;
	vm11 =	vlt.s32 v57, v0;
	v0 =	vor.u32 s14, v1  }
0x20f: {  	(v2sf) =	vpush v3, $0xF;
	v0 =	vsel vm11, $0x800003E8, v0  }
0x210: {  	(v2sf) =	vpush v2, $0xF;
	v1, _, _ =	vpop (xrf0);
	(xrf0) =	vmin.scan.msk.u32 $0xffff, v0  }
0x211: {  	(v2sf) =	vpush v1, $0xF  }
0x212: {  	v0, _, _ =	vpop (xrf0)  }
0x213: {  	(v2sf) =	vpush v0, $0xF  }
0x214: {  	v0, _, _ =	vpop (xrf0)  }
0x215: {  	(v2sf) =	vpush v0, $0xF  }
0x216: {  	v0, _, _ =	vpop (xrf0)  }
0x217: {  	(v2sf) =	vpush v0, $0xF;
	_ =	sdelay $0x1  }
0x218: {  	s17 =	smov.u32 @p0 s13;
	s13 =	sxor.u32 $0x80000000, s25  }
0x219: {  	p0 =	slt.s32 s17, s13  }
0x21a: {  	s13 =	smov.u32 @p0 s17;
	s14 =	sxor.u32 $0x80000000, s26  }
0x21b: {  	p0 =	slt.s32 s13, s14  }
0x21c: {  	s14 =	smov.u32 @p0 s13;
	s13 =	sxor.u32 $0x80000000, s30  }
0x21d: {  	s19 =	spop (v2sf);
	p0 =	slt.s32 s14, s13  }
0x21e: {  	s13 =	smov.u32 @p0 s14;
	s14 =	sxor.u32 $0x80000000, s19;
	s20 =	spop (v2sf)  }
0x21f: {  	p0 =	slt.s32 s13, s14;
	s15 =	spop (v2sf)  }
0x220: {  	s14 =	smov.u32 @p0 s13;
	s13 =	sxor.u32 $0x80000000, s15  }
0x221: {  	p0 =	slt.s32 s14, s13;
	s21 =	spop (v2sf)  }
0x222: {  	s13 =	smov.u32 @p0 s14;
	s14 =	sxor.u32 $0x80000000, s21  }
0x223: {  	s22 =	spop (v2sf);
	p0 =	slt.s32 s13, s14  }
0x224: {  	s15 =	sxor.u32 $0x80000000, s22;
	s14 =	smov.u32 @p0 s13  }
0x225: {  	s24 =	simm.s32 $0x1400;
	p0 =	slt.s32 s14, s15;
	s23 =	spop (v2sf)  }
0x226: {  	s25 =	simm.s32 $0x1410;
	v2 =	vld [tilespmem:s24+$0x0];
	s15 =	smov.u32 @p0 s14;
	s13 =	sxor.u32 $0x80000000, s23  }
0x227: {  	v3 =	vld [tilespmem:s25+$0x0];
	p0 =	slt.s32 s15, s13  }
0x228: {  	v1 =	vlaneseq.u32;
	s14 =	simm.s32 $0x0;
	s13 =	smov.u32 @p0 s15  }
0x229: {  	s26 =	simm.s32 $0x10;
	v58 =	vor.u32 s14, v1;
	v0 =	vmov s13  }
0x22a: {  	v59 =	vor.u32 s26, v1;
	vm12 =	vlt.s32 v58, v0  }
0x22b: {  	vm13 =	vlt.s32 v59, v0;
	v2 =	vnsel vm12, $0x0, v2  }
0x22c: {  	(xrf0) =	vadd.scan.msk.s32 $0xffff, v2;
	v2 =	vnsel vm13, $0x0, v3  }
0x22d: {  	(xrf0) =	vadd.scan.msk.s32 $0xffff, v2;
	_ =	sdelay $0x3  }
0x22e: {  	s28 =	simm.s32 $0x1420  }
0x22f: {  	v2 =	vld [tilespmem:s28+$0x0];
	v61, _, _ =	vpop (xrf0)  }
0x230: {  	(v2sf) =	vpush v61, $0xF;
	v63, _, _ =	vpop (xrf0)  }
0x231: {  	s30 =	simm.s32 $0x20;
	(v2sf) =	vpush v63, $0xF  }
0x232: {  	v60 =	vor.u32 s30, v1  }
0x233: {  	vm14 =	vlt.s32 v60, v0  }
0x234: {  	s29 =	simm.s32 $0x1430;
	v2 =	vnsel vm14, $0x0, v2  }
0x235: {  	v3 =	vld [tilespmem:s29+$0x0];
	(xrf0) =	vadd.scan.msk.s32 $0xffff, v2;
	_ =	sdelay $0x1  }
0x236: {  	s31 =	simm.s32 $0x30  }
0x237: {  	v62 =	vor.u32 s31, v1  }
0x238: {  	vm15 =	vlt.s32 v62, v0  }
0x239: {  	s16 =	simm.s32 $0x1440;
	s15 =	simm.s32 $0x40;
	v2 =	vnsel vm15, $0x0, v3  }
.LBB2_23:
0x23a: {  	v3 =	vld [tilespmem:s16+$0x0];
	p0 =	sne.s32 s15, $0xF0;
	(xrf0) =	vadd.scan.msk.s32 $0xffff, v2;
	v2, _, _ =	vpop (xrf0);
	s17 =	smov.u32 s15;
	s15 =	sadd.s32 $0x10, s15  }
.Ltmp12:
0x23b: {  	(v2sf) =	vpush v2, $0xF;
	(pc) =	sbr.rel @p0 .LBB2_23-.Ltmp12, $4  }
0x23c: {  	_ = 	snop  }
0x23d: {  	v2 =	vor.u32 s17, v1  }
0x23e: {  	vm0 =	vlt.s32 v2, v0;
	s17 =	spop (v2sf)  }
0x23f: {  	s16 =	sadd.s32 $0x10, s16;
	v2 =	vnsel vm0, $0x0, v3;
	s14 =	sadd.s32 s14, s17  }
0x240: {  	(xrf0) =	vadd.scan.msk.s32 $0xffff, v2;
	_ =	sdelay $0x4  }
0x241: {  	v0, _, _ =	vpop (xrf0)  }
0x242: {  	(v2sf) =	vpush v0, $0xF;
	v0, _, _ =	vpop (xrf0)  }
0x243: {  	(v2sf) =	vpush v0, $0xF;
	v0 =	vimm.s32 $0x0  }
0x244: {  	[tilespmem:$0x1400] =	vst v0  }
0x245: {  	[tilespmem:$0x1410] =	vst v0  }
0x246: {  	[tilespmem:$0x1420] =	vst v0  }
0x247: {  	[tilespmem:$0x1430] =	vst v0  }
0x248: {  	[tilespmem:$0x1440] =	vst v0  }
0x249: {  	[tilespmem:$0x1450] =	vst v0  }
0x24a: {  	[tilespmem:$0x1460] =	vst v0  }
0x24b: {  	[tilespmem:$0x1470] =	vst v0  }
0x24c: {  	[tilespmem:$0x1480] =	vst v0  }
0x24d: {  	[tilespmem:$0x1490] =	vst v0  }
0x24e: {  	[tilespmem:$0x14A0] =	vst v0  }
0x24f: {  	s15 =	spop (v2sf);
	[tilespmem:$0x14B0] =	vst v0  }
0x250: {  	s16 =	sshll.u32 s11, $0x8;
	s14 =	sadd.s32 s14, s15;
	[tilespmem:$0x14C0] =	vst v0;
	s29 =	spop (v2sf)  }
0x251: {  	s13 =	sor.u32 s16, s13;
	[tilespmem:$0x14D0] =	vst v0;
	s14 =	sadd.s32 s14, s29;
	s30 =	spop (v2sf)  }
0x252: {  	s16 =	simm.s32 $0x0;
	[tilespmem:$0x14E0] =	vst v0;
	s14 =	sadd.s32 s14, s30;
	s31 =	spop (v2sf)  }
0x253: {  	s15 =	simm.s32 $0x40;
	v1 =	vmov s13;
	[tilespmem:$0x14F0] =	vst v0;
	v0 =	vimm.s32 $0x1;
	s11 =	sadd.s32 s14, s31;
	s14 =	simm.s32 $0x1400  }
.LBB2_25:
0x254: {  	p0 =	sne.s32 s15, $0xFC0;
	v2 =	vld [tilespmem:s16+$0x1000];
	_ =	sdelay $0x4  }
0x255: {  	v3 =	vshrl.u32 v2, $0x10  }
0x256: {  	v2 =	vshrl.u32 v2, $0x8;
	vm0 =	veq.s32 v3, v1  }
0x257: {  	v2 =	vand.u32 $0xFF, v2  }
.Ltmp13:
0x258: {  	(pc) =	sbr.rel @p0 .LBB2_25-.Ltmp13, $2  }
0x259: {  	_ =	sdelay $0x2  }
0x25a: {  	s16 =	sshra.s32 s15, $0x2;
	s15 =	sadd.s32 $0x40, s15;
	[tilespmem:v2+s14+$0x0] =	vst.idx.add.s32.msk vm0, v0  }
0x25b: {  	v2 =	vld [tilespmem:s16+$0x1000];
	_ =	sdelay $0x4  }
0x25c: {  	v3 =	vshrl.u32 v2, $0x10  }
0x25d: {  	v2 =	vshrl.u32 v2, $0x8;
	vm0 =	veq.s32 v3, v1  }
0x25e: {  	v1 =	vand.u32 $0xFF, v2;
	_ =	sdelay $0x4  }
0x25f: {  	s15 =	simm.s32 $0x1;
	[tilespmem:v1+s14+$0x0] =	vst.idx.add.s32.msk vm0, v0;
	s14 =	simm.s32 $0x1400  }
0x260: {  	[spmem:s10] =	stream.linear.scatter [tilespmem:s14], [sflag:$0x1], $0x100, $0x38;
	[tilespmem:$0x2790] =	vst v63  }
0x261: {  	_ =	swait.ge [sflag:s15], $0x100  }
0x262: {  	[sflag:s15] =	ssyncset.done $0x0  }
0x263: {  	[sflag:s15] =	ssyncadd.s32 $0xFFFFFF00  }
0x264: {  	s29 =	simm.s32 $0x1500;
	[bflag:$0x0] =	sbarrier.arrive $0xFFFF  }
0x265: {  	[tilespmem:s29], [sflag:$0x1] =	stream.linear.gather [spmem:s9], $0x1000, $0x38;
	[tilespmem:$0x2790] =	vst v63  }
0x266: {  	_ =	swait.ge [sflag:s15], $0x1000  }
0x267: {  	[sflag:s15] =	ssyncset.done $0x0  }
0x268: {  	s30 =	simm.s32 $0x0;
	[sflag:s15] =	ssyncadd.s32 $0xFFFFF000  }
0x269: {  	s15 =	sand.u32 $0xF0, s30;
	[bflag:$0x0] =	sbarrier.arrive $0xFFFF  }
0x26a: {  	v0 =	vld [tilespmem:s15+$0x1600]  }
0x26b: {  	v1 =	vld [tilespmem:s15+$0x1500]  }
0x26c: {  	v2 =	vld [tilespmem:s15+$0x1700]  }
0x26d: {  	v3 =	vld [tilespmem:s15+$0x1800]  }
0x26e: {  	v4 =	vld [tilespmem:s15+$0x1900]  }
0x26f: {  	v5 =	vld [tilespmem:s15+$0x1A00]  }
0x270: {  	v0 =	vadd.s32 v1, v0;
	v1 =	vld [tilespmem:s15+$0x1B00]  }
0x271: {  	v0 =	vadd.s32 v0, v2;
	v2 =	vld [tilespmem:s15+$0x1C00]  }
0x272: {  	v0 =	vadd.s32 v0, v3;
	v3 =	vld [tilespmem:s15+$0x1D00]  }
0x273: {  	v60 =	vld [tilespmem:s15+$0x1E00];
	v0 =	vadd.s32 v0, v4  }
0x274: {  	v61 =	vld [tilespmem:s15+$0x1F00];
	v0 =	vadd.s32 v0, v5  }
0x275: {  	v0 =	vadd.s32 v0, v1;
	v1 =	vld [tilespmem:s15+$0x2000]  }
0x276: {  	v0 =	vadd.s32 v0, v2;
	v2 =	vld [tilespmem:s15+$0x2100]  }
0x277: {  	v0 =	vadd.s32 v0, v3;
	v3 =	vld [tilespmem:s15+$0x2200]  }
0x278: {  	v62 =	vld [tilespmem:s15+$0x2300];
	v0 =	vadd.s32 v0, v60  }
0x279: {  	v63 =	vld [tilespmem:s15+$0x2400];
	v0 =	vadd.s32 v0, v61  }
0x27a: {  	v0 =	vadd.s32 v0, v1  }
0x27b: {  	v0 =	vadd.s32 v0, v2  }
0x27c: {  	v0 =	vadd.s32 v0, v3  }
0x27d: {  	v0 =	vadd.s32 v0, v62  }
0x27e: {  	s31 =	simm.s32 $0x10;
	v0 =	vadd.s32 v0, v63  }
0x27f: {  	s15 =	sand.u32 $0xF0, s31;
	[tilespmem:s14+$0x0] =	vst v0  }
0x280: {  	s16 =	simm.s32 $0x20;
	v0 =	vld [tilespmem:s15+$0x1600]  }
.LBB2_27:
0x281: {  	p0 =	seq.s32 s16, $0xF0;
	v1 =	vld [tilespmem:s15+$0x1500]  }
0x282: {  	v2 =	vld [tilespmem:s15+$0x1700]  }
0x283: {  	v3 =	vld [tilespmem:s15+$0x1800]  }
0x284: {  	v4 =	vld [tilespmem:s15+$0x1900]  }
0x285: {  	v5 =	vld [tilespmem:s15+$0x1A00]  }
0x286: {  	v0 =	vadd.s32 v1, v0;
	v1 =	vld [tilespmem:s15+$0x1B00]  }
0x287: {  	v0 =	vadd.s32 v0, v2;
	v2 =	vld [tilespmem:s15+$0x1C00]  }
0x288: {  	v0 =	vadd.s32 v0, v3;
	v3 =	vld [tilespmem:s15+$0x1D00]  }
0x289: {  	v0 =	vadd.s32 v0, v4;
	v4 =	vld [tilespmem:s15+$0x1E00]  }
0x28a: {  	v0 =	vadd.s32 v0, v5;
	v5 =	vld [tilespmem:s15+$0x1F00]  }
0x28b: {  	v0 =	vadd.s32 v0, v1;
	v1 =	vld [tilespmem:s15+$0x2000]  }
0x28c: {  	v0 =	vadd.s32 v0, v2;
	v2 =	vld [tilespmem:s15+$0x2100]  }
0x28d: {  	v0 =	vadd.s32 v0, v3;
	v3 =	vld [tilespmem:s15+$0x2200]  }
0x28e: {  	v0 =	vadd.s32 v0, v4;
	v4 =	vld [tilespmem:s15+$0x2300]  }
0x28f: {  	v0 =	vadd.s32 v0, v5;
	v5 =	vld [tilespmem:s15+$0x2400]  }
0x290: {  	v0 =	vadd.s32 v0, v1  }
0x291: {  	v0 =	vadd.s32 v0, v2  }
.Ltmp14:
0x292: {  	v0 =	vadd.s32 v0, v3;
	(pc) =	sbr.rel @!p0 .LBB2_27-.Ltmp14, $4  }
0x293: {  	v0 =	vadd.s32 v0, v4  }
0x294: {  	s14 =	sadd.s32 $0x10, s14;
	v0 =	vadd.s32 v0, v5  }
0x295: {  	s15 =	sand.u32 $0xF0, s16;
	[tilespmem:s14+$0x0] =	vst v0  }
0x296: {  	s16 =	sadd.s32 $0x10, s16;
	v0 =	vld [tilespmem:s15+$0x1600]  }
0x297: {  	v1 =	vld [tilespmem:s15+$0x1500]  }
0x298: {  	v2 =	vld [tilespmem:s15+$0x1700]  }
0x299: {  	v3 =	vld [tilespmem:s15+$0x1800]  }
0x29a: {  	v4 =	vld [tilespmem:s15+$0x1900]  }
0x29b: {  	v5 =	vld [tilespmem:s15+$0x1A00]  }
0x29c: {  	v0 =	vadd.s32 v1, v0;
	v1 =	vld [tilespmem:s15+$0x1B00]  }
0x29d: {  	v0 =	vadd.s32 v0, v2;
	v2 =	vld [tilespmem:s15+$0x1C00]  }
0x29e: {  	v0 =	vadd.s32 v0, v3;
	v3 =	vld [tilespmem:s15+$0x1D00]  }
0x29f: {  	v0 =	vadd.s32 v0, v4;
	v4 =	vld [tilespmem:s15+$0x1E00]  }
0x2a0: {  	v0 =	vadd.s32 v0, v5;
	v5 =	vld [tilespmem:s15+$0x1F00]  }
0x2a1: {  	v0 =	vadd.s32 v0, v1;
	v1 =	vld [tilespmem:s15+$0x2000]  }
0x2a2: {  	v0 =	vadd.s32 v0, v2;
	v2 =	vld [tilespmem:s15+$0x2100]  }
0x2a3: {  	v0 =	vadd.s32 v0, v3;
	v3 =	vld [tilespmem:s15+$0x2200]  }
0x2a4: {  	v0 =	vadd.s32 v0, v4;
	v4 =	vld [tilespmem:s15+$0x2300]  }
0x2a5: {  	v0 =	vadd.s32 v0, v5;
	v5 =	vld [tilespmem:s15+$0x2400]  }
0x2a6: {  	v0 =	vadd.s32 v0, v1  }
0x2a7: {  	v0 =	vadd.s32 v0, v2  }
0x2a8: {  	v0 =	vadd.s32 v0, v3  }
0x2a9: {  	v0 =	vadd.s32 v0, v4  }
0x2aa: {  	s14 =	sadd.s32 $0x10, s14;
	v0 =	vadd.s32 v0, v5  }
0x2ab: {  	s16 =	simm.s32 $0x1400;
	[tilespmem:s14+$0x0] =	vst v0  }
0x2ac: {  	v2 =	vld [tilespmem:s16+$0x0]  }
0x2ad: {  	s17 =	simm.s32 $0x1410  }
0x2ae: {  	v3 =	vld [tilespmem:s17+$0x0];
	_ =	sdelay $0x1  }
0x2af: {  	s18 =	simm.s32 $0x1420  }
0x2b0: {  	v4 =	vld [tilespmem:s18+$0x0];
	(xrf0) =	vadd.scan.msk.s32 $0xffff, v2;
	_ =	sdelay $0x1  }
0x2b1: {  	(xrf0) =	vadd.scan.msk.s32 $0xffff, v3;
	_ =	sdelay $0x2  }
0x2b2: {  	s19 =	simm.s32 $0x1430;
	(xrf0) =	vadd.scan.msk.s32 $0xffff, v4  }
0x2b3: {  	v2 =	vld [tilespmem:s19+$0x0];
	v3, _, _ =	vpop (xrf0)  }
0x2b4: {  	(v2sf) =	vpush v3, $0xF  }
0x2b5: {  	v4, _, _ =	vpop (xrf0)  }
0x2b6: {  	(v2sf) =	vpush v4, $0xF  }
0x2b7: {  	s11 =	ssub.s32 s12, s11;
	s31 =	simm.s32 $0x0;
	v1 =	vlaneseq.u32  }
0x2b8: {  	v1 =	vor.u32 $0x80000000, v1;
	v0 =	vmov s11;
	(xrf0) =	vadd.scan.msk.s32 $0xffff, v2;
	v3 =	vadd.s32 s31, v3;
	v2, _, _ =	vpop (xrf0)  }
0x2b9: {  	vm0 =	vlt.s32 v3, v0;
	v3 =	vor.u32 s31, v1;
	(v2sf) =	vpush v2, $0xF  }
0x2ba: {  	v3 =	vsel vm0, $0x800003E8, v3  }
0x2bb: {  	(xrf0) =	vmin.scan.msk.u32 $0xffff, v3;
	_ =	sdelay $0x4  }
0x2bc: {  	v3, _, _ =	vpop (xrf0)  }
0x2bd: {  	s20 =	simm.s32 $0x1440;
	(v2sf) =	vpush v3, $0xF;
	v5, _, _ =	vpop (xrf0)  }
0x2be: {  	(v2sf) =	vpush v5, $0xF;
	v5 =	vld [tilespmem:s20+$0x0]  }
0x2bf: {  	s22 =	simm.s32 $0x1450;
	s21 =	spop (v2sf)  }
0x2c0: {  	v6 =	vld [tilespmem:s22+$0x0];
	s14 =	sadd.s32 $0x0, s21  }
0x2c1: {  	s23 =	simm.s32 $0x10;
	s16 =	spop (v2sf);
	v4 =	vadd.s32 s14, v4  }
0x2c2: {  	s14 =	sadd.s32 s14, s16;
	vm12 =	vlt.s32 v4, v0;
	v4 =	vor.u32 s23, v1  }
0x2c3: {  	s24 =	simm.s32 $0x20;
	(xrf0) =	vadd.scan.msk.s32 $0xffff, v5;
	v2 =	vadd.s32 s14, v2;
	v4 =	vsel vm12, $0x800003E8, v4  }
0x2c4: {  	s17 =	simm.s32 $0x1460;
	s25 =	spop (v2sf);
	vm13 =	vlt.s32 v2, v0;
	v2 =	vor.u32 s24, v1;
	(xrf0) =	vmin.scan.msk.u32 $0xffff, v4  }
0x2c5: {  	v7 =	vld [tilespmem:s17+$0x0];
	s14 =	sadd.s32 s14, s25;
	v2 =	vsel vm13, $0x800003E8, v2;
	(xrf0) =	vadd.scan.msk.s32 $0xffff, v6  }
0x2c6: {  	s26 =	simm.s32 $0x30;
	v3 =	vadd.s32 s14, v3;
	(xrf0) =	vmin.scan.msk.u32 $0xffff, v2  }
0x2c7: {  	vm14 =	vlt.s32 v3, v0;
	v2 =	vor.u32 s26, v1  }
0x2c8: {  	v2 =	vsel vm14, $0x800003E8, v2  }
0x2c9: {  	v4, _, _ =	vpop (xrf0)  }
0x2ca: {  	(xrf0) =	vadd.scan.msk.s32 $0xffff, v7;
	(v2sf) =	vpush v4, $0xF;
	v5, _, _ =	vpop (xrf0)  }
0x2cb: {  	s28 =	simm.s32 $0x1470;
	(xrf0) =	vmin.scan.msk.u32 $0xffff, v2;
	v2, _, _ =	vpop (xrf0);
	(v2sf) =	vpush v5, $0xF  }
0x2cc: {  	v3 =	vld [tilespmem:s28+$0x0];
	(v2sf) =	vpush v2, $0xF;
	v5, _, _ =	vpop (xrf0)  }
0x2cd: {  	s29 =	spop (v2sf);
	(v2sf) =	vpush v5, $0xF;
	_ =	sdelay $0x3  }
0x2ce: {  	(xrf0) =	vadd.scan.msk.s32 $0xffff, v3;
	v3, _, _ =	vpop (xrf0)  }
0x2cf: {  	s31 =	spop (v2sf);
	(v2sf) =	vpush v3, $0xF  }
0x2d0: {  	s18 =	sadd.s32 s14, s29  }
0x2d1: {  	s30 =	simm.s32 $0x40;
	v4 =	vadd.s32 s18, v4  }
0x2d2: {  	vm15 =	vlt.s32 v4, v0;
	v4 =	vor.u32 s30, v1  }
0x2d3: {  	v5 =	vsel vm15, $0x800003E8, v4  }
0x2d4: {  	s12 =	simm.s32 $0x3E8;
	s15 =	simm.s32 $0x60;
	s19 =	simm.s32 $0x50  }
0x2d5: {  	s20 =	simm.s32 $0x1480;
	s21 =	simm.s32 $0x90;
	s17 =	sxor.u32 $0x80000000, s31  }
0x2d6: {  	s16 =	simm.s32 $0x70;
	s14 =	simm.s32 $0x80;
	p0 =	sgt.s32 s17, $0x3E8;
	v4 =	vld [tilespmem:s20+$0x0];
	(xrf0) =	vmin.scan.msk.u32 $0xffff, v5;
	v5, _, _ =	vpop (xrf0)  }
.LBB2_29:
0x2d7: {  	s22 =	smov.u32 s12  }
0x2d8: {  	s12 =	smov.u32 s17;
	s24 =	sadd.s32 $0x10, s21;
	p1 =	seq.s32 s21, $0xF0  }
0x2d9: {  	s23 =	spop (v2sf);
	(v2sf) =	vpush v5, $0xF;
	s12 =	smov.u32 @p0 s22;
	s22 =	smov.u32 s21  }
.Ltmp15:
0x2da: {  	s18 =	sadd.s32 s18, s23;
	(pc) =	sbr.rel @!p1 .LBB2_29-.Ltmp15, $4  }
0x2db: {  	s20 =	sadd.s32 $0x10, s20;
	(xrf0) =	vadd.scan.msk.s32 $0xffff, v4;
	v5 =	vadd.s32 s18, v2;
	v2 =	vmov v3;
	v3, _, _ =	vpop (xrf0)  }
0x2dc: {  	v7 =	vor.u32 s19, v1;
	s19 =	smov.u32 s15;
	s15 =	smov.u32 s16;
	v4 =	vld [tilespmem:s20+$0x0];
	(v2sf) =	vpush v3, $0xF;
	vm0 =	vlt.s32 v5, v0;
	s17 =	spop (v2sf)  }
0x2dd: {  	s16 =	smov.u32 s14;
	s14 =	smov.u32 s22;
	v6 =	vsel vm0, $0x800003E8, v7;
	s17 =	sxor.u32 $0x80000000, s17  }
0x2de: {  	s21 =	smov.u32 s24;
	(xrf0) =	vmin.scan.msk.u32 $0xffff, v6;
	v5, _, _ =	vpop (xrf0);
	p0 =	slt.s32 s12, s17  }
0x2df: {  	_ =	sdelay $0x1  }
0x2e0: {  	(v2sf) =	vpush v5, $0xF;
	v54, _, _ =	vpop (xrf0)  }
0x2e1: {  	(v2sf) =	vpush v54, $0xF;
	_ =	sdelay $0x6  }
0x2e2: {  	s20 =	spop (v2sf)  }
0x2e3: {  	s18 =	sadd.s32 s18, s20;
	s25 =	spop (v2sf)  }
0x2e4: {  	v2 =	vadd.s32 s18, v2;
	s21 =	spop (v2sf)  }
0x2e5: {  	(xrf0) =	vadd.scan.msk.s32 $0xffff, v4;
	vm0 =	vlt.s32 v2, v0;
	v2 =	vor.u32 s19, v1;
	s18 =	sadd.s32 s18, s21  }
0x2e6: {  	v2 =	vsel vm0, $0x800003E8, v2;
	v3 =	vadd.s32 s18, v3  }
0x2e7: {  	(xrf0) =	vmin.scan.msk.u32 $0xffff, v2;
	vm9 =	vlt.s32 v3, v0;
	v2 =	vor.u32 s15, v1;
	s26 =	spop (v2sf)  }
0x2e8: {  	v2 =	vsel vm9, $0x800003E8, v2;
	s28 =	spop (v2sf)  }
0x2e9: {  	s29 =	sadd.s32 s18, s28;
	s30 =	spop (v2sf)  }
0x2ea: {  	v3, _, _ =	vpop (xrf0);
	v55 =	vadd.s32 s29, v54;
	s31 =	spop (v2sf)  }
0x2eb: {  	v56 =	vor.u32 s16, v1;
	(xrf0) =	vmin.scan.msk.u32 $0xffff, v2;
	v2, _, _ =	vpop (xrf0);
	vm10 =	vlt.s32 v55, v0;
	s15 =	sadd.s32 s29, s31  }
0x2ec: {  	v4 =	vsel vm10, $0x800003E8, v56;
	v57 =	vadd.s32 s15, v2  }
0x2ed: {  	(xrf0) =	vmin.scan.msk.u32 $0xffff, v4;
	vm11 =	vlt.s32 v57, v0;
	v0 =	vor.u32 s14, v1  }
0x2ee: {  	(v2sf) =	vpush v3, $0xF;
	v0 =	vsel vm11, $0x800003E8, v0  }
0x2ef: {  	(v2sf) =	vpush v2, $0xF;
	v1, _, _ =	vpop (xrf0);
	(xrf0) =	vmin.scan.msk.u32 $0xffff, v0  }
0x2f0: {  	(v2sf) =	vpush v1, $0xF  }
0x2f1: {  	v0, _, _ =	vpop (xrf0)  }
0x2f2: {  	(v2sf) =	vpush v0, $0xF  }
0x2f3: {  	v0, _, _ =	vpop (xrf0)  }
0x2f4: {  	(v2sf) =	vpush v0, $0xF  }
0x2f5: {  	v0, _, _ =	vpop (xrf0)  }
0x2f6: {  	(v2sf) =	vpush v0, $0xF;
	_ =	sdelay $0x1  }
0x2f7: {  	s17 =	smov.u32 @p0 s12;
	s12 =	sxor.u32 $0x80000000, s25  }
0x2f8: {  	p0 =	slt.s32 s17, s12  }
0x2f9: {  	s12 =	smov.u32 @p0 s17;
	s14 =	sxor.u32 $0x80000000, s26  }
0x2fa: {  	p0 =	slt.s32 s12, s14  }
0x2fb: {  	s14 =	smov.u32 @p0 s12;
	s12 =	sxor.u32 $0x80000000, s30  }
0x2fc: {  	s19 =	spop (v2sf);
	p0 =	slt.s32 s14, s12  }
0x2fd: {  	s12 =	smov.u32 @p0 s14;
	s14 =	sxor.u32 $0x80000000, s19;
	s20 =	spop (v2sf)  }
0x2fe: {  	p0 =	slt.s32 s12, s14;
	s15 =	spop (v2sf)  }
0x2ff: {  	s14 =	smov.u32 @p0 s12;
	s12 =	sxor.u32 $0x80000000, s15  }
0x300: {  	p0 =	slt.s32 s14, s12;
	s21 =	spop (v2sf)  }
0x301: {  	s12 =	smov.u32 @p0 s14;
	s14 =	sxor.u32 $0x80000000, s21  }
0x302: {  	s22 =	spop (v2sf);
	p0 =	slt.s32 s12, s14  }
0x303: {  	s15 =	sxor.u32 $0x80000000, s22;
	s14 =	smov.u32 @p0 s12  }
0x304: {  	s24 =	simm.s32 $0x1400;
	p0 =	slt.s32 s14, s15;
	s23 =	spop (v2sf)  }
0x305: {  	s25 =	simm.s32 $0x1410;
	v2 =	vld [tilespmem:s24+$0x0];
	s15 =	smov.u32 @p0 s14;
	s12 =	sxor.u32 $0x80000000, s23  }
0x306: {  	v3 =	vld [tilespmem:s25+$0x0];
	p0 =	slt.s32 s15, s12  }
0x307: {  	v1 =	vlaneseq.u32;
	s14 =	simm.s32 $0x0;
	s12 =	smov.u32 @p0 s15  }
0x308: {  	s26 =	simm.s32 $0x10;
	v58 =	vor.u32 s14, v1;
	v0 =	vmov s12  }
0x309: {  	v59 =	vor.u32 s26, v1;
	vm12 =	vlt.s32 v58, v0  }
0x30a: {  	vm13 =	vlt.s32 v59, v0;
	v2 =	vnsel vm12, $0x0, v2  }
0x30b: {  	(xrf0) =	vadd.scan.msk.s32 $0xffff, v2;
	v2 =	vnsel vm13, $0x0, v3  }
0x30c: {  	(xrf0) =	vadd.scan.msk.s32 $0xffff, v2;
	_ =	sdelay $0x3  }
0x30d: {  	s28 =	simm.s32 $0x1420  }
0x30e: {  	v2 =	vld [tilespmem:s28+$0x0];
	v61, _, _ =	vpop (xrf0)  }
0x30f: {  	(v2sf) =	vpush v61, $0xF;
	v63, _, _ =	vpop (xrf0)  }
0x310: {  	s30 =	simm.s32 $0x20;
	(v2sf) =	vpush v63, $0xF  }
0x311: {  	v60 =	vor.u32 s30, v1  }
0x312: {  	vm14 =	vlt.s32 v60, v0  }
0x313: {  	s29 =	simm.s32 $0x1430;
	v2 =	vnsel vm14, $0x0, v2  }
0x314: {  	v3 =	vld [tilespmem:s29+$0x0];
	(xrf0) =	vadd.scan.msk.s32 $0xffff, v2;
	_ =	sdelay $0x1  }
0x315: {  	s31 =	simm.s32 $0x30  }
0x316: {  	v62 =	vor.u32 s31, v1  }
0x317: {  	vm15 =	vlt.s32 v62, v0  }
0x318: {  	s16 =	simm.s32 $0x1440;
	s15 =	simm.s32 $0x40;
	v2 =	vnsel vm15, $0x0, v3  }
.LBB2_31:
0x319: {  	v3 =	vld [tilespmem:s16+$0x0];
	p0 =	sne.s32 s15, $0xF0;
	(xrf0) =	vadd.scan.msk.s32 $0xffff, v2;
	v2, _, _ =	vpop (xrf0);
	s17 =	smov.u32 s15;
	s15 =	sadd.s32 $0x10, s15  }
.Ltmp16:
0x31a: {  	(v2sf) =	vpush v2, $0xF;
	(pc) =	sbr.rel @p0 .LBB2_31-.Ltmp16, $4  }
0x31b: {  	_ = 	snop  }
0x31c: {  	v2 =	vor.u32 s17, v1  }
0x31d: {  	vm0 =	vlt.s32 v2, v0;
	s17 =	spop (v2sf)  }
0x31e: {  	s16 =	sadd.s32 $0x10, s16;
	v2 =	vnsel vm0, $0x0, v3;
	s14 =	sadd.s32 s14, s17  }
0x31f: {  	(xrf0) =	vadd.scan.msk.s32 $0xffff, v2;
	_ =	sdelay $0x4  }
0x320: {  	v0, _, _ =	vpop (xrf0)  }
0x321: {  	(v2sf) =	vpush v0, $0xF;
	v0, _, _ =	vpop (xrf0)  }
0x322: {  	(v2sf) =	vpush v0, $0xF;
	v0 =	vimm.s32 $0x0  }
0x323: {  	[tilespmem:$0x1400] =	vst v0  }
0x324: {  	[tilespmem:$0x1410] =	vst v0  }
0x325: {  	[tilespmem:$0x1420] =	vst v0  }
0x326: {  	[tilespmem:$0x1430] =	vst v0  }
0x327: {  	[tilespmem:$0x1440] =	vst v0  }
0x328: {  	[tilespmem:$0x1450] =	vst v0  }
0x329: {  	[tilespmem:$0x1460] =	vst v0  }
0x32a: {  	[tilespmem:$0x1470] =	vst v0  }
0x32b: {  	[tilespmem:$0x1480] =	vst v0  }
0x32c: {  	[tilespmem:$0x1490] =	vst v0  }
0x32d: {  	[tilespmem:$0x14A0] =	vst v0  }
0x32e: {  	s15 =	spop (v2sf);
	[tilespmem:$0x14B0] =	vst v0  }
0x32f: {  	s16 =	sshll.u32 s13, $0x8;
	s14 =	sadd.s32 s14, s15;
	[tilespmem:$0x14C0] =	vst v0;
	s29 =	spop (v2sf)  }
0x330: {  	s12 =	sor.u32 s16, s12;
	[tilespmem:$0x14D0] =	vst v0;
	s14 =	sadd.s32 s14, s29;
	s30 =	spop (v2sf)  }
0x331: {  	s16 =	simm.s32 $0x0;
	[tilespmem:$0x14E0] =	vst v0;
	s14 =	sadd.s32 s14, s30;
	s31 =	spop (v2sf)  }
0x332: {  	s15 =	simm.s32 $0x40;
	v1 =	vmov s12;
	[tilespmem:$0x14F0] =	vst v0;
	v0 =	vimm.s32 $0x1;
	s13 =	sadd.s32 s14, s31;
	s14 =	simm.s32 $0x1400  }
.LBB2_33:
0x333: {  	p0 =	sne.s32 s15, $0xFC0;
	v2 =	vld [tilespmem:s16+$0x1000];
	_ =	sdelay $0x4  }
0x334: {  	v3 =	vshrl.u32 v2, $0x8  }
0x335: {  	vm0 =	veq.s32 v3, v1  }
0x336: {  	v2 =	vand.u32 $0xFF, v2  }
.Ltmp17:
0x337: {  	(pc) =	sbr.rel @p0 .LBB2_33-.Ltmp17, $2  }
0x338: {  	_ =	sdelay $0x2  }
0x339: {  	s16 =	sshra.s32 s15, $0x2;
	s15 =	sadd.s32 $0x40, s15;
	[tilespmem:v2+s14+$0x0] =	vst.idx.add.s32.msk vm0, v0  }
0x33a: {  	v2 =	vld [tilespmem:s16+$0x1000];
	_ =	sdelay $0x4  }
0x33b: {  	v3 =	vshrl.u32 v2, $0x8  }
0x33c: {  	vm0 =	veq.s32 v3, v1  }
0x33d: {  	v1 =	vand.u32 $0xFF, v2;
	_ =	sdelay $0x4  }
0x33e: {  	s29 =	simm.s32 $0x1;
	[tilespmem:v1+s14+$0x0] =	vst.idx.add.s32.msk vm0, v0;
	s14 =	simm.s32 $0x1400  }
0x33f: {  	[spmem:s10] =	stream.linear.scatter [tilespmem:s14], [sflag:$0x1], $0x100, $0x38;
	[tilespmem:$0x2790] =	vst v63  }
0x340: {  	_ =	swait.ge [sflag:s29], $0x100  }
0x341: {  	[sflag:s29] =	ssyncset.done $0x0  }
0x342: {  	[sflag:s29] =	ssyncadd.s32 $0xFFFFFF00  }
0x343: {  	s15 =	simm.s32 $0x1500;
	[bflag:$0x0] =	sbarrier.arrive $0xFFFF  }
0x344: {  	[tilespmem:s15], [sflag:$0x1] =	stream.linear.gather [spmem:s9], $0x1000, $0x38;
	[tilespmem:$0x2790] =	vst v63  }
0x345: {  	_ =	swait.ge [sflag:s29], $0x1000  }
0x346: {  	[sflag:s29] =	ssyncset.done $0x0  }
0x347: {  	s30 =	simm.s32 $0x0;
	[sflag:s29] =	ssyncadd.s32 $0xFFFFF000  }
0x348: {  	s9 =	sand.u32 $0xF0, s30;
	[bflag:$0x0] =	sbarrier.arrive $0xFFFF  }
0x349: {  	v0 =	vld [tilespmem:s9+$0x1600]  }
0x34a: {  	v1 =	vld [tilespmem:s9+$0x1500]  }
0x34b: {  	v2 =	vld [tilespmem:s9+$0x1700]  }
0x34c: {  	v3 =	vld [tilespmem:s9+$0x1800]  }
0x34d: {  	v4 =	vld [tilespmem:s9+$0x1900]  }
0x34e: {  	v5 =	vld [tilespmem:s9+$0x1A00]  }
0x34f: {  	v0 =	vadd.s32 v1, v0;
	v1 =	vld [tilespmem:s9+$0x1B00]  }
0x350: {  	v0 =	vadd.s32 v0, v2;
	v2 =	vld [tilespmem:s9+$0x1C00]  }
0x351: {  	v0 =	vadd.s32 v0, v3;
	v3 =	vld [tilespmem:s9+$0x1D00]  }
0x352: {  	v60 =	vld [tilespmem:s9+$0x1E00];
	v0 =	vadd.s32 v0, v4  }
0x353: {  	v61 =	vld [tilespmem:s9+$0x1F00];
	v0 =	vadd.s32 v0, v5  }
0x354: {  	v0 =	vadd.s32 v0, v1;
	v1 =	vld [tilespmem:s9+$0x2000]  }
0x355: {  	v0 =	vadd.s32 v0, v2;
	v2 =	vld [tilespmem:s9+$0x2100]  }
0x356: {  	v0 =	vadd.s32 v0, v3;
	v3 =	vld [tilespmem:s9+$0x2200]  }
0x357: {  	v62 =	vld [tilespmem:s9+$0x2300];
	v0 =	vadd.s32 v0, v60  }
0x358: {  	v63 =	vld [tilespmem:s9+$0x2400];
	v0 =	vadd.s32 v0, v61  }
0x359: {  	v0 =	vadd.s32 v0, v1  }
0x35a: {  	v0 =	vadd.s32 v0, v2  }
0x35b: {  	v0 =	vadd.s32 v0, v3  }
0x35c: {  	v0 =	vadd.s32 v0, v62  }
0x35d: {  	s31 =	simm.s32 $0x10;
	v0 =	vadd.s32 v0, v63  }
0x35e: {  	s9 =	sand.u32 $0xF0, s31;
	[tilespmem:s14+$0x0] =	vst v0  }
0x35f: {  	s10 =	simm.s32 $0x20;
	v0 =	vld [tilespmem:s9+$0x1600]  }
.LBB2_35:
0x360: {  	p0 =	seq.s32 s10, $0xF0;
	v1 =	vld [tilespmem:s9+$0x1500]  }
0x361: {  	v2 =	vld [tilespmem:s9+$0x1700]  }
0x362: {  	v3 =	vld [tilespmem:s9+$0x1800]  }
0x363: {  	v4 =	vld [tilespmem:s9+$0x1900]  }
0x364: {  	v5 =	vld [tilespmem:s9+$0x1A00]  }
0x365: {  	v0 =	vadd.s32 v1, v0;
	v1 =	vld [tilespmem:s9+$0x1B00]  }
0x366: {  	v0 =	vadd.s32 v0, v2;
	v2 =	vld [tilespmem:s9+$0x1C00]  }
0x367: {  	v0 =	vadd.s32 v0, v3;
	v3 =	vld [tilespmem:s9+$0x1D00]  }
0x368: {  	v0 =	vadd.s32 v0, v4;
	v4 =	vld [tilespmem:s9+$0x1E00]  }
0x369: {  	v0 =	vadd.s32 v0, v5;
	v5 =	vld [tilespmem:s9+$0x1F00]  }
0x36a: {  	v0 =	vadd.s32 v0, v1;
	v1 =	vld [tilespmem:s9+$0x2000]  }
0x36b: {  	v0 =	vadd.s32 v0, v2;
	v2 =	vld [tilespmem:s9+$0x2100]  }
0x36c: {  	v0 =	vadd.s32 v0, v3;
	v3 =	vld [tilespmem:s9+$0x2200]  }
0x36d: {  	v0 =	vadd.s32 v0, v4;
	v4 =	vld [tilespmem:s9+$0x2300]  }
0x36e: {  	v0 =	vadd.s32 v0, v5;
	v5 =	vld [tilespmem:s9+$0x2400]  }
0x36f: {  	v0 =	vadd.s32 v0, v1  }
0x370: {  	v0 =	vadd.s32 v0, v2  }
.Ltmp18:
0x371: {  	v0 =	vadd.s32 v0, v3;
	(pc) =	sbr.rel @!p0 .LBB2_35-.Ltmp18, $4  }
0x372: {  	v0 =	vadd.s32 v0, v4  }
0x373: {  	s14 =	sadd.s32 $0x10, s14;
	v0 =	vadd.s32 v0, v5  }
0x374: {  	s9 =	sand.u32 $0xF0, s10;
	[tilespmem:s14+$0x0] =	vst v0  }
0x375: {  	s10 =	sadd.s32 $0x10, s10;
	v0 =	vld [tilespmem:s9+$0x1600]  }
0x376: {  	v1 =	vld [tilespmem:s9+$0x1500]  }
0x377: {  	v2 =	vld [tilespmem:s9+$0x1700]  }
0x378: {  	v3 =	vld [tilespmem:s9+$0x1800]  }
0x379: {  	v4 =	vld [tilespmem:s9+$0x1900]  }
0x37a: {  	v5 =	vld [tilespmem:s9+$0x1A00]  }
0x37b: {  	v0 =	vadd.s32 v1, v0;
	v1 =	vld [tilespmem:s9+$0x1B00]  }
0x37c: {  	v0 =	vadd.s32 v0, v2;
	v2 =	vld [tilespmem:s9+$0x1C00]  }
0x37d: {  	v0 =	vadd.s32 v0, v3;
	v3 =	vld [tilespmem:s9+$0x1D00]  }
0x37e: {  	v0 =	vadd.s32 v0, v4;
	v4 =	vld [tilespmem:s9+$0x1E00]  }
0x37f: {  	v0 =	vadd.s32 v0, v5;
	v5 =	vld [tilespmem:s9+$0x1F00]  }
0x380: {  	v0 =	vadd.s32 v0, v1;
	v1 =	vld [tilespmem:s9+$0x2000]  }
0x381: {  	v0 =	vadd.s32 v0, v2;
	v2 =	vld [tilespmem:s9+$0x2100]  }
0x382: {  	v0 =	vadd.s32 v0, v3;
	v3 =	vld [tilespmem:s9+$0x2200]  }
0x383: {  	v0 =	vadd.s32 v0, v4;
	v4 =	vld [tilespmem:s9+$0x2300]  }
0x384: {  	v0 =	vadd.s32 v0, v5;
	v5 =	vld [tilespmem:s9+$0x2400]  }
0x385: {  	v0 =	vadd.s32 v0, v1  }
0x386: {  	v0 =	vadd.s32 v0, v2  }
0x387: {  	v0 =	vadd.s32 v0, v3  }
0x388: {  	v0 =	vadd.s32 v0, v4  }
0x389: {  	s10 =	sadd.s32 $0x10, s14;
	v0 =	vadd.s32 v0, v5  }
0x38a: {  	s14 =	simm.s32 $0x1400;
	[tilespmem:s10+$0x0] =	vst v0  }
0x38b: {  	v2 =	vld [tilespmem:s14+$0x0]  }
0x38c: {  	s15 =	simm.s32 $0x1410  }
0x38d: {  	v3 =	vld [tilespmem:s15+$0x0];
	_ =	sdelay $0x1  }
0x38e: {  	s16 =	simm.s32 $0x1420  }
0x38f: {  	v4 =	vld [tilespmem:s16+$0x0];
	(xrf0) =	vadd.scan.msk.s32 $0xffff, v2;
	_ =	sdelay $0x1  }
0x390: {  	(xrf0) =	vadd.scan.msk.s32 $0xffff, v3;
	_ =	sdelay $0x2  }
0x391: {  	s17 =	simm.s32 $0x1430;
	(xrf0) =	vadd.scan.msk.s32 $0xffff, v4  }
0x392: {  	v2 =	vld [tilespmem:s17+$0x0];
	v3, _, _ =	vpop (xrf0)  }
0x393: {  	(v2sf) =	vpush v3, $0xF  }
0x394: {  	v4, _, _ =	vpop (xrf0)  }
0x395: {  	(v2sf) =	vpush v4, $0xF  }
0x396: {  	s13 =	ssub.s32 s11, s13;
	v1 =	vlaneseq.u32;
	s10 =	simm.s32 $0x0  }
0x397: {  	v1 =	vor.u32 $0x80000000, v1;
	v0 =	vmov s13;
	(xrf0) =	vadd.scan.msk.s32 $0xffff, v2;
	v3 =	vadd.s32 s10, v3;
	v2, _, _ =	vpop (xrf0)  }
0x398: {  	vm0 =	vlt.s32 v3, v0;
	v3 =	vor.u32 s10, v1;
	(v2sf) =	vpush v2, $0xF  }
0x399: {  	v3 =	vsel vm0, $0x800003E8, v3  }
0x39a: {  	(xrf0) =	vmin.scan.msk.u32 $0xffff, v3;
	_ =	sdelay $0x4  }
0x39b: {  	v3, _, _ =	vpop (xrf0)  }
0x39c: {  	s18 =	simm.s32 $0x1440;
	(v2sf) =	vpush v3, $0xF;
	v5, _, _ =	vpop (xrf0)  }
0x39d: {  	(v2sf) =	vpush v5, $0xF;
	v5 =	vld [tilespmem:s18+$0x0]  }
0x39e: {  	s20 =	simm.s32 $0x1450;
	s19 =	spop (v2sf)  }
0x39f: {  	v6 =	vld [tilespmem:s20+$0x0];
	s10 =	sadd.s32 $0x0, s19  }
0x3a0: {  	s21 =	simm.s32 $0x10;
	s22 =	spop (v2sf);
	v4 =	vadd.s32 s10, v4  }
0x3a1: {  	s10 =	sadd.s32 s10, s22;
	vm12 =	vlt.s32 v4, v0;
	v4 =	vor.u32 s21, v1  }
0x3a2: {  	s24 =	simm.s32 $0x20;
	(xrf0) =	vadd.scan.msk.s32 $0xffff, v5;
	v2 =	vadd.s32 s10, v2;
	v4 =	vsel vm12, $0x800003E8, v4  }
0x3a3: {  	s23 =	simm.s32 $0x1460;
	s25 =	spop (v2sf);
	vm13 =	vlt.s32 v2, v0;
	v2 =	vor.u32 s24, v1;
	(xrf0) =	vmin.scan.msk.u32 $0xffff, v4  }
0x3a4: {  	v7 =	vld [tilespmem:s23+$0x0];
	s10 =	sadd.s32 s10, s25;
	v2 =	vsel vm13, $0x800003E8, v2;
	(xrf0) =	vadd.scan.msk.s32 $0xffff, v6  }
0x3a5: {  	s26 =	simm.s32 $0x30;
	v3 =	vadd.s32 s10, v3;
	(xrf0) =	vmin.scan.msk.u32 $0xffff, v2  }
0x3a6: {  	vm14 =	vlt.s32 v3, v0;
	v2 =	vor.u32 s26, v1  }
0x3a7: {  	v2 =	vsel vm14, $0x800003E8, v2  }
0x3a8: {  	v4, _, _ =	vpop (xrf0)  }
0x3a9: {  	(xrf0) =	vadd.scan.msk.s32 $0xffff, v7;
	(v2sf) =	vpush v4, $0xF;
	v5, _, _ =	vpop (xrf0)  }
0x3aa: {  	s28 =	simm.s32 $0x1470;
	(xrf0) =	vmin.scan.msk.u32 $0xffff, v2;
	v2, _, _ =	vpop (xrf0);
	(v2sf) =	vpush v5, $0xF  }
0x3ab: {  	v3 =	vld [tilespmem:s28+$0x0];
	(v2sf) =	vpush v2, $0xF;
	v5, _, _ =	vpop (xrf0)  }
0x3ac: {  	s29 =	spop (v2sf);
	(v2sf) =	vpush v5, $0xF;
	_ =	sdelay $0x3  }
0x3ad: {  	(xrf0) =	vadd.scan.msk.s32 $0xffff, v3;
	v3, _, _ =	vpop (xrf0)  }
0x3ae: {  	s31 =	spop (v2sf);
	(v2sf) =	vpush v3, $0xF  }
0x3af: {  	s15 =	sadd.s32 s10, s29  }
0x3b0: {  	s30 =	simm.s32 $0x40;
	v4 =	vadd.s32 s15, v4  }
0x3b1: {  	vm15 =	vlt.s32 v4, v0;
	v4 =	vor.u32 s30, v1  }
0x3b2: {  	v5 =	vsel vm15, $0x800003E8, v4  }
0x3b3: {  	s11 =	simm.s32 $0x60;
	s9 =	simm.s32 $0x3E8;
	s13 =	simm.s32 $0x70  }
0x3b4: {  	s16 =	simm.s32 $0x50;
	s17 =	simm.s32 $0x1480;
	s14 =	sxor.u32 $0x80000000, s31  }
0x3b5: {  	s18 =	simm.s32 $0x90;
	s10 =	simm.s32 $0x80;
	p0 =	sgt.s32 s14, $0x3E8;
	v4 =	vld [tilespmem:s17+$0x0];
	(xrf0) =	vmin.scan.msk.u32 $0xffff, v5;
	v5, _, _ =	vpop (xrf0)  }
.LBB2_37:
0x3b6: {  	s19 =	smov.u32 s9  }
0x3b7: {  	s9 =	smov.u32 s14;
	s21 =	sadd.s32 $0x10, s18;
	p1 =	seq.s32 s18, $0xF0  }
0x3b8: {  	s20 =	spop (v2sf);
	(v2sf) =	vpush v5, $0xF;
	s9 =	smov.u32 @p0 s19;
	s19 =	smov.u32 s18  }
.Ltmp19:
0x3b9: {  	s15 =	sadd.s32 s15, s20;
	(pc) =	sbr.rel @!p1 .LBB2_37-.Ltmp19, $4  }
0x3ba: {  	s17 =	sadd.s32 $0x10, s17;
	(xrf0) =	vadd.scan.msk.s32 $0xffff, v4;
	v5 =	vadd.s32 s15, v2;
	v2 =	vmov v3;
	v3, _, _ =	vpop (xrf0)  }
0x3bb: {  	v7 =	vor.u32 s16, v1;
	s16 =	smov.u32 s11;
	s11 =	smov.u32 s13;
	v4 =	vld [tilespmem:s17+$0x0];
	(v2sf) =	vpush v3, $0xF;
	vm0 =	vlt.s32 v5, v0;
	s14 =	spop (v2sf)  }
0x3bc: {  	s13 =	smov.u32 s10;
	s10 =	smov.u32 s19;
	v6 =	vsel vm0, $0x800003E8, v7;
	s14 =	sxor.u32 $0x80000000, s14  }
0x3bd: {  	s18 =	smov.u32 s21;
	(xrf0) =	vmin.scan.msk.u32 $0xffff, v6;
	v5, _, _ =	vpop (xrf0);
	p0 =	slt.s32 s9, s14  }
0x3be: {  	_ =	sdelay $0x1  }
0x3bf: {  	(v2sf) =	vpush v5, $0xF;
	v5, _, _ =	vpop (xrf0)  }
0x3c0: {  	(v2sf) =	vpush v5, $0xF;
	_ =	sdelay $0x6  }
0x3c1: {  	s17 =	spop (v2sf)  }
0x3c2: {  	s15 =	sadd.s32 s15, s17;
	s29 =	spop (v2sf)  }
0x3c3: {  	v2 =	vadd.s32 s15, v2;
	s18 =	spop (v2sf)  }
0x3c4: {  	(xrf0) =	vadd.scan.msk.s32 $0xffff, v4;
	vm0 =	vlt.s32 v2, v0;
	v2 =	vor.u32 s16, v1;
	s15 =	sadd.s32 s15, s18  }
0x3c5: {  	v2 =	vsel vm0, $0x800003E8, v2;
	v3 =	vadd.s32 s15, v3  }
0x3c6: {  	(xrf0) =	vmin.scan.msk.u32 $0xffff, v2;
	vm0 =	vlt.s32 v3, v0;
	v2 =	vor.u32 s11, v1;
	s30 =	spop (v2sf)  }
0x3c7: {  	v2 =	vsel vm0, $0x800003E8, v2;
	s31 =	spop (v2sf)  }
0x3c8: {  	s18 =	sadd.s32 s15, s31;
	s19 =	spop (v2sf)  }
0x3c9: {  	v3, _, _ =	vpop (xrf0);
	v4 =	vadd.s32 s18, v5;
	s20 =	spop (v2sf)  }
0x3ca: {  	(xrf0) =	vmin.scan.msk.u32 $0xffff, v2;
	v2, _, _ =	vpop (xrf0);
	v5 =	vor.u32 s13, v1;
	vm0 =	vlt.s32 v4, v0;
	s11 =	sadd.s32 s18, s20  }
0x3cb: {  	v4 =	vsel vm0, $0x800003E8, v5;
	v5 =	vadd.s32 s11, v2  }
0x3cc: {  	(xrf0) =	vmin.scan.msk.u32 $0xffff, v4;
	vm0 =	vlt.s32 v5, v0;
	v0 =	vor.u32 s10, v1  }
0x3cd: {  	(v2sf) =	vpush v3, $0xF;
	v0 =	vsel vm0, $0x800003E8, v0  }
0x3ce: {  	(v2sf) =	vpush v2, $0xF;
	v1, _, _ =	vpop (xrf0);
	(xrf0) =	vmin.scan.msk.u32 $0xffff, v0  }
0x3cf: {  	(v2sf) =	vpush v1, $0xF  }
0x3d0: {  	v0, _, _ =	vpop (xrf0)  }
0x3d1: {  	(v2sf) =	vpush v0, $0xF  }
0x3d2: {  	v0, _, _ =	vpop (xrf0)  }
0x3d3: {  	(v2sf) =	vpush v0, $0xF  }
0x3d4: {  	s28 =	simm.s32 $0x0;
	v0, _, _ =	vpop (xrf0)  }
0x3d5: {  	v3 =	vld [tilespmem:s28+$0xC00];
	(v2sf) =	vpush v0, $0xF;
	_ =	sdelay $0x1  }
0x3d6: {  	s14 =	smov.u32 @p0 s9;
	s9 =	sxor.u32 $0x80000000, s29  }
0x3d7: {  	p0 =	slt.s32 s14, s9  }
0x3d8: {  	s9 =	smov.u32 @p0 s14;
	s10 =	sxor.u32 $0x80000000, s30  }
0x3d9: {  	p0 =	slt.s32 s9, s10;
	v1 =	vimm.s32 $0x0;
	vm0 =	veq.s32 v3, $0x0  }
0x3da: {  	s10 =	smov.u32 @p0 s9;
	s9 =	sxor.u32 $0x80000000, s19;
	v3 =	vsel vm0, $0x1, v1  }
0x3db: {  	s29 =	simm.s32 $0x10;
	s21 =	spop (v2sf);
	p0 =	slt.s32 s10, s9;
	(xrf0) =	vadd.scan.msk.s32 $0xffff, v3  }
0x3dc: {  	s9 =	smov.u32 @p0 s10;
	s10 =	sxor.u32 $0x80000000, s21;
	s22 =	spop (v2sf)  }
0x3dd: {  	v4 =	vld [tilespmem:s29+$0xC00];
	p0 =	slt.s32 s9, s10;
	s11 =	spop (v2sf)  }
0x3de: {  	s10 =	smov.u32 @p0 s9;
	s9 =	sxor.u32 $0x80000000, s11  }
0x3df: {  	p0 =	slt.s32 s10, s9;
	s23 =	spop (v2sf)  }
0x3e0: {  	s9 =	smov.u32 @p0 s10;
	s10 =	sxor.u32 $0x80000000, s23  }
0x3e1: {  	v6, _, _ =	vpop (xrf0);
	s24 =	spop (v2sf);
	p0 =	slt.s32 s9, s10  }
0x3e2: {  	v5 =	vld [tilespmem:s28+$0x1000];
	vm1 =	veq.s32 v4, $0x0;
	(v2sf) =	vpush v6, $0xF;
	s11 =	sxor.u32 $0x80000000, s24;
	s10 =	smov.u32 @p0 s9  }
0x3e3: {  	v4 =	vsel vm1, $0x1, v1;
	p0 =	slt.s32 s10, s11;
	s25 =	spop (v2sf)  }
0x3e4: {  	s30 =	simm.s32 $0x20;
	(xrf0) =	vadd.scan.msk.s32 $0xffff, v4;
	s11 =	smov.u32 @p0 s10;
	s9 =	sxor.u32 $0x80000000, s25  }
0x3e5: {  	v7 =	vld [tilespmem:s30+$0xC00];
	p0 =	slt.s32 s11, s9  }
0x3e6: {  	s26 =	sshll.u32 s12, $0x8;
	v8 =	vld [tilespmem:s29+$0x1000];
	s9 =	smov.u32 @p0 s11  }
0x3e7: {  	v5 =	vxor.u32 $0x80000000, v5;
	s9 =	sor.u32 s26, s9  }
0x3e8: {  	vm0 =	vmmov vm0;
	s9 =	sxor.u32 $0x80000000, s9  }
0x3e9: {  	s31 =	simm.s32 $0x30;
	v9 =	vld [tilespmem:s30+$0x1000];
	vm1 =	vmmov vm1;
	vm0 =	vmmov vm0;
	v0 =	vmov s9  }
0x3ea: {  	vm3 =	veq.s32 v7, $0x0;
	v3 =	vsub.s32 v6, v3;
	v6 =	vld [tilespmem:s31+$0xC00];
	vm2 =	vlt.s32 v5, v0;
	v5, _, _ =	vpop (xrf0)  }
0x3eb: {  	v7 =	vxor.u32 $0x80000000, v8;
	v8 =	vsel vm3, $0x1, v1;
	(v2sf) =	vpush v5, $0xF  }
0x3ec: {  	s17 =	sadd.s32 $0x0, s8;
	v2 =	vlaneseq.u32;
	vm1 =	vmmov vm1;
	vm0 =	vmmov vm0;
	(xrf0) =	vadd.scan.msk.s32 $0xffff, v8  }
0x3ed: {  	s18 =	sadd.s32 s6, s7;
	vm1 =	vmmov vm1;
	v3 =	vadd.s32 s17, v3;
	vm4 =	vlt.s32 v7, v0;
	v7 =	vld [tilespmem:s28+$0x0]  }
0x3ee: {  	v10 =	vsub.s32 s18, v3;
	v4 =	vsub.s32 v5, v4;
	v5 =	vxor.u32 $0x80000000, v9;
	v9 =	vld [tilespmem:s28+$0x400]  }
0x3ef: {  	vm6 =	veq.s32 v6, $0x0;
	v6 =	vadd.s32 v2, v10;
	vm2 =	vmmov vm2  }
0x3f0: {  	v11 =	vsel vm6, $0x1, v1;
	s11 =	simm.s32 $0x40;
	vm2 =	vmmov vm2;
	vm5 =	vlt.s32 v5, v0;
	v5 =	vld [tilespmem:s31+$0x1000]  }
0x3f1: {  	v3 =	vsel vm0, v3, v6;
	v6 =	vld [tilespmem:s11+$0xC00];
	s19 =	spop (v2sf);
	vm4 =	vmmov vm4;
	(xrf0) =	vadd.scan.msk.s32 $0xffff, v11;
	vm2 =	vmmov vm2  }
0x3f2: {  	vm0 =	vlt.s32 v3, $0x666;
	s15 =	sadd.s32 $0x0, s19;
	vm4 =	vmmov vm4;
	v7 =	vnsel vm2, $0x0, v7;
	v10, _, _ =	vpop (xrf0)  }
0x3f3: {  	s20 =	sadd.s32 $0x10, s7;
	s21 =	sadd.s32 s8, s15;
	(xrf2) =	vadd.scan.msk.f32 $0xffff, v7;
	v3 =	vnsel vm0, $0x0, v9;
	(v2sf) =	vpush v10, $0xF;
	v8 =	vsub.s32 v10, v8;
	v10 =	vld [tilespmem:s29+$0x0]  }
0x3f4: {  	s22 =	sadd.s32 s6, s20;
	vm5 =	vmmov vm5;
	v7 =	vsel vm2, $0x1, v1;
	(xrf2) =	vadd.scan.msk.f32 $0xffff, v3;
	v3 =	vadd.s32 s21, v4  }
0x3f5: {  	vm2 =	vmmov vm5;
	v5 =	vxor.u32 $0x80000000, v5;
	v4 =	vld [tilespmem:s29+$0x400];
	v9 =	vsub.s32 s22, v3  }
0x3f6: {  	vm5 =	veq.s32 v6, $0x0;
	vm7 =	vlt.s32 v5, v0;
	v5 =	vld [tilespmem:s11+$0x1000];
	v6 =	vadd.s32 v2, v9  }
0x3f7: {  	vm4 =	vmmov vm4;
	(xrf0) =	vadd.scan.msk.s32 $0xffff, v7;
	v7, _, _ =	vpop (xrf0);
	v3 =	vsel vm1, v3, v6  }
0x3f8: {  	s7 =	simm.s32 $0x50;
	(v2sf) =	vpush v7, $0xF;
	v9 =	vnsel vm4, $0x0, v10;
	v10 =	vsel vm5, $0x1, v1  }
0x3f9: {  	vm3 =	vmmov vm3;
	vm1 =	vlt.s32 v3, $0x666;
	v3 =	vld [tilespmem:s7+$0xC00];
	(xrf0) =	vadd.scan.msk.s32 $0xffff, v10  }
0x3fa: {  	vm8 =	vmmov vm3;
	vm0 =	vmmov vm6;
	v4 =	vnsel vm1, $0x0, v4;
	(xrf2) =	vadd.scan.msk.f32 $0xffff, v9;
	s23 =	spop (v2sf)  }
0x3fb: {  	vm3 =	vmmov vm7;
	vm7 =	vmmov vm8;
	v6 =	vld [tilespmem:s30+$0x0];
	v5 =	vxor.u32 $0x80000000, v5;
	(xrf2) =	vadd.scan.msk.f32 $0xffff, v4;
	s14 =	sadd.s32 s15, s23  }
0x3fc: {  	s24 =	sadd.s32 $0x10, s20;
	v7 =	vsub.s32 v7, v11;
	vm6 =	vlt.s32 v5, v0;
	v5 =	vsel vm4, $0x1, v1;
	s25 =	sadd.s32 s8, s14  }
0x3fd: {  	s26 =	sadd.s32 s6, s24;
	vm4 =	vmmov vm2;
	vm2 =	vmmov vm3;
	v4, _, _ =	vpop (xrf0);
	(xrf0) =	vadd.scan.msk.s32 $0xffff, v5;
	v8 =	vadd.s32 s25, v8  }
0x3fe: {  	v9 =	vld [tilespmem:s7+$0x1000];
	vm3 =	vmmov vm6;
	vm6 =	veq.s32 v3, $0x0;
	v11 =	vsub.s32 s26, v8  }
0x3ff: {  	v13, _, _ =	vpop (xrf2);
	(v2sf) =	vpush v4, $0xF;
	v4 =	vadd.s32 v2, v11;
	v11 =	vsel vm6, $0x1, v1  }
0x400: {  	s13 =	simm.s32 $0x60;
	v12 =	vld [tilespmem:s30+$0x400];
	vm1 =	vmmov vm0;
	v3 =	vnsel vm4, $0x0, v6;
	v6, _, _ =	vpop (xrf0);
	v4 =	vsel vm7, v8, v4;
	(xrf0) =	vadd.scan.msk.s32 $0xffff, v11  }
0x401: {  	vm0 =	vmmov vm5;
	(v2sf) =	vpush v13, $0xF;
	v5, _, _ =	vpop (xrf2);
	vm5 =	vlt.s32 v4, $0x666;
	v4 =	vld [tilespmem:s13+$0xC00]  }
0x402: {  	(xrf2) =	vadd.scan.msk.f32 $0xffff, v3;
	(v2sf) =	vpush v5, $0xF  }
0x403: {  	v5 =	vxor.u32 $0x80000000, v9;
	v3 =	vsub.s32 v6, v10;
	(v2sf) =	vpush v6, $0xF;
	v10, _, _ =	vpop (xrf0)  }
0x404: {  	v9 =	vld [tilespmem:s13+$0x1000];
	v6 =	vsel vm4, $0x1, v1;
	vm4 =	vmmov vm2;
	s28 =	spop (v2sf);
	(v2sf) =	vpush v10, $0xF;
	v61, _, _ =	vpop (xrf2)  }
0x405: {  	vm2 =	vmmov vm3;
	v8 =	vld [tilespmem:s31+$0x0];
	vm7 =	vlt.s32 v5, v0;
	s16 =	sadd.s32 s14, s28;
	(v2sf) =	vpush v61, $0xF;
	v63, _, _ =	vpop (xrf2)  }
0x406: {  	s29 =	sadd.s32 $0x10, s24;
	v5 =	vnsel vm5, $0x0, v12;
	s14 =	sadd.s32 s8, s16;
	(v2sf) =	vpush v63, $0xF;
	vm3 =	veq.s32 v4, $0x0;
	v4, _, _ =	vpop (xrf0)  }
0x407: {  	v62 =	vld [tilespmem:s31+$0x400];
	s30 =	sadd.s32 s6, s29;
	v7 =	vadd.s32 s14, v7;
	(xrf2) =	vadd.scan.msk.f32 $0xffff, v5;
	s31 =	spop (v2sf);
	(v2sf) =	vpush v4, $0xF  }
0x408: {  	vm8 =	vmmov vm1;
	vm1 =	vmmov vm6;
	v10 =	vsub.s32 s30, v7;
	(xrf0) =	vadd.scan.msk.s32 $0xffff, v6  }
0x409: {  	v9 =	vxor.u32 $0x80000000, v9;
	vm5 =	vmmov vm0;
	v10 =	vadd.s32 v2, v10  }
0x40a: {  	s12 =	simm.f32 $0.0e+00;
	vm0 =	vmmov vm7;
	s14 =	simm.s32 $0x70;
	v8 =	vnsel vm4, $0x0, v8;
	v7 =	vsel vm8, v7, v10  }
0x40b: {  	s10 =	simm.f32 $0.0e+00;
	s9 =	simm.s32 $0x0;
	vm6 =	vlt.s32 v9, v0;
	s17 =	sadd.s32 s16, s31;
	(xrf2) =	vadd.scan.msk.f32 $0xffff, v8;
	v8 =	vld [tilespmem:s14+$0xC00];
	v5 =	vsel vm3, $0x1, v1;
	vm7 =	vlt.s32 v7, $0x666  }
0x40c: {  	s22 =	sadd.s32 $0x10, s29;
	s15 =	simm.s32 $0x200;
	vm5 =	vmmov vm5;
	s24 =	sadd.s32 s8, s17;
	v9, _, _ =	vpop (xrf2);
	v6 =	vsub.s32 v4, v11;
	v4 =	vld [tilespmem:s11+$0x0];
	(xrf0) =	vadd.scan.msk.s32 $0xffff, v5;
	v7 =	vnsel vm7, $0x0, v62  }
.LBB2_39:
0x40d: {  	p0 =	sne.s32 s15, $0xFC0;
	v11 =	vsel vm4, $0x1, v1;
	vm7 =	vmmov vm1;
	vm1 =	vmmov vm3  }
0x40e: {  	v10 =	vld [tilespmem:s14+$0x1000];
	v12, _, _ =	vpop (xrf0);
	s16 =	spop (v2sf);
	vm4 =	vmmov vm2;
	vm2 =	vmmov vm0;
	vm0 =	vmmov vm6;
	s18 =	smov.u32 s15;
	s15 =	sadd.s32 $0x40, s15  }
0x40f: {  	v13 =	vadd.s32 s24, v3;
	s19 =	sadd.s32 s6, s22;
	v3 =	vmovc v6;
	(xrf2) =	vadd.scan.msk.f32 $0xffff, v7;
	(v2sf) =	vpush v12, $0xF;
	s9 =	sadd.s32 s9, s16  }
0x410: {  	s16 =	spop (v2sf)  }
0x411: {  	v12 =	vsub.s32 s19, v13;
	v7 =	vld [tilespmem:s11+$0x400];
	(xrf0) =	vadd.scan.msk.s32 $0xffff, v11;
	s11 =	smov.u32 s7;
	s7 =	smov.u32 s13;
	s10 =	sadd.f32 s16, s10  }
.Ltmp20:
0x412: {  	v11 =	vadd.s32 v2, v12;
	(v2sf) =	vpush v9, $0xF;
	v6, _, _ =	vpop (xrf2);
	s13 =	spop (v2sf);
	(pc) =	sbr.rel @p0 .LBB2_39-.Ltmp20, $4  }
0x413: {  	v4 =	vnsel vm4, $0x0, v4;
	vm3 =	veq.s32 v8, $0x0;
	v8, _, _ =	vpop (xrf0);
	(v2sf) =	vpush v6, $0xF;
	s12 =	sadd.f32 s13, s12;
	s13 =	smov.u32 s14  }
0x414: {  	v11 =	vsel vm5, v13, v11;
	v6 =	vsub.s32 v8, v5;
	v5 =	vsel vm3, $0x1, v1;
	(xrf2) =	vadd.scan.msk.f32 $0xffff, v4;
	s16 =	spop (v2sf)  }
0x415: {  	s22 =	sadd.s32 $0x10, s22;
	s14 =	sshra.s32 s18, $0x2;
	vm5 =	vlt.s32 v11, $0x666;
	v10 =	vxor.u32 $0x80000000, v10;
	(xrf0) =	vadd.scan.msk.s32 $0xffff, v5;
	(v2sf) =	vpush v8, $0xF;
	v4 =	vld [tilespmem:s11+$0x0];
	s17 =	sadd.s32 s17, s16  }
0x416: {  	vm6 =	vlt.s32 v10, v0;
	v8 =	vld [tilespmem:s14+$0xC00];
	s24 =	sadd.s32 s8, s17;
	v7 =	vnsel vm5, $0x0, v7;
	v9, _, _ =	vpop (xrf2);
	vm5 =	vmmov vm7  }
0x417: {  	_ = 	snop  }
0x418: {  	v10, _, _ =	vpop (xrf0)  }
0x419: {  	(v2sf) =	vpush v10, $0xF  }
0x41a: {  	(v2sf) =	vpush v9, $0xF;
	v43, _, _ =	vpop (xrf2)  }
0x41b: {  	(v2sf) =	vpush v43, $0xF;
	v44, _, _ =	vpop (xrf0)  }
0x41c: {  	(v2sf) =	vpush v44, $0xF;
	_ =	sdelay $0x2  }
0x41d: {  	v45 =	vsel vm4, $0x1, v1  }
0x41e: {  	s15 =	spop (v2sf);
	(xrf0) =	vadd.scan.msk.s32 $0xffff, v45  }
0x41f: {  	s26 =	sadd.s32 s6, s22;
	v3 =	vadd.s32 s24, v3;
	vm1 =	vmmov vm1;
	vm3 =	vmmov vm3;
	s18 =	spop (v2sf)  }
0x420: {  	vm2 =	vmmov vm2;
	vm0 =	vmmov vm0;
	v11 =	vsub.s32 s26, v3;
	s19 =	spop (v2sf)  }
0x421: {  	v46 =	vld [tilespmem:s11+$0x400];
	vm10 =	vmmov vm6;
	vm1 =	vmmov vm1;
	v11 =	vadd.s32 v2, v11;
	s23 =	spop (v2sf)  }
0x422: {  	v13 =	vld [tilespmem:s14+$0x1000];
	v50 =	vsel vm2, $0x1, v1;
	v3 =	vsel vm5, v3, v11;
	vm9 =	veq.s32 v8, $0x0;
	s16 =	spop (v2sf)  }
0x423: {  	v48 =	vld [tilespmem:s7+$0x0];
	vm12 =	vmmov vm3;
	vm0 =	vmmov vm0;
	v8 =	vsel vm9, $0x1, v1;
	s20 =	spop (v2sf)  }
0x424: {  	vm14 =	vmmov vm10;
	v56 =	vsel vm0, $0x1, v1;
	v4 =	vnsel vm2, $0x0, v4;
	s23 =	sadd.s32 s17, s23;
	(xrf0) =	vadd.scan.msk.s32 $0xffff, v8;
	v47, _, _ =	vpop (xrf0);
	s21 =	spop (v2sf)  }
0x425: {  	s28 =	sadd.s32 $0x10, s22;
	vm2 =	vmmov vm12;
	vm5 =	vlt.s32 v3, $0x666;
	s29 =	sadd.s32 s8, s23;
	v3, _, _ =	vpop (xrf2);
	(v2sf) =	vpush v47, $0xF;
	s25 =	spop (v2sf)  }
0x426: {  	(xrf2) =	vadd.scan.msk.f32 $0xffff, v7;
	s30 =	sadd.s32 s6, s28;
	v5 =	vsub.s32 v44, v5;
	v6 =	vadd.s32 s29, v6;
	(v2sf) =	vpush v3, $0xF;
	v3 =	vld [tilespmem:s7+$0x400];
	s17 =	spop (v2sf)  }
0x427: {  	v9 =	vnsel vm5, $0x0, v46;
	v49 =	vxor.u32 $0x80000000, v13;
	v12 =	vsub.s32 s30, v6;
	s25 =	sadd.s32 s23, s25;
	s22 =	spop (v2sf)  }
0x428: {  	s11 =	sadd.s32 $0x10, s28;
	(xrf2) =	vadd.scan.msk.f32 $0xffff, v4;
	vm13 =	vmmov vm9;
	v55 =	vnsel vm0, $0x0, v48;
	v51 =	vadd.s32 v2, v12;
	s31 =	sadd.s32 s8, s25;
	s23 =	spop (v2sf)  }
0x429: {  	v53 =	vld [tilespmem:s13+$0x0];
	vm11 =	vlt.s32 v49, v0;
	(xrf2) =	vadd.scan.msk.f32 $0xffff, v9;
	v52 =	vsel vm1, v6, v51;
	v5 =	vadd.s32 s31, v5;
	s31 =	sadd.s32 s6, s11;
	s29 =	spop (v2sf)  }
0x42a: {  	v54 =	vld [tilespmem:s13+$0x400];
	vm9 =	vmmov vm13;
	(xrf0) =	vadd.scan.msk.s32 $0xffff, v50;
	vm8 =	vlt.s32 v52, $0x666;
	v14, _, _ =	vpop (xrf0);
	v15 =	vsub.s32 s31, v5;
	s30 =	sadd.s32 s25, s29  }
0x42b: {  	s28 =	sadd.s32 $0x10, s11;
	(xrf2) =	vadd.scan.msk.f32 $0xffff, v55;
	v8 =	vsub.s32 v14, v8;
	v3 =	vnsel vm8, $0x0, v3;
	v57 =	vadd.s32 v2, v15;
	s26 =	sadd.s32 s8, s30  }
0x42c: {  	v58 =	vld [tilespmem:s14+$0x0];
	vm15 =	vmmov vm11;
	(xrf2) =	vadd.scan.msk.f32 $0xffff, v3;
	v3 =	vsel vm2, v5, v57;
	s29 =	sadd.s32 s6, s28;
	v8 =	vadd.s32 s26, v8  }
0x42d: {  	v59 =	vld [tilespmem:s14+$0x400];
	vm1 =	vmmov vm14;
	vm2 =	vlt.s32 v3, $0x666;
	v3 =	vsub.s32 s29, v8  }
0x42e: {  	vm0 =	vmmov vm9;
	(xrf0) =	vadd.scan.msk.s32 $0xffff, v56;
	v60 =	vnsel vm1, $0x0, v53;
	v2 =	vadd.s32 v2, v3  }
0x42f: {  	vm10 =	vmmov vm15;
	(xrf2) =	vadd.scan.msk.f32 $0xffff, v60;
	v61 =	vnsel vm2, $0x0, v54;
	v2 =	vsel vm0, v8, v2  }
0x430: {  	vm11 =	vmmov vm10;
	v62 =	vsel vm1, $0x1, v1;
	(xrf2) =	vadd.scan.msk.f32 $0xffff, v61;
	v3, _, _ =	vpop (xrf2)  }
0x431: {  	(xrf0) =	vadd.scan.msk.s32 $0xffff, v62;
	vm0 =	vlt.s32 v2, $0x666;
	(v2sf) =	vpush v3, $0xF;
	v3 =	vnsel vm11, $0x0, v58  }
0x432: {  	v2, _, _ =	vpop (xrf0);
	(v2sf) =	vpush v14, $0xF;
	(xrf2) =	vadd.scan.msk.f32 $0xffff, v3;
	v3 =	vnsel vm0, $0x0, v59  }
0x433: {  	v1 =	vsel vm11, $0x1, v1;
	v63, _, _ =	vpop (xrf2);
	(v2sf) =	vpush v2, $0xF;
	(xrf2) =	vadd.scan.msk.f32 $0xffff, v3  }
0x434: {  	v2, _, _ =	vpop (xrf2);
	(v2sf) =	vpush v63, $0xF  }
0x435: {  	(xrf0) =	vadd.scan.msk.s32 $0xffff, v1;
	(v2sf) =	vpush v2, $0xF;
	v2, _, _ =	vpop (xrf0)  }
0x436: {  	v1, _, _ =	vpop (xrf2);
	(v2sf) =	vpush v2, $0xF  }
0x437: {  	v2, _, _ =	vpop (xrf2);
	(v2sf) =	vpush v1, $0xF  }
0x438: {  	v1, _, _ =	vpop (xrf0);
	(v2sf) =	vpush v2, $0xF  }
0x439: {  	v2, _, _ =	vpop (xrf2);
	(v2sf) =	vpush v1, $0xF  }
0x43a: {  	v1, _, _ =	vpop (xrf2);
	(v2sf) =	vpush v2, $0xF  }
0x43b: {  	(v2sf) =	vpush v1, $0xF;
	v1, _, _ =	vpop (xrf0)  }
0x43c: {  	v2, _, _ =	vpop (xrf2);
	(v2sf) =	vpush v1, $0xF  }
0x43d: {  	(v2sf) =	vpush v2, $0xF;
	v1, _, _ =	vpop (xrf2)  }
0x43e: {  	s30 =	spop (v2sf);
	(v2sf) =	vpush v1, $0xF  }
0x43f: {  	s31 =	spop (v2sf)  }
0x440: {  	s13 =	sadd.f32 s19, s12;
	s14 =	spop (v2sf)  }
0x441: {  	s10 =	sadd.f32 s18, s10;
	s18 =	spop (v2sf)  }
0x442: {  	s8 =	sadd.f32 s21, s13;
	s12 =	spop (v2sf)  }
0x443: {  	s10 =	sadd.f32 s20, s10;
	s19 =	spop (v2sf)  }
0x444: {  	s8 =	sadd.f32 s23, s8;
	s20 =	spop (v2sf)  }
0x445: {  	s10 =	sadd.f32 s22, s10;
	s21 =	spop (v2sf)  }
0x446: {  	s8 =	sadd.f32 s14, s8;
	s22 =	spop (v2sf)  }
0x447: {  	s7 =	sadd.f32 s31, s10;
	s23 =	spop (v2sf)  }
0x448: {  	s9 =	sadd.s32 s9, s15;
	s8 =	sadd.f32 s20, s8;
	s24 =	spop (v2sf)  }
0x449: {  	s9 =	sadd.s32 s9, s16;
	s7 =	sadd.f32 s19, s7;
	s25 =	spop (v2sf)  }
0x44a: {  	s9 =	sadd.s32 s9, s17;
	s8 =	sadd.f32 s23, s8;
	s26 =	spop (v2sf)  }
0x44b: {  	s6 =	sadd.s32 s9, s30;
	s7 =	sadd.f32 s22, s7;
	s28 =	spop (v2sf)  }
0x44c: {  	s6 =	sadd.s32 s6, s12;
	s8 =	sadd.f32 s26, s8;
	s29 =	spop (v2sf)  }
0x44d: {  	s6 =	sadd.s32 s6, s21;
	s7 =	sadd.f32 s25, s7;
	s30 =	spop (v2sf)  }
0x44e: {  	s6 =	sadd.s32 s6, s24;
	s8 =	sadd.f32 s30, s8  }
0x44f: {  	vm12 =	vcmask $0x704;
	v1 =	vmov s5;
	s6 =	sadd.s32 s6, s28;
	s7 =	sadd.f32 s29, s7  }
0x450: {  	vm13 =	vcmask $0xB08;
	s31 =	scvt.s32.f32 s6;
	v1 =	vsel vm12, s8, v1  }
0x451: {  	vm14 =	vcmask $0xF0C;
	v1 =	vsel vm13, s7, v1  }
0x452: {  	vm15 =	vmmov $0xf;
	v1 =	vsel vm14, s31, v1  }
0x453: {  	v1 =	vnsel vm15, $0x0, v1  }
0x454: {  	s5 =	simm.s32 $0x2600;
	[tilespmem:$0x2600] =	vst v1  }
0x455: {  	[spmem:s4] =	stream.linear.scatter [tilespmem:s5], [sflag:$0x1], $0x10, $0x38;
	[tilespmem:$0x2790] =	vst v63  }
0x456: {  	p0 =	sne.s32 s2, $0x0;
	s4 =	simm.s32 $0x1  }
.Ltmp21:
0x457: {  	_ =	swait.ge [sflag:s4], $0x10;
	(pc) =	sbr.rel @p0 .LBB2_42-.Ltmp21, $3  }
0x458: {  	[sflag:s4] =	ssyncset.done $0x0  }
0x459: {  	[sflag:s4] =	ssyncadd.s32 $0xFFFFFFF0  }
0x45a: {  	[bflag:$0x0] =	sbarrier.arrive $0xFFFF;
	_ =	sdelay $0x1  }
0x45b: {  	s6 =	simm.s32 $0x2500  }
0x45c: {  	[tilespmem:s6], [sflag:$0x1] =	stream.linear.gather [spmem:s3], $0x100, $0x38;
	[tilespmem:$0x2790] =	vst v63  }
0x45d: {  	_ =	swait.ge [sflag:s4], $0x100  }
0x45e: {  	[sflag:s4] =	ssyncset.done $0x0  }
0x45f: {  	[sflag:s4] =	ssyncadd.s32 $0xFFFFFF00  }
0x460: {  	v1 =	vld [tilespmem:$0x2500];
	_ =	sdelay $0x1  }
0x461: {  	v2 =	vld [tilespmem:$0x2510];
	_ =	sdelay $0x1  }
0x462: {  	v3 =	vld [tilespmem:$0x2520]  }
0x463: {  	v1 =	vadd.f32 $0.0e+00, v1  }
0x464: {  	v4 =	vld [tilespmem:$0x2530]  }
0x465: {  	v1 =	vadd.f32 v2, v1  }
0x466: {  	v50 =	vld [tilespmem:$0x2540]  }
0x467: {  	v1 =	vadd.f32 v3, v1  }
0x468: {  	v51 =	vld [tilespmem:$0x2550]  }
0x469: {  	v1 =	vadd.f32 v4, v1  }
0x46a: {  	v52 =	vld [tilespmem:$0x2560]  }
0x46b: {  	v1 =	vadd.f32 v50, v1  }
0x46c: {  	v53 =	vld [tilespmem:$0x2570]  }
0x46d: {  	v1 =	vadd.f32 v51, v1  }
0x46e: {  	v54 =	vld [tilespmem:$0x2580]  }
0x46f: {  	v1 =	vadd.f32 v52, v1  }
0x470: {  	v55 =	vld [tilespmem:$0x2590]  }
0x471: {  	v1 =	vadd.f32 v53, v1  }
0x472: {  	v56 =	vld [tilespmem:$0x25A0]  }
0x473: {  	v1 =	vadd.f32 v54, v1  }
0x474: {  	v57 =	vld [tilespmem:$0x25B0]  }
0x475: {  	v1 =	vadd.f32 v55, v1  }
0x476: {  	v58 =	vld [tilespmem:$0x25C0]  }
0x477: {  	v1 =	vadd.f32 v56, v1  }
0x478: {  	v59 =	vld [tilespmem:$0x25D0]  }
0x479: {  	v1 =	vadd.f32 v57, v1  }
0x47a: {  	v60 =	vld [tilespmem:$0x25E0]  }
0x47b: {  	v1 =	vadd.f32 v58, v1  }
0x47c: {  	v61 =	vld [tilespmem:$0x25F0]  }
0x47d: {  	v1 =	vadd.f32 v59, v1;
	_ =	sdelay $0x1  }
0x47e: {  	v1 =	vadd.f32 v60, v1;
	_ =	sdelay $0x1  }
0x47f: {  	v1 =	vadd.f32 v61, v1;
	_ =	sdelay $0x1  }
0x480: {  	(v2sf) =	vpush v1, $0x0  }
0x481: {  	(v2sf) =	vpush v1, $0x1  }
0x482: {  	(v2sf) =	vpush v1, $0x2  }
0x483: {  	vm0 =	vlt.s32 v0, $0x0;
	v62 =	vxor.u32 $0x7FFFFFFF, v0;
	(v2sf) =	vpush v1, $0x3  }
0x484: {  	v0 =	vsel vm0, v62, v0  }
0x485: {  	(v2sf) =	vpush v0, $0x0;
	_ =	sdelay $0x9  }
0x486: {  	s28 =	spop (v2sf)  }
0x487: {  	s29 =	spop (v2sf)  }
0x488: {  	s7 =	spop (v2sf)  }
0x489: {  	s8 =	spop (v2sf)  }
0x48a: {  	s8 =	ssub.f32 $1.638000000e+03, s8  }
0x48b: {  	s9 =	spop (v2sf)  }
0x48c: {  	s3 =	sadd.f32 s7, s28;
	s30 =	smul.f32 s8, s9  }
0x48d: {  	_ = 	snop  }
0x48e: {  	s3 =	sadd.f32 s30, s3;
	_ =	sdelay $0x1  }
0x48f: {  	s3 =	ssub.f32 s3, s29;
	_ =	sdelay $0x1  }
0x490: {  	s3 =	smul.f32 $6.103515630e-05, s3;
	_ =	sdelay $0x1  }
0x491: {  	v63 =	vmov s3  }
0x492: {  	s31 =	simm.s32 $0x0;
	[tilespmem:$0x2600] =	vst v63  }
0x493: {  	[hbm4b:s1+s31] =	stream.linear.scatter [tilespmem:s5], [sflag:$0x1], $0x10, $0x38;
	[tilespmem:$0x2790] =	vst v63  }
0x494: {  	_ =	swait.ge [sflag:s4], $0x10  }
0x495: {  	[sflag:s4] =	ssyncset.done $0x0  }
0x496: {  	[sflag:s4] =	ssyncadd.s32 $0xFFFFFFF0  }
.LBB2_42:
0x497: {  	_ =	sfence.sel $0x180000  }
0x498: {  	[bflag:$0x0] =	sbarrier.arrive $0xFFFF  }
0x499: {  	p0 =	sne.s32 s2, $0x0;
	_ =	strace $0x90000047  }
0x49a: {  	s0 =	sadd.s32 @!p0 $0x100000, s0;
	[bflag:$0x2] =	sbarrier.arrive $0xFFFF  }
0x49b: {  	[sflag:s0] =	ssyncadd.tile.s32 @!p0 $0x1;
	_ =	shalt  }
.LBB2_8:
.Ltmp22:
0x49c: {  	(pc) =	sbr.rel .LBB2_12-.Ltmp22, $2  }
0x49d: {  	_ =	sdelay $0x2  }
0x49e: {  	s15 =	simm.s32 $0x1400  }
.LBB2_10:
.Ltmp23:
0x49f: {  	(pc) =	sbr.rel .LBB2_12-.Ltmp23, $2  }
0x4a0: {  	_ =	sdelay $0x2  }
0x4a1: {  	s15 =	simm.s32 $0x1400  }
.Lfunc_end2:
_tile_overlayer_lowered:
.L_overlay_start_2:
0x4a2: {  	(tag) =	ssettag $0x2  }
0x4a3: {  	s0 =	rddreg [dreg:$0x0];
	s2 =	stileid.u32  }
0x4a4: {  	s1 =	rddreg [dreg:$0x1];
	p0 =	sne.s32 s2, $0x0  }
0x4a5: {  	s3 =	rddreg [dreg:$0x2];
	[bflag:$0x3] =	sbarrier.arrive $0xFFFF;
	s2 =	simm.s32 @!p0 $0x1C01  }
0x4a6: {  	[timem:s3], [sflag:s2] =	dma.local @!p0 [hbm:s0], s1  }
0x4a7: {  	s0 =	simm.s32 @!p0 $0x1  }
0x4a8: {  	_ =	swait.ge @!p0 [sflag:s0], s1  }
0x4a9: {  	s1 =	ssub.s32 @!p0 $0x0, s1;
	[sflag:s0] =	ssyncset.done @!p0 $0x0  }
0x4aa: {  	[sflag:s0] =	ssyncadd.s32 @!p0 s1  }
0x4ab: {  	[bflag:$0x3] =	sbarrier.arrive $0xFFFF  }
0x4ac: {  	_ =	shalt  }

</sc_bundles>
